<compile_context>
chip_gen: v7x
topology: tpu7x:2x2x1
jax: 0.10.2.dev20260603
libtpu: 0.0.44.dev20260713+nightly
codegen_flags: <defaults>
</compile_context>

<pallas_src>
import functools

import jax
import jax.numpy as jnp
from jax import lax
from jax.experimental import pallas as pl
from jax.experimental.pallas import tpu as pltpu
from jax.experimental.pallas import tpu_sc as plsc


def _sc_scale_copy(seq_len, dim, scale):
    info = plsc.get_sparse_core_info()
    nc, ns, lanes = info.num_cores, info.num_subcores, info.num_lanes
    nw = nc * ns
    rows_per_w = seq_len // nw
    assert rows_per_w * nw == seq_len
    chunk_rows = 8
    assert rows_per_w % chunk_rows == 0
    n_chunks = rows_per_w // chunk_rows
    nbuf = 14
    ahead = 8
    col_groups = dim // lanes

    mesh = plsc.VectorSubcoreMesh(core_axis_name="c", subcore_axis_name="s")

    @functools.partial(
        pl.kernel,
        mesh=mesh,
        out_type=jax.ShapeDtypeStruct((seq_len, dim), jnp.float32),
        scratch_types=(
            [pltpu.VMEM((chunk_rows, dim), jnp.float32) for _ in range(nbuf)]
            + [pltpu.SemaphoreType.DMA for _ in range(2 * nbuf)]
        ),
    )
    def sck(emb_hbm, out_hbm, *scratch):
        bufs = scratch[:nbuf]
        in_sems = scratch[nbuf : 2 * nbuf]
        out_sems = scratch[2 * nbuf :]
        wid = lax.axis_index("s") * nc + lax.axis_index("c")
        base = wid * rows_per_w

        cg_shift = col_groups.bit_length() - 1
        assert col_groups == 1 << cg_shift

        def scale_buf(buf):
            @plsc.parallel_loop(0, chunk_rows * col_groups, 1, unroll=4)
            def _(i):
                r = i >> cg_shift
                c = (i & (col_groups - 1)) * lanes
                sl = pl.ds(c, lanes)
                buf[r, sl] = buf[r, sl] * scale

        def fire_in(g):
            b = g % nbuf
            return pltpu.async_copy(
                emb_hbm.at[pl.ds(base + g * chunk_rows, chunk_rows), :],
                bufs[b],
                in_sems[b],
            )

        def fire_out(g):
            b = g % nbuf
            return pltpu.async_copy(
                bufs[b],
                out_hbm.at[pl.ds(base + g * chunk_rows, chunk_rows), :],
                out_sems[b],
            )

        pending_out = [None] * nbuf
        pending_in = [None] * nbuf
        for g in range(min(ahead, n_chunks)):
            pending_in[g % nbuf] = fire_in(g)
        for g in range(n_chunks):
            b = g % nbuf
            if g + ahead < n_chunks:
                fb = (g + ahead) % nbuf
                if pending_out[fb] is not None:
                    pending_out[fb].wait()
                    pending_out[fb] = None
                pending_in[fb] = fire_in(g + ahead)
            pending_in[b].wait()
            pending_in[b] = None
            scale_buf(bufs[b])
            pending_out[b] = fire_out(g)
        for p in pending_out:
            if p is not None:
                p.wait()

    return sck


def kernel(x, emb):
    seq_len = x.shape[1]
    dim = emb.shape[1]
    scale = dim ** (-0.5)
    sck = _sc_scale_copy(seq_len, dim, scale)
    return sck(emb[:seq_len])

# --- scband reference (transcript-rebuilt; emitter-appended) ---
"""Pipeline reference for scband-absolute-positional-embedding-54382875902025 (READ-ONLY COPY).

The authoritative reference and input builder live on the scoring server;
editing this copy changes nothing except your own understanding.
"""

import jax, jax.numpy as jnp
import numpy as np


def setup_inputs(seed: int = 0) -> dict:
    key = jax.random.key(seed)
    k1, k2 = jax.random.split(key)
    x = jax.random.normal(k1, (4, 8192, 1024), dtype=jnp.float32)
    # learned positional embedding table sized per init_kwargs (max_seq_len=8192, dim=1024)
    emb = jax.random.normal(k2, (8192, 1024), dtype=jnp.float32)
    return {"x": x, "emb": emb}


def reference(x, emb):
    dim = emb.shape[1]
    scale = dim ** (-0.5)
    seq_len = x.shape[1]
    assert seq_len <= emb.shape[0]
    pos = jnp.arange(seq_len)
    pos_emb = jnp.take(emb, pos, axis=0)
    pos_emb = pos_emb * scale
    return pos_emb

if __name__ == "__main__":
    import jax
    _d = setup_inputs()
    print(jax.jit(kernel)(*tuple(_d.values())))

</pallas_src>

<mosaic_0001>
#map = affine_map<(d0, d1) -> (0, 0)>
module attributes {stable_mosaic.version = 14 : i64} {
  func.func @sck(%arg0: i32, %arg1: i32, %arg2: memref<8192x1024xf32, #tpu.memory_space<hbm>>, %arg3: memref<8192x1024xf32, #tpu.memory_space<hbm>>, %arg4: memref<8x1024xf32, #tpu.memory_space<vmem>>, %arg5: memref<8x1024xf32, #tpu.memory_space<vmem>>, %arg6: memref<8x1024xf32, #tpu.memory_space<vmem>>, %arg7: memref<8x1024xf32, #tpu.memory_space<vmem>>, %arg8: memref<8x1024xf32, #tpu.memory_space<vmem>>, %arg9: memref<8x1024xf32, #tpu.memory_space<vmem>>, %arg10: memref<8x1024xf32, #tpu.memory_space<vmem>>, %arg11: memref<8x1024xf32, #tpu.memory_space<vmem>>, %arg12: memref<8x1024xf32, #tpu.memory_space<vmem>>, %arg13: memref<8x1024xf32, #tpu.memory_space<vmem>>, %arg14: memref<8x1024xf32, #tpu.memory_space<vmem>>, %arg15: memref<8x1024xf32, #tpu.memory_space<vmem>>, %arg16: memref<8x1024xf32, #tpu.memory_space<vmem>>, %arg17: memref<8x1024xf32, #tpu.memory_space<vmem>>, %arg18: memref<!tpu.dma_semaphore, #tpu.memory_space<semaphore_mem>>, %arg19: memref<!tpu.dma_semaphore, #tpu.memory_space<semaphore_mem>>, %arg20: memref<!tpu.dma_semaphore, #tpu.memory_space<semaphore_mem>>, %arg21: memref<!tpu.dma_semaphore, #tpu.memory_space<semaphore_mem>>, %arg22: memref<!tpu.dma_semaphore, #tpu.memory_space<semaphore_mem>>, %arg23: memref<!tpu.dma_semaphore, #tpu.memory_space<semaphore_mem>>, %arg24: memref<!tpu.dma_semaphore, #tpu.memory_space<semaphore_mem>>, %arg25: memref<!tpu.dma_semaphore, #tpu.memory_space<semaphore_mem>>, %arg26: memref<!tpu.dma_semaphore, #tpu.memory_space<semaphore_mem>>, %arg27: memref<!tpu.dma_semaphore, #tpu.memory_space<semaphore_mem>>, %arg28: memref<!tpu.dma_semaphore, #tpu.memory_space<semaphore_mem>>, %arg29: memref<!tpu.dma_semaphore, #tpu.memory_space<semaphore_mem>>, %arg30: memref<!tpu.dma_semaphore, #tpu.memory_space<semaphore_mem>>, %arg31: memref<!tpu.dma_semaphore, #tpu.memory_space<semaphore_mem>>, %arg32: memref<!tpu.dma_semaphore, #tpu.memory_space<semaphore_mem>>, %arg33: memref<!tpu.dma_semaphore, #tpu.memory_space<semaphore_mem>>, %arg34: memref<!tpu.dma_semaphore, #tpu.memory_space<semaphore_mem>>, %arg35: memref<!tpu.dma_semaphore, #tpu.memory_space<semaphore_mem>>, %arg36: memref<!tpu.dma_semaphore, #tpu.memory_space<semaphore_mem>>, %arg37: memref<!tpu.dma_semaphore, #tpu.memory_space<semaphore_mem>>, %arg38: memref<!tpu.dma_semaphore, #tpu.memory_space<semaphore_mem>>, %arg39: memref<!tpu.dma_semaphore, #tpu.memory_space<semaphore_mem>>, %arg40: memref<!tpu.dma_semaphore, #tpu.memory_space<semaphore_mem>>, %arg41: memref<!tpu.dma_semaphore, #tpu.memory_space<semaphore_mem>>, %arg42: memref<!tpu.dma_semaphore, #tpu.memory_space<semaphore_mem>>, %arg43: memref<!tpu.dma_semaphore, #tpu.memory_space<semaphore_mem>>, %arg44: memref<!tpu.dma_semaphore, #tpu.memory_space<semaphore_mem>>, %arg45: memref<!tpu.dma_semaphore, #tpu.memory_space<semaphore_mem>>) attributes {dimension_semantics = [#tpu.dimension_semantics<core_parallel>, #tpu.dimension_semantics<subcore_parallel>], iteration_bounds = array<i64: 2, 16>, scalar_prefetch = 0 : i64, scratch_operands = 42 : i64, tpu.core_type = #tpu.core_type<sc_vector_subcore>, window_params = [{transform_indices = #map}, {transform_indices = #map}]} {
    %mul3A = arith.constant 2 : i32
    %mul3A_0 = arith.muli %arg1, %mul3A : i32
    %add3A = arith.addi %mul3A_0, %arg0 : i32
    %mul3A_1 = arith.constant 256 : i32
    %mul3A_2 = arith.muli %add3A, %mul3A_1 : i32
    %add3A_3 = arith.constant 0 : i32
    %add3A_4 = arith.addi %mul3A_2, %add3A_3 : i32
    %dma_start3A = arith.constant 0 : i32
    %dma_start3A_5 = tpu.memref_slice %arg2[%add3A_4, %dma_start3A] : memref<8192x1024xf32, #tpu.memory_space<hbm>> -> memref<8x1024xf32, #tpu.memory_space<hbm>>
    %dma_start3A_6 = arith.constant 0 : i32
    %dma_start3A_7 = tpu.memref_slice %arg2[%add3A_4, %dma_start3A_6] : memref<8192x1024xf32, #tpu.memory_space<hbm>> -> memref<8x1024xf32, #tpu.memory_space<hbm>>
    tpu.enqueue_dma source(%dma_start3A_7 : memref<8x1024xf32, #tpu.memory_space<hbm>>) target(%arg4 : memref<8x1024xf32, #tpu.memory_space<vmem>>) target_semaphore(%arg18 : memref<!tpu.dma_semaphore, #tpu.memory_space<semaphore_mem>>)
    %add3A_8 = arith.constant 8 : i32
    %add3A_9 = arith.addi %mul3A_2, %add3A_8 : i32
    %dma_start3A_10 = arith.constant 0 : i32
    %dma_start3A_11 = tpu.memref_slice %arg2[%add3A_9, %dma_start3A_10] : memref<8192x1024xf32, #tpu.memory_space<hbm>> -> memref<8x1024xf32, #tpu.memory_space<hbm>>
    %dma_start3A_12 = arith.constant 0 : i32
    %dma_start3A_13 = tpu.memref_slice %arg2[%add3A_9, %dma_start3A_12] : memref<8192x1024xf32, #tpu.memory_space<hbm>> -> memref<8x1024xf32, #tpu.memory_space<hbm>>
    tpu.enqueue_dma source(%dma_start3A_13 : memref<8x1024xf32, #tpu.memory_space<hbm>>) target(%arg5 : memref<8x1024xf32, #tpu.memory_space<vmem>>) target_semaphore(%arg19 : memref<!tpu.dma_semaphore, #tpu.memory_space<semaphore_mem>>)
    %add3A_14 = arith.constant 16 : i32
    %add3A_15 = arith.addi %mul3A_2, %add3A_14 : i32
    %dma_start3A_16 = arith.constant 0 : i32
    %dma_start3A_17 = tpu.memref_slice %arg2[%add3A_15, %dma_start3A_16] : memref<8192x1024xf32, #tpu.memory_space<hbm>> -> memref<8x1024xf32, #tpu.memory_space<hbm>>
    %dma_start3A_18 = arith.constant 0 : i32
    %dma_start3A_19 = tpu.memref_slice %arg2[%add3A_15, %dma_start3A_18] : memref<8192x1024xf32, #tpu.memory_space<hbm>> -> memref<8x1024xf32, #tpu.memory_space<hbm>>
    tpu.enqueue_dma source(%dma_start3A_19 : memref<8x1024xf32, #tpu.memory_space<hbm>>) target(%arg6 : memref<8x1024xf32, #tpu.memory_space<vmem>>) target_semaphore(%arg20 : memref<!tpu.dma_semaphore, #tpu.memory_space<semaphore_mem>>)
    %add3A_20 = arith.constant 24 : i32
    %add3A_21 = arith.addi %mul3A_2, %add3A_20 : i32
    %dma_start3A_22 = arith.constant 0 : i32
    %dma_start3A_23 = tpu.memref_slice %arg2[%add3A_21, %dma_start3A_22] : memref<8192x1024xf32, #tpu.memory_space<hbm>> -> memref<8x1024xf32, #tpu.memory_space<hbm>>
    %dma_start3A_24 = arith.constant 0 : i32
    %dma_start3A_25 = tpu.memref_slice %arg2[%add3A_21, %dma_start3A_24] : memref<8192x1024xf32, #tpu.memory_space<hbm>> -> memref<8x1024xf32, #tpu.memory_space<hbm>>
    tpu.enqueue_dma source(%dma_start3A_25 : memref<8x1024xf32, #tpu.memory_space<hbm>>) target(%arg7 : memref<8x1024xf32, #tpu.memory_space<vmem>>) target_semaphore(%arg21 : memref<!tpu.dma_semaphore, #tpu.memory_space<semaphore_mem>>)
    %add3A_26 = arith.constant 32 : i32
    %add3A_27 = arith.addi %mul3A_2, %add3A_26 : i32
    %dma_start3A_28 = arith.constant 0 : i32
    %dma_start3A_29 = tpu.memref_slice %arg2[%add3A_27, %dma_start3A_28] : memref<8192x1024xf32, #tpu.memory_space<hbm>> -> memref<8x1024xf32, #tpu.memory_space<hbm>>
    %dma_start3A_30 = arith.constant 0 : i32
    %dma_start3A_31 = tpu.memref_slice %arg2[%add3A_27, %dma_start3A_30] : memref<8192x1024xf32, #tpu.memory_space<hbm>> -> memref<8x1024xf32, #tpu.memory_space<hbm>>
    tpu.enqueue_dma source(%dma_start3A_31 : memref<8x1024xf32, #tpu.memory_space<hbm>>) target(%arg8 : memref<8x1024xf32, #tpu.memory_space<vmem>>) target_semaphore(%arg22 : memref<!tpu.dma_semaphore, #tpu.memory_space<semaphore_mem>>)
    %add3A_32 = arith.constant 40 : i32
    %add3A_33 = arith.addi %mul3A_2, %add3A_32 : i32
    %dma_start3A_34 = arith.constant 0 : i32
    %dma_start3A_35 = tpu.memref_slice %arg2[%add3A_33, %dma_start3A_34] : memref<8192x1024xf32, #tpu.memory_space<hbm>> -> memref<8x1024xf32, #tpu.memory_space<hbm>>
    %dma_start3A_36 = arith.constant 0 : i32
    %dma_start3A_37 = tpu.memref_slice %arg2[%add3A_33, %dma_start3A_36] : memref<8192x1024xf32, #tpu.memory_space<hbm>> -> memref<8x1024xf32, #tpu.memory_space<hbm>>
    tpu.enqueue_dma source(%dma_start3A_37 : memref<8x1024xf32, #tpu.memory_space<hbm>>) target(%arg9 : memref<8x1024xf32, #tpu.memory_space<vmem>>) target_semaphore(%arg23 : memref<!tpu.dma_semaphore, #tpu.memory_space<semaphore_mem>>)
    %add3A_38 = arith.constant 48 : i32
    %add3A_39 = arith.addi %mul3A_2, %add3A_38 : i32
    %dma_start3A_40 = arith.constant 0 : i32
    %dma_start3A_41 = tpu.memref_slice %arg2[%add3A_39, %dma_start3A_40] : memref<8192x1024xf32, #tpu.memory_space<hbm>> -> memref<8x1024xf32, #tpu.memory_space<hbm>>
    %dma_start3A_42 = arith.constant 0 : i32
    %dma_start3A_43 = tpu.memref_slice %arg2[%add3A_39, %dma_start3A_42] : memref<8192x1024xf32, #tpu.memory_space<hbm>> -> memref<8x1024xf32, #tpu.memory_space<hbm>>
    tpu.enqueue_dma source(%dma_start3A_43 : memref<8x1024xf32, #tpu.memory_space<hbm>>) target(%arg10 : memref<8x1024xf32, #tpu.memory_space<vmem>>) target_semaphore(%arg24 : memref<!tpu.dma_semaphore, #tpu.memory_space<semaphore_mem>>)
    %add3A_44 = arith.constant 56 : i32
    %add3A_45 = arith.addi %mul3A_2, %add3A_44 : i32
    %dma_start3A_46 = arith.constant 0 : i32
    %dma_start3A_47 = tpu.memref_slice %arg2[%add3A_45, %dma_start3A_46] : memref<8192x1024xf32, #tpu.memory_space<hbm>> -> memref<8x1024xf32, #tpu.memory_space<hbm>>
    %dma_start3A_48 = arith.constant 0 : i32
    %dma_start3A_49 = tpu.memref_slice %arg2[%add3A_45, %dma_start3A_48] : memref<8192x1024xf32, #tpu.memory_space<hbm>> -> memref<8x1024xf32, #tpu.memory_space<hbm>>
    tpu.enqueue_dma source(%dma_start3A_49 : memref<8x1024xf32, #tpu.memory_space<hbm>>) target(%arg11 : memref<8x1024xf32, #tpu.memory_space<vmem>>) target_semaphore(%arg25 : memref<!tpu.dma_semaphore, #tpu.memory_space<semaphore_mem>>)
    %add3A_50 = arith.constant 64 : i32
    %add3A_51 = arith.addi %mul3A_2, %add3A_50 : i32
    %dma_start3A_52 = arith.constant 0 : i32
    %dma_start3A_53 = tpu.memref_slice %arg2[%add3A_51, %dma_start3A_52] : memref<8192x1024xf32, #tpu.memory_space<hbm>> -> memref<8x1024xf32, #tpu.memory_space<hbm>>
    %dma_start3A_54 = arith.constant 0 : i32
    %dma_start3A_55 = tpu.memref_slice %arg2[%add3A_51, %dma_start3A_54] : memref<8192x1024xf32, #tpu.memory_space<hbm>> -> memref<8x1024xf32, #tpu.memory_space<hbm>>
    tpu.enqueue_dma source(%dma_start3A_55 : memref<8x1024xf32, #tpu.memory_space<hbm>>) target(%arg12 : memref<8x1024xf32, #tpu.memory_space<vmem>>) target_semaphore(%arg26 : memref<!tpu.dma_semaphore, #tpu.memory_space<semaphore_mem>>)
    %dma_wait3A = arith.constant 0 : i32
    %dma_wait3A_56 = tpu.memref_slice %arg2[%add3A_4, %dma_wait3A] : memref<8192x1024xf32, #tpu.memory_space<hbm>> -> memref<8x1024xf32, #tpu.memory_space<hbm>>
    %dma_wait3A_57 = arith.constant 0 : i32
    %dma_wait3A_58 = tpu.memref_slice %arg2[%add3A_4, %dma_wait3A_57] : memref<8192x1024xf32, #tpu.memory_space<hbm>> -> memref<8x1024xf32, #tpu.memory_space<hbm>>
    tpu.wait_dma2 semaphore(%arg18 : memref<!tpu.dma_semaphore, #tpu.memory_space<semaphore_mem>>) src(%dma_wait3A_58 : memref<8x1024xf32, #tpu.memory_space<hbm>>) dst(%arg4 : memref<8x1024xf32, #tpu.memory_space<vmem>>)
    %parallel_loop3A = arith.constant 0 : i32
    %parallel_loop3A_59 = arith.constant 512 : i32
    %parallel_loop3A_60 = arith.constant 1 : i32
    scf.for %parallel_loop3A_736 = %parallel_loop3A to %parallel_loop3A_59 step %parallel_loop3A_60  : i32 {
      %parallel_loop3A_737 = arith.constant 6 : i32
      %parallel_loop3A_738 = arith.shrsi %parallel_loop3A_736, %parallel_loop3A_737 : i32
      %parallel_loop3A_739 = arith.constant 63 : i32
      %parallel_loop3A_740 = arith.andi %parallel_loop3A_736, %parallel_loop3A_739 : i32
      %parallel_loop3A_741 = arith.constant 16 : i32
      %parallel_loop3A_742 = arith.muli %parallel_loop3A_740, %parallel_loop3A_741 : i32
      %parallel_loop3A_743 = arith.index_cast %parallel_loop3A_738 : i32 to index
      %parallel_loop3A_744 = arith.index_cast %parallel_loop3A_742 : i32 to index
      %parallel_loop3A_745 = tpu.vector_load %arg4[%parallel_loop3A_743, %parallel_loop3A_744] {strides = array<i32>} : memref<8x1024xf32, #tpu.memory_space<vmem>>, vector<1x16xf32>,
      %parallel_loop3A_746 = vector.shape_cast %parallel_loop3A_745 : vector<1x16xf32> to vector<16xf32>
      %parallel_loop3A_747 = arith.constant 3.125000e-02 : f32
      %parallel_loop3A_748 = vector.broadcast %parallel_loop3A_747 : f32 to vector<16xf32>
      %parallel_loop3A_749 = arith.mulf %parallel_loop3A_746, %parallel_loop3A_748 : vector<16xf32>
      %parallel_loop3A_750 = arith.index_cast %parallel_loop3A_738 : i32 to index
      %parallel_loop3A_751 = arith.index_cast %parallel_loop3A_742 : i32 to index
      %parallel_loop3A_752 = tpu.vector_load %arg4[%parallel_loop3A_750, %parallel_loop3A_751] {strides = array<i32>} : memref<8x1024xf32, #tpu.memory_space<vmem>>, vector<1x16xf32>,
      %parallel_loop3A_753 = vector.shape_cast %parallel_loop3A_752 : vector<1x16xf32> to vector<16xf32>
      %parallel_loop3A_754 = vector.shape_cast %parallel_loop3A_749 : vector<16xf32> to vector<1x16xf32>
      tpu.vector_store %arg4[%parallel_loop3A_750, %parallel_loop3A_751], %parallel_loop3A_754 {strides = array<i32>} : memref<8x1024xf32, #tpu.memory_space<vmem>>, vector<1x16xf32>,
    } {sc.loop_unroll_factor = 4 : i64, sc.parallel_access}
    %add3A_61 = arith.constant 0 : i32
    %add3A_62 = arith.addi %mul3A_2, %add3A_61 : i32
    %dma_start3A_63 = arith.constant 0 : i32
    %dma_start3A_64 = tpu.memref_slice %arg3[%add3A_62, %dma_start3A_63] : memref<8192x1024xf32, #tpu.memory_space<hbm>> -> memref<8x1024xf32, #tpu.memory_space<hbm>>
    %dma_start3A_65 = arith.constant 0 : i32
    %dma_start3A_66 = tpu.memref_slice %arg3[%add3A_62, %dma_start3A_65] : memref<8192x1024xf32, #tpu.memory_space<hbm>> -> memref<8x1024xf32, #tpu.memory_space<hbm>>
    tpu.enqueue_dma source(%arg4 : memref<8x1024xf32, #tpu.memory_space<vmem>>) target(%dma_start3A_66 : memref<8x1024xf32, #tpu.memory_space<hbm>>) target_semaphore(%arg32 : memref<!tpu.dma_semaphore, #tpu.memory_space<semaphore_mem>>)
    %add3A_67 = arith.constant 72 : i32
    %add3A_68 = arith.addi %mul3A_2, %add3A_67 : i32
    %dma_start3A_69 = arith.constant 0 : i32
    %dma_start3A_70 = tpu.memref_slice %arg2[%add3A_68, %dma_start3A_69] : memref<8192x1024xf32, #tpu.memory_space<hbm>> -> memref<8x1024xf32, #tpu.memory_space<hbm>>
    %dma_start3A_71 = arith.constant 0 : i32
    %dma_start3A_72 = tpu.memref_slice %arg2[%add3A_68, %dma_start3A_71] : memref<8192x1024xf32, #tpu.memory_space<hbm>> -> memref<8x1024xf32, #tpu.memory_space<hbm>>
    tpu.enqueue_dma source(%dma_start3A_72 : memref<8x1024xf32, #tpu.memory_space<hbm>>) target(%arg13 : memref<8x1024xf32, #tpu.memory_space<vmem>>) target_semaphore(%arg27 : memref<!tpu.dma_semaphore, #tpu.memory_space<semaphore_mem>>)
    %dma_wait3A_73 = arith.constant 0 : i32
    %dma_wait3A_74 = tpu.memref_slice %arg2[%add3A_9, %dma_wait3A_73] : memref<8192x1024xf32, #tpu.memory_space<hbm>> -> memref<8x1024xf32, #tpu.memory_space<hbm>>
    %dma_wait3A_75 = arith.constant 0 : i32
    %dma_wait3A_76 = tpu.memref_slice %arg2[%add3A_9, %dma_wait3A_75] : memref<8192x1024xf32, #tpu.memory_space<hbm>> -> memref<8x1024xf32, #tpu.memory_space<hbm>>
    tpu.wait_dma2 semaphore(%arg19 : memref<!tpu.dma_semaphore, #tpu.memory_space<semaphore_mem>>) src(%dma_wait3A_76 : memref<8x1024xf32, #tpu.memory_space<hbm>>) dst(%arg5 : memref<8x1024xf32, #tpu.memory_space<vmem>>)
    %parallel_loop3A_77 = arith.constant 0 : i32
    %parallel_loop3A_78 = arith.constant 512 : i32
    %parallel_loop3A_79 = arith.constant 1 : i32
    scf.for %parallel_loop3A_736 = %parallel_loop3A_77 to %parallel_loop3A_78 step %parallel_loop3A_79  : i32 {
      %parallel_loop3A_737 = arith.constant 6 : i32
      %parallel_loop3A_738 = arith.shrsi %parallel_loop3A_736, %parallel_loop3A_737 : i32
      %parallel_loop3A_739 = arith.constant 63 : i32
      %parallel_loop3A_740 = arith.andi %parallel_loop3A_736, %parallel_loop3A_739 : i32
      %parallel_loop3A_741 = arith.constant 16 : i32
      %parallel_loop3A_742 = arith.muli %parallel_loop3A_740, %parallel_loop3A_741 : i32
      %parallel_loop3A_743 = arith.index_cast %parallel_loop3A_738 : i32 to index
      %parallel_loop3A_744 = arith.index_cast %parallel_loop3A_742 : i32 to index
      %parallel_loop3A_745 = tpu.vector_load %arg5[%parallel_loop3A_743, %parallel_loop3A_744] {strides = array<i32>} : memref<8x1024xf32, #tpu.memory_space<vmem>>, vector<1x16xf32>,
      %parallel_loop3A_746 = vector.shape_cast %parallel_loop3A_745 : vector<1x16xf32> to vector<16xf32>
      %parallel_loop3A_747 = arith.constant 3.125000e-02 : f32
      %parallel_loop3A_748 = vector.broadcast %parallel_loop3A_747 : f32 to vector<16xf32>
      %parallel_loop3A_749 = arith.mulf %parallel_loop3A_746, %parallel_loop3A_748 : vector<16xf32>
      %parallel_loop3A_750 = arith.index_cast %parallel_loop3A_738 : i32 to index
      %parallel_loop3A_751 = arith.index_cast %parallel_loop3A_742 : i32 to index
      %parallel_loop3A_752 = tpu.vector_load %arg5[%parallel_loop3A_750, %parallel_loop3A_751] {strides = array<i32>} : memref<8x1024xf32, #tpu.memory_space<vmem>>, vector<1x16xf32>,
      %parallel_loop3A_753 = vector.shape_cast %parallel_loop3A_752 : vector<1x16xf32> to vector<16xf32>
      %parallel_loop3A_754 = vector.shape_cast %parallel_loop3A_749 : vector<16xf32> to vector<1x16xf32>
      tpu.vector_store %arg5[%parallel_loop3A_750, %parallel_loop3A_751], %parallel_loop3A_754 {strides = array<i32>} : memref<8x1024xf32, #tpu.memory_space<vmem>>, vector<1x16xf32>,
    } {sc.loop_unroll_factor = 4 : i64, sc.parallel_access}
    %add3A_80 = arith.constant 8 : i32
    %add3A_81 = arith.addi %mul3A_2, %add3A_80 : i32
    %dma_start3A_82 = arith.constant 0 : i32
    %dma_start3A_83 = tpu.memref_slice %arg3[%add3A_81, %dma_start3A_82] : memref<8192x1024xf32, #tpu.memory_space<hbm>> -> memref<8x1024xf32, #tpu.memory_space<hbm>>
    %dma_start3A_84 = arith.constant 0 : i32
    %dma_start3A_85 = tpu.memref_slice %arg3[%add3A_81, %dma_start3A_84] : memref<8192x1024xf32, #tpu.memory_space<hbm>> -> memref<8x1024xf32, #tpu.memory_space<hbm>>
    tpu.enqueue_dma source(%arg5 : memref<8x1024xf32, #tpu.memory_space<vmem>>) target(%dma_start3A_85 : memref<8x1024xf32, #tpu.memory_space<hbm>>) target_semaphore(%arg33 : memref<!tpu.dma_semaphore, #tpu.memory_space<semaphore_mem>>)
    %add3A_86 = arith.constant 80 : i32
    %add3A_87 = arith.addi %mul3A_2, %add3A_86 : i32
    %dma_start3A_88 = arith.constant 0 : i32
    %dma_start3A_89 = tpu.memref_slice %arg2[%add3A_87, %dma_start3A_88] : memref<8192x1024xf32, #tpu.memory_space<hbm>> -> memref<8x1024xf32, #tpu.memory_space<hbm>>
    %dma_start3A_90 = arith.constant 0 : i32
    %dma_start3A_91 = tpu.memref_slice %arg2[%add3A_87, %dma_start3A_90] : memref<8192x1024xf32, #tpu.memory_space<hbm>> -> memref<8x1024xf32, #tpu.memory_space<hbm>>
    tpu.enqueue_dma source(%dma_start3A_91 : memref<8x1024xf32, #tpu.memory_space<hbm>>) target(%arg14 : memref<8x1024xf32, #tpu.memory_space<vmem>>) target_semaphore(%arg28 : memref<!tpu.dma_semaphore, #tpu.memory_space<semaphore_mem>>)
    %dma_wait3A_92 = arith.constant 0 : i32
    %dma_wait3A_93 = tpu.memref_slice %arg2[%add3A_15, %dma_wait3A_92] : memref<8192x1024xf32, #tpu.memory_space<hbm>> -> memref<8x1024xf32, #tpu.memory_space<hbm>>
    %dma_wait3A_94 = arith.constant 0 : i32
    %dma_wait3A_95 = tpu.memref_slice %arg2[%add3A_15, %dma_wait3A_94] : memref<8192x1024xf32, #tpu.memory_space<hbm>> -> memref<8x1024xf32, #tpu.memory_space<hbm>>
    tpu.wait_dma2 semaphore(%arg20 : memref<!tpu.dma_semaphore, #tpu.memory_space<semaphore_mem>>) src(%dma_wait3A_95 : memref<8x1024xf32, #tpu.memory_space<hbm>>) dst(%arg6 : memref<8x1024xf32, #tpu.memory_space<vmem>>)
    %parallel_loop3A_96 = arith.constant 0 : i32
    %parallel_loop3A_97 = arith.constant 512 : i32
    %parallel_loop3A_98 = arith.constant 1 : i32
    scf.for %parallel_loop3A_736 = %parallel_loop3A_96 to %parallel_loop3A_97 step %parallel_loop3A_98  : i32 {
      %parallel_loop3A_737 = arith.constant 6 : i32
      %parallel_loop3A_738 = arith.shrsi %parallel_loop3A_736, %parallel_loop3A_737 : i32
      %parallel_loop3A_739 = arith.constant 63 : i32
      %parallel_loop3A_740 = arith.andi %parallel_loop3A_736, %parallel_loop3A_739 : i32
      %parallel_loop3A_741 = arith.constant 16 : i32
      %parallel_loop3A_742 = arith.muli %parallel_loop3A_740, %parallel_loop3A_741 : i32
      %parallel_loop3A_743 = arith.index_cast %parallel_loop3A_738 : i32 to index
      %parallel_loop3A_744 = arith.index_cast %parallel_loop3A_742 : i32 to index
      %parallel_loop3A_745 = tpu.vector_load %arg6[%parallel_loop3A_743, %parallel_loop3A_744] {strides = array<i32>} : memref<8x1024xf32, #tpu.memory_space<vmem>>, vector<1x16xf32>,
      %parallel_loop3A_746 = vector.shape_cast %parallel_loop3A_745 : vector<1x16xf32> to vector<16xf32>
      %parallel_loop3A_747 = arith.constant 3.125000e-02 : f32
      %parallel_loop3A_748 = vector.broadcast %parallel_loop3A_747 : f32 to vector<16xf32>
      %parallel_loop3A_749 = arith.mulf %parallel_loop3A_746, %parallel_loop3A_748 : vector<16xf32>
      %parallel_loop3A_750 = arith.index_cast %parallel_loop3A_738 : i32 to index
      %parallel_loop3A_751 = arith.index_cast %parallel_loop3A_742 : i32 to index
      %parallel_loop3A_752 = tpu.vector_load %arg6[%parallel_loop3A_750, %parallel_loop3A_751] {strides = array<i32>} : memref<8x1024xf32, #tpu.memory_space<vmem>>, vector<1x16xf32>,
      %parallel_loop3A_753 = vector.shape_cast %parallel_loop3A_752 : vector<1x16xf32> to vector<16xf32>
      %parallel_loop3A_754 = vector.shape_cast %parallel_loop3A_749 : vector<16xf32> to vector<1x16xf32>
      tpu.vector_store %arg6[%parallel_loop3A_750, %parallel_loop3A_751], %parallel_loop3A_754 {strides = array<i32>} : memref<8x1024xf32, #tpu.memory_space<vmem>>, vector<1x16xf32>,
    } {sc.loop_unroll_factor = 4 : i64, sc.parallel_access}
    %add3A_99 = arith.constant 16 : i32
    %add3A_100 = arith.addi %mul3A_2, %add3A_99 : i32
    %dma_start3A_101 = arith.constant 0 : i32
    %dma_start3A_102 = tpu.memref_slice %arg3[%add3A_100, %dma_start3A_101] : memref<8192x1024xf32, #tpu.memory_space<hbm>> -> memref<8x1024xf32, #tpu.memory_space<hbm>>
    %dma_start3A_103 = arith.constant 0 : i32
    %dma_start3A_104 = tpu.memref_slice %arg3[%add3A_100, %dma_start3A_103] : memref<8192x1024xf32, #tpu.memory_space<hbm>> -> memref<8x1024xf32, #tpu.memory_space<hbm>>
    tpu.enqueue_dma source(%arg6 : memref<8x1024xf32, #tpu.memory_space<vmem>>) target(%dma_start3A_104 : memref<8x1024xf32, #tpu.memory_space<hbm>>) target_semaphore(%arg34 : memref<!tpu.dma_semaphore, #tpu.memory_space<semaphore_mem>>)
    %add3A_105 = arith.constant 88 : i32
    %add3A_106 = arith.addi %mul3A_2, %add3A_105 : i32
    %dma_start3A_107 = arith.constant 0 : i32
    %dma_start3A_108 = tpu.memref_slice %arg2[%add3A_106, %dma_start3A_107] : memref<8192x1024xf32, #tpu.memory_space<hbm>> -> memref<8x1024xf32, #tpu.memory_space<hbm>>
    %dma_start3A_109 = arith.constant 0 : i32
    %dma_start3A_110 = tpu.memref_slice %arg2[%add3A_106, %dma_start3A_109] : memref<8192x1024xf32, #tpu.memory_space<hbm>> -> memref<8x1024xf32, #tpu.memory_space<hbm>>
    tpu.enqueue_dma source(%dma_start3A_110 : memref<8x1024xf32, #tpu.memory_space<hbm>>) target(%arg15 : memref<8x1024xf32, #tpu.memory_space<vmem>>) target_semaphore(%arg29 : memref<!tpu.dma_semaphore, #tpu.memory_space<semaphore_mem>>)
    %dma_wait3A_111 = arith.constant 0 : i32
    %dma_wait3A_112 = tpu.memref_slice %arg2[%add3A_21, %dma_wait3A_111] : memref<8192x1024xf32, #tpu.memory_space<hbm>> -> memref<8x1024xf32, #tpu.memory_space<hbm>>
    %dma_wait3A_113 = arith.constant 0 : i32
    %dma_wait3A_114 = tpu.memref_slice %arg2[%add3A_21, %dma_wait3A_113] : memref<8192x1024xf32, #tpu.memory_space<hbm>> -> memref<8x1024xf32, #tpu.memory_space<hbm>>
    tpu.wait_dma2 semaphore(%arg21 : memref<!tpu.dma_semaphore, #tpu.memory_space<semaphore_mem>>) src(%dma_wait3A_114 : memref<8x1024xf32, #tpu.memory_space<hbm>>) dst(%arg7 : memref<8x1024xf32, #tpu.memory_space<vmem>>)
    %parallel_loop3A_115 = arith.constant 0 : i32
    %parallel_loop3A_116 = arith.constant 512 : i32
    %parallel_loop3A_117 = arith.constant 1 : i32
    scf.for %parallel_loop3A_736 = %parallel_loop3A_115 to %parallel_loop3A_116 step %parallel_loop3A_117  : i32 {
      %parallel_loop3A_737 = arith.constant 6 : i32
      %parallel_loop3A_738 = arith.shrsi %parallel_loop3A_736, %parallel_loop3A_737 : i32
      %parallel_loop3A_739 = arith.constant 63 : i32
      %parallel_loop3A_740 = arith.andi %parallel_loop3A_736, %parallel_loop3A_739 : i32
      %parallel_loop3A_741 = arith.constant 16 : i32
      %parallel_loop3A_742 = arith.muli %parallel_loop3A_740, %parallel_loop3A_741 : i32
      %parallel_loop3A_743 = arith.index_cast %parallel_loop3A_738 : i32 to index
      %parallel_loop3A_744 = arith.index_cast %parallel_loop3A_742 : i32 to index
      %parallel_loop3A_745 = tpu.vector_load %arg7[%parallel_loop3A_743, %parallel_loop3A_744] {strides = array<i32>} : memref<8x1024xf32, #tpu.memory_space<vmem>>, vector<1x16xf32>,
      %parallel_loop3A_746 = vector.shape_cast %parallel_loop3A_745 : vector<1x16xf32> to vector<16xf32>
      %parallel_loop3A_747 = arith.constant 3.125000e-02 : f32
      %parallel_loop3A_748 = vector.broadcast %parallel_loop3A_747 : f32 to vector<16xf32>
      %parallel_loop3A_749 = arith.mulf %parallel_loop3A_746, %parallel_loop3A_748 : vector<16xf32>
      %parallel_loop3A_750 = arith.index_cast %parallel_loop3A_738 : i32 to index
      %parallel_loop3A_751 = arith.index_cast %parallel_loop3A_742 : i32 to index
      %parallel_loop3A_752 = tpu.vector_load %arg7[%parallel_loop3A_750, %parallel_loop3A_751] {strides = array<i32>} : memref<8x1024xf32, #tpu.memory_space<vmem>>, vector<1x16xf32>,
      %parallel_loop3A_753 = vector.shape_cast %parallel_loop3A_752 : vector<1x16xf32> to vector<16xf32>
      %parallel_loop3A_754 = vector.shape_cast %parallel_loop3A_749 : vector<16xf32> to vector<1x16xf32>
      tpu.vector_store %arg7[%parallel_loop3A_750, %parallel_loop3A_751], %parallel_loop3A_754 {strides = array<i32>} : memref<8x1024xf32, #tpu.memory_space<vmem>>, vector<1x16xf32>,
    } {sc.loop_unroll_factor = 4 : i64, sc.parallel_access}
    %add3A_118 = arith.constant 24 : i32
    %add3A_119 = arith.addi %mul3A_2, %add3A_118 : i32
    %dma_start3A_120 = arith.constant 0 : i32
    %dma_start3A_121 = tpu.memref_slice %arg3[%add3A_119, %dma_start3A_120] : memref<8192x1024xf32, #tpu.memory_space<hbm>> -> memref<8x1024xf32, #tpu.memory_space<hbm>>
    %dma_start3A_122 = arith.constant 0 : i32
    %dma_start3A_123 = tpu.memref_slice %arg3[%add3A_119, %dma_start3A_122] : memref<8192x1024xf32, #tpu.memory_space<hbm>> -> memref<8x1024xf32, #tpu.memory_space<hbm>>
    tpu.enqueue_dma source(%arg7 : memref<8x1024xf32, #tpu.memory_space<vmem>>) target(%dma_start3A_123 : memref<8x1024xf32, #tpu.memory_space<hbm>>) target_semaphore(%arg35 : memref<!tpu.dma_semaphore, #tpu.memory_space<semaphore_mem>>)
    %add3A_124 = arith.constant 96 : i32
    %add3A_125 = arith.addi %mul3A_2, %add3A_124 : i32
    %dma_start3A_126 = arith.constant 0 : i32
    %dma_start3A_127 = tpu.memref_slice %arg2[%add3A_125, %dma_start3A_126] : memref<8192x1024xf32, #tpu.memory_space<hbm>> -> memref<8x1024xf32, #tpu.memory_space<hbm>>
    %dma_start3A_128 = arith.constant 0 : i32
    %dma_start3A_129 = tpu.memref_slice %arg2[%add3A_125, %dma_start3A_128] : memref<8192x1024xf32, #tpu.memory_space<hbm>> -> memref<8x1024xf32, #tpu.memory_space<hbm>>
    tpu.enqueue_dma source(%dma_start3A_129 : memref<8x1024xf32, #tpu.memory_space<hbm>>) target(%arg16 : memref<8x1024xf32, #tpu.memory_space<vmem>>) target_semaphore(%arg30 : memref<!tpu.dma_semaphore, #tpu.memory_space<semaphore_mem>>)
    %dma_wait3A_130 = arith.constant 0 : i32
    %dma_wait3A_131 = tpu.memref_slice %arg2[%add3A_27, %dma_wait3A_130] : memref<8192x1024xf32, #tpu.memory_space<hbm>> -> memref<8x1024xf32, #tpu.memory_space<hbm>>
    %dma_wait3A_132 = arith.constant 0 : i32
    %dma_wait3A_133 = tpu.memref_slice %arg2[%add3A_27, %dma_wait3A_132] : memref<8192x1024xf32, #tpu.memory_space<hbm>> -> memref<8x1024xf32, #tpu.memory_space<hbm>>
    tpu.wait_dma2 semaphore(%arg22 : memref<!tpu.dma_semaphore, #tpu.memory_space<semaphore_mem>>) src(%dma_wait3A_133 : memref<8x1024xf32, #tpu.memory_space<hbm>>) dst(%arg8 : memref<8x1024xf32, #tpu.memory_space<vmem>>)
    %parallel_loop3A_134 = arith.constant 0 : i32
    %parallel_loop3A_135 = arith.constant 512 : i32
    %parallel_loop3A_136 = arith.constant 1 : i32
    scf.for %parallel_loop3A_736 = %parallel_loop3A_134 to %parallel_loop3A_135 step %parallel_loop3A_136  : i32 {
      %parallel_loop3A_737 = arith.constant 6 : i32
      %parallel_loop3A_738 = arith.shrsi %parallel_loop3A_736, %parallel_loop3A_737 : i32
      %parallel_loop3A_739 = arith.constant 63 : i32
      %parallel_loop3A_740 = arith.andi %parallel_loop3A_736, %parallel_loop3A_739 : i32
      %parallel_loop3A_741 = arith.constant 16 : i32
      %parallel_loop3A_742 = arith.muli %parallel_loop3A_740, %parallel_loop3A_741 : i32
      %parallel_loop3A_743 = arith.index_cast %parallel_loop3A_738 : i32 to index
      %parallel_loop3A_744 = arith.index_cast %parallel_loop3A_742 : i32 to index
      %parallel_loop3A_745 = tpu.vector_load %arg8[%parallel_loop3A_743, %parallel_loop3A_744] {strides = array<i32>} : memref<8x1024xf32, #tpu.memory_space<vmem>>, vector<1x16xf32>,
      %parallel_loop3A_746 = vector.shape_cast %parallel_loop3A_745 : vector<1x16xf32> to vector<16xf32>
      %parallel_loop3A_747 = arith.constant 3.125000e-02 : f32
      %parallel_loop3A_748 = vector.broadcast %parallel_loop3A_747 : f32 to vector<16xf32>
      %parallel_loop3A_749 = arith.mulf %parallel_loop3A_746, %parallel_loop3A_748 : vector<16xf32>
      %parallel_loop3A_750 = arith.index_cast %parallel_loop3A_738 : i32 to index
      %parallel_loop3A_751 = arith.index_cast %parallel_loop3A_742 : i32 to index
      %parallel_loop3A_752 = tpu.vector_load %arg8[%parallel_loop3A_750, %parallel_loop3A_751] {strides = array<i32>} : memref<8x1024xf32, #tpu.memory_space<vmem>>, vector<1x16xf32>,
      %parallel_loop3A_753 = vector.shape_cast %parallel_loop3A_752 : vector<1x16xf32> to vector<16xf32>
      %parallel_loop3A_754 = vector.shape_cast %parallel_loop3A_749 : vector<16xf32> to vector<1x16xf32>
      tpu.vector_store %arg8[%parallel_loop3A_750, %parallel_loop3A_751], %parallel_loop3A_754 {strides = array<i32>} : memref<8x1024xf32, #tpu.memory_space<vmem>>, vector<1x16xf32>,
    } {sc.loop_unroll_factor = 4 : i64, sc.parallel_access}
    %add3A_137 = arith.constant 32 : i32
    %add3A_138 = arith.addi %mul3A_2, %add3A_137 : i32
    %dma_start3A_139 = arith.constant 0 : i32
    %dma_start3A_140 = tpu.memref_slice %arg3[%add3A_138, %dma_start3A_139] : memref<8192x1024xf32, #tpu.memory_space<hbm>> -> memref<8x1024xf32, #tpu.memory_space<hbm>>
    %dma_start3A_141 = arith.constant 0 : i32
    %dma_start3A_142 = tpu.memref_slice %arg3[%add3A_138, %dma_start3A_141] : memref<8192x1024xf32, #tpu.memory_space<hbm>> -> memref<8x1024xf32, #tpu.memory_space<hbm>>
    tpu.enqueue_dma source(%arg8 : memref<8x1024xf32, #tpu.memory_space<vmem>>) target(%dma_start3A_142 : memref<8x1024xf32, #tpu.memory_space<hbm>>) target_semaphore(%arg36 : memref<!tpu.dma_semaphore, #tpu.memory_space<semaphore_mem>>)
    %add3A_143 = arith.constant 104 : i32
    %add3A_144 = arith.addi %mul3A_2, %add3A_143 : i32
    %dma_start3A_145 = arith.constant 0 : i32
    %dma_start3A_146 = tpu.memref_slice %arg2[%add3A_144, %dma_start3A_145] : memref<8192x1024xf32, #tpu.memory_space<hbm>> -> memref<8x1024xf32, #tpu.memory_space<hbm>>
    %dma_start3A_147 = arith.constant 0 : i32
    %dma_start3A_148 = tpu.memref_slice %arg2[%add3A_144, %dma_start3A_147] : memref<8192x1024xf32, #tpu.memory_space<hbm>> -> memref<8x1024xf32, #tpu.memory_space<hbm>>
    tpu.enqueue_dma source(%dma_start3A_148 : memref<8x1024xf32, #tpu.memory_space<hbm>>) target(%arg17 : memref<8x1024xf32, #tpu.memory_space<vmem>>) target_semaphore(%arg31 : memref<!tpu.dma_semaphore, #tpu.memory_space<semaphore_mem>>)
    %dma_wait3A_149 = arith.constant 0 : i32
    %dma_wait3A_150 = tpu.memref_slice %arg2[%add3A_33, %dma_wait3A_149] : memref<8192x1024xf32, #tpu.memory_space<hbm>> -> memref<8x1024xf32, #tpu.memory_space<hbm>>
    %dma_wait3A_151 = arith.constant 0 : i32
    %dma_wait3A_152 = tpu.memref_slice %arg2[%add3A_33, %dma_wait3A_151] : memref<8192x1024xf32, #tpu.memory_space<hbm>> -> memref<8x1024xf32, #tpu.memory_space<hbm>>
    tpu.wait_dma2 semaphore(%arg23 : memref<!tpu.dma_semaphore, #tpu.memory_space<semaphore_mem>>) src(%dma_wait3A_152 : memref<8x1024xf32, #tpu.memory_space<hbm>>) dst(%arg9 : memref<8x1024xf32, #tpu.memory_space<vmem>>)
    %parallel_loop3A_153 = arith.constant 0 : i32
    %parallel_loop3A_154 = arith.constant 512 : i32
    %parallel_loop3A_155 = arith.constant 1 : i32
    scf.for %parallel_loop3A_736 = %parallel_loop3A_153 to %parallel_loop3A_154 step %parallel_loop3A_155  : i32 {
      %parallel_loop3A_737 = arith.constant 6 : i32
      %parallel_loop3A_738 = arith.shrsi %parallel_loop3A_736, %parallel_loop3A_737 : i32
      %parallel_loop3A_739 = arith.constant 63 : i32
      %parallel_loop3A_740 = arith.andi %parallel_loop3A_736, %parallel_loop3A_739 : i32
      %parallel_loop3A_741 = arith.constant 16 : i32
      %parallel_loop3A_742 = arith.muli %parallel_loop3A_740, %parallel_loop3A_741 : i32
      %parallel_loop3A_743 = arith.index_cast %parallel_loop3A_738 : i32 to index
      %parallel_loop3A_744 = arith.index_cast %parallel_loop3A_742 : i32 to index
      %parallel_loop3A_745 = tpu.vector_load %arg9[%parallel_loop3A_743, %parallel_loop3A_744] {strides = array<i32>} : memref<8x1024xf32, #tpu.memory_space<vmem>>, vector<1x16xf32>,
      %parallel_loop3A_746 = vector.shape_cast %parallel_loop3A_745 : vector<1x16xf32> to vector<16xf32>
      %parallel_loop3A_747 = arith.constant 3.125000e-02 : f32
      %parallel_loop3A_748 = vector.broadcast %parallel_loop3A_747 : f32 to vector<16xf32>
      %parallel_loop3A_749 = arith.mulf %parallel_loop3A_746, %parallel_loop3A_748 : vector<16xf32>
      %parallel_loop3A_750 = arith.index_cast %parallel_loop3A_738 : i32 to index
      %parallel_loop3A_751 = arith.index_cast %parallel_loop3A_742 : i32 to index
      %parallel_loop3A_752 = tpu.vector_load %arg9[%parallel_loop3A_750, %parallel_loop3A_751] {strides = array<i32>} : memref<8x1024xf32, #tpu.memory_space<vmem>>, vector<1x16xf32>,
      %parallel_loop3A_753 = vector.shape_cast %parallel_loop3A_752 : vector<1x16xf32> to vector<16xf32>
      %parallel_loop3A_754 = vector.shape_cast %parallel_loop3A_749 : vector<16xf32> to vector<1x16xf32>
      tpu.vector_store %arg9[%parallel_loop3A_750, %parallel_loop3A_751], %parallel_loop3A_754 {strides = array<i32>} : memref<8x1024xf32, #tpu.memory_space<vmem>>, vector<1x16xf32>,
    } {sc.loop_unroll_factor = 4 : i64, sc.parallel_access}
    %add3A_156 = arith.constant 40 : i32
    %add3A_157 = arith.addi %mul3A_2, %add3A_156 : i32
    %dma_start3A_158 = arith.constant 0 : i32
    %dma_start3A_159 = tpu.memref_slice %arg3[%add3A_157, %dma_start3A_158] : memref<8192x1024xf32, #tpu.memory_space<hbm>> -> memref<8x1024xf32, #tpu.memory_space<hbm>>
    %dma_start3A_160 = arith.constant 0 : i32
    %dma_start3A_161 = tpu.memref_slice %arg3[%add3A_157, %dma_start3A_160] : memref<8192x1024xf32, #tpu.memory_space<hbm>> -> memref<8x1024xf32, #tpu.memory_space<hbm>>
    tpu.enqueue_dma source(%arg9 : memref<8x1024xf32, #tpu.memory_space<vmem>>) target(%dma_start3A_161 : memref<8x1024xf32, #tpu.memory_space<hbm>>) target_semaphore(%arg37 : memref<!tpu.dma_semaphore, #tpu.memory_space<semaphore_mem>>)
    %dma_wait3A_162 = arith.constant 0 : i32
    %dma_wait3A_163 = tpu.memref_slice %arg3[%add3A_62, %dma_wait3A_162] : memref<8192x1024xf32, #tpu.memory_space<hbm>> -> memref<8x1024xf32, #tpu.memory_space<hbm>>
    %dma_wait3A_164 = arith.constant 0 : i32
    %dma_wait3A_165 = tpu.memref_slice %arg3[%add3A_62, %dma_wait3A_164] : memref<8192x1024xf32, #tpu.memory_space<hbm>> -> memref<8x1024xf32, #tpu.memory_space<hbm>>
    tpu.wait_dma2 semaphore(%arg32 : memref<!tpu.dma_semaphore, #tpu.memory_space<semaphore_mem>>) src(%arg4 : memref<8x1024xf32, #tpu.memory_space<vmem>>) dst(%dma_wait3A_165 : memref<8x1024xf32, #tpu.memory_space<hbm>>)
    %add3A_166 = arith.constant 112 : i32
    %add3A_167 = arith.addi %mul3A_2, %add3A_166 : i32
    %dma_start3A_168 = arith.constant 0 : i32
    %dma_start3A_169 = tpu.memref_slice %arg2[%add3A_167, %dma_start3A_168] : memref<8192x1024xf32, #tpu.memory_space<hbm>> -> memref<8x1024xf32, #tpu.memory_space<hbm>>
    %dma_start3A_170 = arith.constant 0 : i32
    %dma_start3A_171 = tpu.memref_slice %arg2[%add3A_167, %dma_start3A_170] : memref<8192x1024xf32, #tpu.memory_space<hbm>> -> memref<8x1024xf32, #tpu.memory_space<hbm>>
    tpu.enqueue_dma source(%dma_start3A_171 : memref<8x1024xf32, #tpu.memory_space<hbm>>) target(%arg4 : memref<8x1024xf32, #tpu.memory_space<vmem>>) target_semaphore(%arg18 : memref<!tpu.dma_semaphore, #tpu.memory_space<semaphore_mem>>)
    %dma_wait3A_172 = arith.constant 0 : i32
    %dma_wait3A_173 = tpu.memref_slice %arg2[%add3A_39, %dma_wait3A_172] : memref<8192x1024xf32, #tpu.memory_space<hbm>> -> memref<8x1024xf32, #tpu.memory_space<hbm>>
    %dma_wait3A_174 = arith.constant 0 : i32
    %dma_wait3A_175 = tpu.memref_slice %arg2[%add3A_39, %dma_wait3A_174] : memref<8192x1024xf32, #tpu.memory_space<hbm>> -> memref<8x1024xf32, #tpu.memory_space<hbm>>
    tpu.wait_dma2 semaphore(%arg24 : memref<!tpu.dma_semaphore, #tpu.memory_space<semaphore_mem>>) src(%dma_wait3A_175 : memref<8x1024xf32, #tpu.memory_space<hbm>>) dst(%arg10 : memref<8x1024xf32, #tpu.memory_space<vmem>>)
    %parallel_loop3A_176 = arith.constant 0 : i32
    %parallel_loop3A_177 = arith.constant 512 : i32
    %parallel_loop3A_178 = arith.constant 1 : i32
    scf.for %parallel_loop3A_736 = %parallel_loop3A_176 to %parallel_loop3A_177 step %parallel_loop3A_178  : i32 {
      %parallel_loop3A_737 = arith.constant 6 : i32
      %parallel_loop3A_738 = arith.shrsi %parallel_loop3A_736, %parallel_loop3A_737 : i32
      %parallel_loop3A_739 = arith.constant 63 : i32
      %parallel_loop3A_740 = arith.andi %parallel_loop3A_736, %parallel_loop3A_739 : i32
      %parallel_loop3A_741 = arith.constant 16 : i32
      %parallel_loop3A_742 = arith.muli %parallel_loop3A_740, %parallel_loop3A_741 : i32
      %parallel_loop3A_743 = arith.index_cast %parallel_loop3A_738 : i32 to index
      %parallel_loop3A_744 = arith.index_cast %parallel_loop3A_742 : i32 to index
      %parallel_loop3A_745 = tpu.vector_load %arg10[%parallel_loop3A_743, %parallel_loop3A_744] {strides = array<i32>} : memref<8x1024xf32, #tpu.memory_space<vmem>>, vector<1x16xf32>,
      %parallel_loop3A_746 = vector.shape_cast %parallel_loop3A_745 : vector<1x16xf32> to vector<16xf32>
      %parallel_loop3A_747 = arith.constant 3.125000e-02 : f32
      %parallel_loop3A_748 = vector.broadcast %parallel_loop3A_747 : f32 to vector<16xf32>
      %parallel_loop3A_749 = arith.mulf %parallel_loop3A_746, %parallel_loop3A_748 : vector<16xf32>
      %parallel_loop3A_750 = arith.index_cast %parallel_loop3A_738 : i32 to index
      %parallel_loop3A_751 = arith.index_cast %parallel_loop3A_742 : i32 to index
      %parallel_loop3A_752 = tpu.vector_load %arg10[%parallel_loop3A_750, %parallel_loop3A_751] {strides = array<i32>} : memref<8x1024xf32, #tpu.memory_space<vmem>>, vector<1x16xf32>,
      %parallel_loop3A_753 = vector.shape_cast %parallel_loop3A_752 : vector<1x16xf32> to vector<16xf32>
      %parallel_loop3A_754 = vector.shape_cast %parallel_loop3A_749 : vector<16xf32> to vector<1x16xf32>
      tpu.vector_store %arg10[%parallel_loop3A_750, %parallel_loop3A_751], %parallel_loop3A_754 {strides = array<i32>} : memref<8x1024xf32, #tpu.memory_space<vmem>>, vector<1x16xf32>,
    } {sc.loop_unroll_factor = 4 : i64, sc.parallel_access}
    %add3A_179 = arith.constant 48 : i32
    %add3A_180 = arith.addi %mul3A_2, %add3A_179 : i32
    %dma_start3A_181 = arith.constant 0 : i32
    %dma_start3A_182 = tpu.memref_slice %arg3[%add3A_180, %dma_start3A_181] : memref<8192x1024xf32, #tpu.memory_space<hbm>> -> memref<8x1024xf32, #tpu.memory_space<hbm>>
    %dma_start3A_183 = arith.constant 0 : i32
    %dma_start3A_184 = tpu.memref_slice %arg3[%add3A_180, %dma_start3A_183] : memref<8192x1024xf32, #tpu.memory_space<hbm>> -> memref<8x1024xf32, #tpu.memory_space<hbm>>
    tpu.enqueue_dma source(%arg10 : memref<8x1024xf32, #tpu.memory_space<vmem>>) target(%dma_start3A_184 : memref<8x1024xf32, #tpu.memory_space<hbm>>) target_semaphore(%arg38 : memref<!tpu.dma_semaphore, #tpu.memory_space<semaphore_mem>>)
    %dma_wait3A_185 = arith.constant 0 : i32
    %dma_wait3A_186 = tpu.memref_slice %arg3[%add3A_81, %dma_wait3A_185] : memref<8192x1024xf32, #tpu.memory_space<hbm>> -> memref<8x1024xf32, #tpu.memory_space<hbm>>
    %dma_wait3A_187 = arith.constant 0 : i32
    %dma_wait3A_188 = tpu.memref_slice %arg3[%add3A_81, %dma_wait3A_187] : memref<8192x1024xf32, #tpu.memory_space<hbm>> -> memref<8x1024xf32, #tpu.memory_space<hbm>>
    tpu.wait_dma2 semaphore(%arg33 : memref<!tpu.dma_semaphore, #tpu.memory_space<semaphore_mem>>) src(%arg5 : memref<8x1024xf32, #tpu.memory_space<vmem>>) dst(%dma_wait3A_188 : memref<8x1024xf32, #tpu.memory_space<hbm>>)
    %add3A_189 = arith.constant 120 : i32
    %add3A_190 = arith.addi %mul3A_2, %add3A_189 : i32
    %dma_start3A_191 = arith.constant 0 : i32
    %dma_start3A_192 = tpu.memref_slice %arg2[%add3A_190, %dma_start3A_191] : memref<8192x1024xf32, #tpu.memory_space<hbm>> -> memref<8x1024xf32, #tpu.memory_space<hbm>>
    %dma_start3A_193 = arith.constant 0 : i32
    %dma_start3A_194 = tpu.memref_slice %arg2[%add3A_190, %dma_start3A_193] : memref<8192x1024xf32, #tpu.memory_space<hbm>> -> memref<8x1024xf32, #tpu.memory_space<hbm>>
    tpu.enqueue_dma source(%dma_start3A_194 : memref<8x1024xf32, #tpu.memory_space<hbm>>) target(%arg5 : memref<8x1024xf32, #tpu.memory_space<vmem>>) target_semaphore(%arg19 : memref<!tpu.dma_semaphore, #tpu.memory_space<semaphore_mem>>)
    %dma_wait3A_195 = arith.constant 0 : i32
    %dma_wait3A_196 = tpu.memref_slice %arg2[%add3A_45, %dma_wait3A_195] : memref<8192x1024xf32, #tpu.memory_space<hbm>> -> memref<8x1024xf32, #tpu.memory_space<hbm>>
    %dma_wait3A_197 = arith.constant 0 : i32
    %dma_wait3A_198 = tpu.memref_slice %arg2[%add3A_45, %dma_wait3A_197] : memref<8192x1024xf32, #tpu.memory_space<hbm>> -> memref<8x1024xf32, #tpu.memory_space<hbm>>
    tpu.wait_dma2 semaphore(%arg25 : memref<!tpu.dma_semaphore, #tpu.memory_space<semaphore_mem>>) src(%dma_wait3A_198 : memref<8x1024xf32, #tpu.memory_space<hbm>>) dst(%arg11 : memref<8x1024xf32, #tpu.memory_space<vmem>>)
    %parallel_loop3A_199 = arith.constant 0 : i32
    %parallel_loop3A_200 = arith.constant 512 : i32
    %parallel_loop3A_201 = arith.constant 1 : i32
    scf.for %parallel_loop3A_736 = %parallel_loop3A_199 to %parallel_loop3A_200 step %parallel_loop3A_201  : i32 {
      %parallel_loop3A_737 = arith.constant 6 : i32
      %parallel_loop3A_738 = arith.shrsi %parallel_loop3A_736, %parallel_loop3A_737 : i32
      %parallel_loop3A_739 = arith.constant 63 : i32
      %parallel_loop3A_740 = arith.andi %parallel_loop3A_736, %parallel_loop3A_739 : i32
      %parallel_loop3A_741 = arith.constant 16 : i32
      %parallel_loop3A_742 = arith.muli %parallel_loop3A_740, %parallel_loop3A_741 : i32
      %parallel_loop3A_743 = arith.index_cast %parallel_loop3A_738 : i32 to index
      %parallel_loop3A_744 = arith.index_cast %parallel_loop3A_742 : i32 to index
      %parallel_loop3A_745 = tpu.vector_load %arg11[%parallel_loop3A_743, %parallel_loop3A_744] {strides = array<i32>} : memref<8x1024xf32, #tpu.memory_space<vmem>>, vector<1x16xf32>,
      %parallel_loop3A_746 = vector.shape_cast %parallel_loop3A_745 : vector<1x16xf32> to vector<16xf32>
      %parallel_loop3A_747 = arith.constant 3.125000e-02 : f32
      %parallel_loop3A_748 = vector.broadcast %parallel_loop3A_747 : f32 to vector<16xf32>
      %parallel_loop3A_749 = arith.mulf %parallel_loop3A_746, %parallel_loop3A_748 : vector<16xf32>
      %parallel_loop3A_750 = arith.index_cast %parallel_loop3A_738 : i32 to index
      %parallel_loop3A_751 = arith.index_cast %parallel_loop3A_742 : i32 to index
      %parallel_loop3A_752 = tpu.vector_load %arg11[%parallel_loop3A_750, %parallel_loop3A_751] {strides = array<i32>} : memref<8x1024xf32, #tpu.memory_space<vmem>>, vector<1x16xf32>,
      %parallel_loop3A_753 = vector.shape_cast %parallel_loop3A_752 : vector<1x16xf32> to vector<16xf32>
      %parallel_loop3A_754 = vector.shape_cast %parallel_loop3A_749 : vector<16xf32> to vector<1x16xf32>
      tpu.vector_store %arg11[%parallel_loop3A_750, %parallel_loop3A_751], %parallel_loop3A_754 {strides = array<i32>} : memref<8x1024xf32, #tpu.memory_space<vmem>>, vector<1x16xf32>,
    } {sc.loop_unroll_factor = 4 : i64, sc.parallel_access}
    %add3A_202 = arith.constant 56 : i32
    %add3A_203 = arith.addi %mul3A_2, %add3A_202 : i32
    %dma_start3A_204 = arith.constant 0 : i32
    %dma_start3A_205 = tpu.memref_slice %arg3[%add3A_203, %dma_start3A_204] : memref<8192x1024xf32, #tpu.memory_space<hbm>> -> memref<8x1024xf32, #tpu.memory_space<hbm>>
    %dma_start3A_206 = arith.constant 0 : i32
    %dma_start3A_207 = tpu.memref_slice %arg3[%add3A_203, %dma_start3A_206] : memref<8192x1024xf32, #tpu.memory_space<hbm>> -> memref<8x1024xf32, #tpu.memory_space<hbm>>
    tpu.enqueue_dma source(%arg11 : memref<8x1024xf32, #tpu.memory_space<vmem>>) target(%dma_start3A_207 : memref<8x1024xf32, #tpu.memory_space<hbm>>) target_semaphore(%arg39 : memref<!tpu.dma_semaphore, #tpu.memory_space<semaphore_mem>>)
    %dma_wait3A_208 = arith.constant 0 : i32
    %dma_wait3A_209 = tpu.memref_slice %arg3[%add3A_100, %dma_wait3A_208] : memref<8192x1024xf32, #tpu.memory_space<hbm>> -> memref<8x1024xf32, #tpu.memory_space<hbm>>
    %dma_wait3A_210 = arith.constant 0 : i32
    %dma_wait3A_211 = tpu.memref_slice %arg3[%add3A_100, %dma_wait3A_210] : memref<8192x1024xf32, #tpu.memory_space<hbm>> -> memref<8x1024xf32, #tpu.memory_space<hbm>>
    tpu.wait_dma2 semaphore(%arg34 : memref<!tpu.dma_semaphore, #tpu.memory_space<semaphore_mem>>) src(%arg6 : memref<8x1024xf32, #tpu.memory_space<vmem>>) dst(%dma_wait3A_211 : memref<8x1024xf32, #tpu.memory_space<hbm>>)
    %add3A_212 = arith.constant 128 : i32
    %add3A_213 = arith.addi %mul3A_2, %add3A_212 : i32
    %dma_start3A_214 = arith.constant 0 : i32
    %dma_start3A_215 = tpu.memref_slice %arg2[%add3A_213, %dma_start3A_214] : memref<8192x1024xf32, #tpu.memory_space<hbm>> -> memref<8x1024xf32, #tpu.memory_space<hbm>>
    %dma_start3A_216 = arith.constant 0 : i32
    %dma_start3A_217 = tpu.memref_slice %arg2[%add3A_213, %dma_start3A_216] : memref<8192x1024xf32, #tpu.memory_space<hbm>> -> memref<8x1024xf32, #tpu.memory_space<hbm>>
    tpu.enqueue_dma source(%dma_start3A_217 : memref<8x1024xf32, #tpu.memory_space<hbm>>) target(%arg6 : memref<8x1024xf32, #tpu.memory_space<vmem>>) target_semaphore(%arg20 : memref<!tpu.dma_semaphore, #tpu.memory_space<semaphore_mem>>)
    %dma_wait3A_218 = arith.constant 0 : i32
    %dma_wait3A_219 = tpu.memref_slice %arg2[%add3A_51, %dma_wait3A_218] : memref<8192x1024xf32, #tpu.memory_space<hbm>> -> memref<8x1024xf32, #tpu.memory_space<hbm>>
    %dma_wait3A_220 = arith.constant 0 : i32
    %dma_wait3A_221 = tpu.memref_slice %arg2[%add3A_51, %dma_wait3A_220] : memref<8192x1024xf32, #tpu.memory_space<hbm>> -> memref<8x1024xf32, #tpu.memory_space<hbm>>
    tpu.wait_dma2 semaphore(%arg26 : memref<!tpu.dma_semaphore, #tpu.memory_space<semaphore_mem>>) src(%dma_wait3A_221 : memref<8x1024xf32, #tpu.memory_space<hbm>>) dst(%arg12 : memref<8x1024xf32, #tpu.memory_space<vmem>>)
    %parallel_loop3A_222 = arith.constant 0 : i32
    %parallel_loop3A_223 = arith.constant 512 : i32
    %parallel_loop3A_224 = arith.constant 1 : i32
    scf.for %parallel_loop3A_736 = %parallel_loop3A_222 to %parallel_loop3A_223 step %parallel_loop3A_224  : i32 {
      %parallel_loop3A_737 = arith.constant 6 : i32
      %parallel_loop3A_738 = arith.shrsi %parallel_loop3A_736, %parallel_loop3A_737 : i32
      %parallel_loop3A_739 = arith.constant 63 : i32
      %parallel_loop3A_740 = arith.andi %parallel_loop3A_736, %parallel_loop3A_739 : i32
      %parallel_loop3A_741 = arith.constant 16 : i32
      %parallel_loop3A_742 = arith.muli %parallel_loop3A_740, %parallel_loop3A_741 : i32
      %parallel_loop3A_743 = arith.index_cast %parallel_loop3A_738 : i32 to index
      %parallel_loop3A_744 = arith.index_cast %parallel_loop3A_742 : i32 to index
      %parallel_loop3A_745 = tpu.vector_load %arg12[%parallel_loop3A_743, %parallel_loop3A_744] {strides = array<i32>} : memref<8x1024xf32, #tpu.memory_space<vmem>>, vector<1x16xf32>,
      %parallel_loop3A_746 = vector.shape_cast %parallel_loop3A_745 : vector<1x16xf32> to vector<16xf32>
      %parallel_loop3A_747 = arith.constant 3.125000e-02 : f32
      %parallel_loop3A_748 = vector.broadcast %parallel_loop3A_747 : f32 to vector<16xf32>
      %parallel_loop3A_749 = arith.mulf %parallel_loop3A_746, %parallel_loop3A_748 : vector<16xf32>
      %parallel_loop3A_750 = arith.index_cast %parallel_loop3A_738 : i32 to index
      %parallel_loop3A_751 = arith.index_cast %parallel_loop3A_742 : i32 to index
      %parallel_loop3A_752 = tpu.vector_load %arg12[%parallel_loop3A_750, %parallel_loop3A_751] {strides = array<i32>} : memref<8x1024xf32, #tpu.memory_space<vmem>>, vector<1x16xf32>,
      %parallel_loop3A_753 = vector.shape_cast %parallel_loop3A_752 : vector<1x16xf32> to vector<16xf32>
      %parallel_loop3A_754 = vector.shape_cast %parallel_loop3A_749 : vector<16xf32> to vector<1x16xf32>
      tpu.vector_store %arg12[%parallel_loop3A_750, %parallel_loop3A_751], %parallel_loop3A_754 {strides = array<i32>} : memref<8x1024xf32, #tpu.memory_space<vmem>>, vector<1x16xf32>,
    } {sc.loop_unroll_factor = 4 : i64, sc.parallel_access}
    %add3A_225 = arith.constant 64 : i32
    %add3A_226 = arith.addi %mul3A_2, %add3A_225 : i32
    %dma_start3A_227 = arith.constant 0 : i32
    %dma_start3A_228 = tpu.memref_slice %arg3[%add3A_226, %dma_start3A_227] : memref<8192x1024xf32, #tpu.memory_space<hbm>> -> memref<8x1024xf32, #tpu.memory_space<hbm>>
    %dma_start3A_229 = arith.constant 0 : i32
    %dma_start3A_230 = tpu.memref_slice %arg3[%add3A_226, %dma_start3A_229] : memref<8192x1024xf32, #tpu.memory_space<hbm>> -> memref<8x1024xf32, #tpu.memory_space<hbm>>
    tpu.enqueue_dma source(%arg12 : memref<8x1024xf32, #tpu.memory_space<vmem>>) target(%dma_start3A_230 : memref<8x1024xf32, #tpu.memory_space<hbm>>) target_semaphore(%arg40 : memref<!tpu.dma_semaphore, #tpu.memory_space<semaphore_mem>>)
    %dma_wait3A_231 = arith.constant 0 : i32
    %dma_wait3A_232 = tpu.memref_slice %arg3[%add3A_119, %dma_wait3A_231] : memref<8192x1024xf32, #tpu.memory_space<hbm>> -> memref<8x1024xf32, #tpu.memory_space<hbm>>
    %dma_wait3A_233 = arith.constant 0 : i32
    %dma_wait3A_234 = tpu.memref_slice %arg3[%add3A_119, %dma_wait3A_233] : memref<8192x1024xf32, #tpu.memory_space<hbm>> -> memref<8x1024xf32, #tpu.memory_space<hbm>>
    tpu.wait_dma2 semaphore(%arg35 : memref<!tpu.dma_semaphore, #tpu.memory_space<semaphore_mem>>) src(%arg7 : memref<8x1024xf32, #tpu.memory_space<vmem>>) dst(%dma_wait3A_234 : memref<8x1024xf32, #tpu.memory_space<hbm>>)
    %add3A_235 = arith.constant 136 : i32
    %add3A_236 = arith.addi %mul3A_2, %add3A_235 : i32
    %dma_start3A_237 = arith.constant 0 : i32
    %dma_start3A_238 = tpu.memref_slice %arg2[%add3A_236, %dma_start3A_237] : memref<8192x1024xf32, #tpu.memory_space<hbm>> -> memref<8x1024xf32, #tpu.memory_space<hbm>>
    %dma_start3A_239 = arith.constant 0 : i32
    %dma_start3A_240 = tpu.memref_slice %arg2[%add3A_236, %dma_start3A_239] : memref<8192x1024xf32, #tpu.memory_space<hbm>> -> memref<8x1024xf32, #tpu.memory_space<hbm>>
    tpu.enqueue_dma source(%dma_start3A_240 : memref<8x1024xf32, #tpu.memory_space<hbm>>) target(%arg7 : memref<8x1024xf32, #tpu.memory_space<vmem>>) target_semaphore(%arg21 : memref<!tpu.dma_semaphore, #tpu.memory_space<semaphore_mem>>)
    %dma_wait3A_241 = arith.constant 0 : i32
    %dma_wait3A_242 = tpu.memref_slice %arg2[%add3A_68, %dma_wait3A_241] : memref<8192x1024xf32, #tpu.memory_space<hbm>> -> memref<8x1024xf32, #tpu.memory_space<hbm>>
    %dma_wait3A_243 = arith.constant 0 : i32
    %dma_wait3A_244 = tpu.memref_slice %arg2[%add3A_68, %dma_wait3A_243] : memref<8192x1024xf32, #tpu.memory_space<hbm>> -> memref<8x1024xf32, #tpu.memory_space<hbm>>
    tpu.wait_dma2 semaphore(%arg27 : memref<!tpu.dma_semaphore, #tpu.memory_space<semaphore_mem>>) src(%dma_wait3A_244 : memref<8x1024xf32, #tpu.memory_space<hbm>>) dst(%arg13 : memref<8x1024xf32, #tpu.memory_space<vmem>>)
    %parallel_loop3A_245 = arith.constant 0 : i32
    %parallel_loop3A_246 = arith.constant 512 : i32
    %parallel_loop3A_247 = arith.constant 1 : i32
    scf.for %parallel_loop3A_736 = %parallel_loop3A_245 to %parallel_loop3A_246 step %parallel_loop3A_247  : i32 {
      %parallel_loop3A_737 = arith.constant 6 : i32
      %parallel_loop3A_738 = arith.shrsi %parallel_loop3A_736, %parallel_loop3A_737 : i32
      %parallel_loop3A_739 = arith.constant 63 : i32
      %parallel_loop3A_740 = arith.andi %parallel_loop3A_736, %parallel_loop3A_739 : i32
      %parallel_loop3A_741 = arith.constant 16 : i32
      %parallel_loop3A_742 = arith.muli %parallel_loop3A_740, %parallel_loop3A_741 : i32
      %parallel_loop3A_743 = arith.index_cast %parallel_loop3A_738 : i32 to index
      %parallel_loop3A_744 = arith.index_cast %parallel_loop3A_742 : i32 to index
      %parallel_loop3A_745 = tpu.vector_load %arg13[%parallel_loop3A_743, %parallel_loop3A_744] {strides = array<i32>} : memref<8x1024xf32, #tpu.memory_space<vmem>>, vector<1x16xf32>,
      %parallel_loop3A_746 = vector.shape_cast %parallel_loop3A_745 : vector<1x16xf32> to vector<16xf32>
      %parallel_loop3A_747 = arith.constant 3.125000e-02 : f32
      %parallel_loop3A_748 = vector.broadcast %parallel_loop3A_747 : f32 to vector<16xf32>
      %parallel_loop3A_749 = arith.mulf %parallel_loop3A_746, %parallel_loop3A_748 : vector<16xf32>
      %parallel_loop3A_750 = arith.index_cast %parallel_loop3A_738 : i32 to index
      %parallel_loop3A_751 = arith.index_cast %parallel_loop3A_742 : i32 to index
      %parallel_loop3A_752 = tpu.vector_load %arg13[%parallel_loop3A_750, %parallel_loop3A_751] {strides = array<i32>} : memref<8x1024xf32, #tpu.memory_space<vmem>>, vector<1x16xf32>,
      %parallel_loop3A_753 = vector.shape_cast %parallel_loop3A_752 : vector<1x16xf32> to vector<16xf32>
      %parallel_loop3A_754 = vector.shape_cast %parallel_loop3A_749 : vector<16xf32> to vector<1x16xf32>
      tpu.vector_store %arg13[%parallel_loop3A_750, %parallel_loop3A_751], %parallel_loop3A_754 {strides = array<i32>} : memref<8x1024xf32, #tpu.memory_space<vmem>>, vector<1x16xf32>,
    } {sc.loop_unroll_factor = 4 : i64, sc.parallel_access}
    %add3A_248 = arith.constant 72 : i32
    %add3A_249 = arith.addi %mul3A_2, %add3A_248 : i32
    %dma_start3A_250 = arith.constant 0 : i32
    %dma_start3A_251 = tpu.memref_slice %arg3[%add3A_249, %dma_start3A_250] : memref<8192x1024xf32, #tpu.memory_space<hbm>> -> memref<8x1024xf32, #tpu.memory_space<hbm>>
    %dma_start3A_252 = arith.constant 0 : i32
    %dma_start3A_253 = tpu.memref_slice %arg3[%add3A_249, %dma_start3A_252] : memref<8192x1024xf32, #tpu.memory_space<hbm>> -> memref<8x1024xf32, #tpu.memory_space<hbm>>
    tpu.enqueue_dma source(%arg13 : memref<8x1024xf32, #tpu.memory_space<vmem>>) target(%dma_start3A_253 : memref<8x1024xf32, #tpu.memory_space<hbm>>) target_semaphore(%arg41 : memref<!tpu.dma_semaphore, #tpu.memory_space<semaphore_mem>>)
    %dma_wait3A_254 = arith.constant 0 : i32
    %dma_wait3A_255 = tpu.memref_slice %arg3[%add3A_138, %dma_wait3A_254] : memref<8192x1024xf32, #tpu.memory_space<hbm>> -> memref<8x1024xf32, #tpu.memory_space<hbm>>
    %dma_wait3A_256 = arith.constant 0 : i32
    %dma_wait3A_257 = tpu.memref_slice %arg3[%add3A_138, %dma_wait3A_256] : memref<8192x1024xf32, #tpu.memory_space<hbm>> -> memref<8x1024xf32, #tpu.memory_space<hbm>>
    tpu.wait_dma2 semaphore(%arg36 : memref<!tpu.dma_semaphore, #tpu.memory_space<semaphore_mem>>) src(%arg8 : memref<8x1024xf32, #tpu.memory_space<vmem>>) dst(%dma_wait3A_257 : memref<8x1024xf32, #tpu.memory_space<hbm>>)
    %add3A_258 = arith.constant 144 : i32
    %add3A_259 = arith.addi %mul3A_2, %add3A_258 : i32
    %dma_start3A_260 = arith.constant 0 : i32
    %dma_start3A_261 = tpu.memref_slice %arg2[%add3A_259, %dma_start3A_260] : memref<8192x1024xf32, #tpu.memory_space<hbm>> -> memref<8x1024xf32, #tpu.memory_space<hbm>>
    %dma_start3A_262 = arith.constant 0 : i32
    %dma_start3A_263 = tpu.memref_slice %arg2[%add3A_259, %dma_start3A_262] : memref<8192x1024xf32, #tpu.memory_space<hbm>> -> memref<8x1024xf32, #tpu.memory_space<hbm>>
    tpu.enqueue_dma source(%dma_start3A_263 : memref<8x1024xf32, #tpu.memory_space<hbm>>) target(%arg8 : memref<8x1024xf32, #tpu.memory_space<vmem>>) target_semaphore(%arg22 : memref<!tpu.dma_semaphore, #tpu.memory_space<semaphore_mem>>)
    %dma_wait3A_264 = arith.constant 0 : i32
    %dma_wait3A_265 = tpu.memref_slice %arg2[%add3A_87, %dma_wait3A_264] : memref<8192x1024xf32, #tpu.memory_space<hbm>> -> memref<8x1024xf32, #tpu.memory_space<hbm>>
    %dma_wait3A_266 = arith.constant 0 : i32
    %dma_wait3A_267 = tpu.memref_slice %arg2[%add3A_87, %dma_wait3A_266] : memref<8192x1024xf32, #tpu.memory_space<hbm>> -> memref<8x1024xf32, #tpu.memory_space<hbm>>
    tpu.wait_dma2 semaphore(%arg28 : memref<!tpu.dma_semaphore, #tpu.memory_space<semaphore_mem>>) src(%dma_wait3A_267 : memref<8x1024xf32, #tpu.memory_space<hbm>>) dst(%arg14 : memref<8x1024xf32, #tpu.memory_space<vmem>>)
    %parallel_loop3A_268 = arith.constant 0 : i32
    %parallel_loop3A_269 = arith.constant 512 : i32
    %parallel_loop3A_270 = arith.constant 1 : i32
    scf.for %parallel_loop3A_736 = %parallel_loop3A_268 to %parallel_loop3A_269 step %parallel_loop3A_270  : i32 {
      %parallel_loop3A_737 = arith.constant 6 : i32
      %parallel_loop3A_738 = arith.shrsi %parallel_loop3A_736, %parallel_loop3A_737 : i32
      %parallel_loop3A_739 = arith.constant 63 : i32
      %parallel_loop3A_740 = arith.andi %parallel_loop3A_736, %parallel_loop3A_739 : i32
      %parallel_loop3A_741 = arith.constant 16 : i32
      %parallel_loop3A_742 = arith.muli %parallel_loop3A_740, %parallel_loop3A_741 : i32
      %parallel_loop3A_743 = arith.index_cast %parallel_loop3A_738 : i32 to index
      %parallel_loop3A_744 = arith.index_cast %parallel_loop3A_742 : i32 to index
      %parallel_loop3A_745 = tpu.vector_load %arg14[%parallel_loop3A_743, %parallel_loop3A_744] {strides = array<i32>} : memref<8x1024xf32, #tpu.memory_space<vmem>>, vector<1x16xf32>,
      %parallel_loop3A_746 = vector.shape_cast %parallel_loop3A_745 : vector<1x16xf32> to vector<16xf32>
      %parallel_loop3A_747 = arith.constant 3.125000e-02 : f32
      %parallel_loop3A_748 = vector.broadcast %parallel_loop3A_747 : f32 to vector<16xf32>
      %parallel_loop3A_749 = arith.mulf %parallel_loop3A_746, %parallel_loop3A_748 : vector<16xf32>
      %parallel_loop3A_750 = arith.index_cast %parallel_loop3A_738 : i32 to index
      %parallel_loop3A_751 = arith.index_cast %parallel_loop3A_742 : i32 to index
      %parallel_loop3A_752 = tpu.vector_load %arg14[%parallel_loop3A_750, %parallel_loop3A_751] {strides = array<i32>} : memref<8x1024xf32, #tpu.memory_space<vmem>>, vector<1x16xf32>,
      %parallel_loop3A_753 = vector.shape_cast %parallel_loop3A_752 : vector<1x16xf32> to vector<16xf32>
      %parallel_loop3A_754 = vector.shape_cast %parallel_loop3A_749 : vector<16xf32> to vector<1x16xf32>
      tpu.vector_store %arg14[%parallel_loop3A_750, %parallel_loop3A_751], %parallel_loop3A_754 {strides = array<i32>} : memref<8x1024xf32, #tpu.memory_space<vmem>>, vector<1x16xf32>,
    } {sc.loop_unroll_factor = 4 : i64, sc.parallel_access}
    %add3A_271 = arith.constant 80 : i32
    %add3A_272 = arith.addi %mul3A_2, %add3A_271 : i32
    %dma_start3A_273 = arith.constant 0 : i32
    %dma_start3A_274 = tpu.memref_slice %arg3[%add3A_272, %dma_start3A_273] : memref<8192x1024xf32, #tpu.memory_space<hbm>> -> memref<8x1024xf32, #tpu.memory_space<hbm>>
    %dma_start3A_275 = arith.constant 0 : i32
    %dma_start3A_276 = tpu.memref_slice %arg3[%add3A_272, %dma_start3A_275] : memref<8192x1024xf32, #tpu.memory_space<hbm>> -> memref<8x1024xf32, #tpu.memory_space<hbm>>
    tpu.enqueue_dma source(%arg14 : memref<8x1024xf32, #tpu.memory_space<vmem>>) target(%dma_start3A_276 : memref<8x1024xf32, #tpu.memory_space<hbm>>) target_semaphore(%arg42 : memref<!tpu.dma_semaphore, #tpu.memory_space<semaphore_mem>>)
    %dma_wait3A_277 = arith.constant 0 : i32
    %dma_wait3A_278 = tpu.memref_slice %arg3[%add3A_157, %dma_wait3A_277] : memref<8192x1024xf32, #tpu.memory_space<hbm>> -> memref<8x1024xf32, #tpu.memory_space<hbm>>
    %dma_wait3A_279 = arith.constant 0 : i32
    %dma_wait3A_280 = tpu.memref_slice %arg3[%add3A_157, %dma_wait3A_279] : memref<8192x1024xf32, #tpu.memory_space<hbm>> -> memref<8x1024xf32, #tpu.memory_space<hbm>>
    tpu.wait_dma2 semaphore(%arg37 : memref<!tpu.dma_semaphore, #tpu.memory_space<semaphore_mem>>) src(%arg9 : memref<8x1024xf32, #tpu.memory_space<vmem>>) dst(%dma_wait3A_280 : memref<8x1024xf32, #tpu.memory_space<hbm>>)
    %add3A_281 = arith.constant 152 : i32
    %add3A_282 = arith.addi %mul3A_2, %add3A_281 : i32
    %dma_start3A_283 = arith.constant 0 : i32
    %dma_start3A_284 = tpu.memref_slice %arg2[%add3A_282, %dma_start3A_283] : memref<8192x1024xf32, #tpu.memory_space<hbm>> -> memref<8x1024xf32, #tpu.memory_space<hbm>>
    %dma_start3A_285 = arith.constant 0 : i32
    %dma_start3A_286 = tpu.memref_slice %arg2[%add3A_282, %dma_start3A_285] : memref<8192x1024xf32, #tpu.memory_space<hbm>> -> memref<8x1024xf32, #tpu.memory_space<hbm>>
    tpu.enqueue_dma source(%dma_start3A_286 : memref<8x1024xf32, #tpu.memory_space<hbm>>) target(%arg9 : memref<8x1024xf32, #tpu.memory_space<vmem>>) target_semaphore(%arg23 : memref<!tpu.dma_semaphore, #tpu.memory_space<semaphore_mem>>)
    %dma_wait3A_287 = arith.constant 0 : i32
    %dma_wait3A_288 = tpu.memref_slice %arg2[%add3A_106, %dma_wait3A_287] : memref<8192x1024xf32, #tpu.memory_space<hbm>> -> memref<8x1024xf32, #tpu.memory_space<hbm>>
    %dma_wait3A_289 = arith.constant 0 : i32
    %dma_wait3A_290 = tpu.memref_slice %arg2[%add3A_106, %dma_wait3A_289] : memref<8192x1024xf32, #tpu.memory_space<hbm>> -> memref<8x1024xf32, #tpu.memory_space<hbm>>
    tpu.wait_dma2 semaphore(%arg29 : memref<!tpu.dma_semaphore, #tpu.memory_space<semaphore_mem>>) src(%dma_wait3A_290 : memref<8x1024xf32, #tpu.memory_space<hbm>>) dst(%arg15 : memref<8x1024xf32, #tpu.memory_space<vmem>>)
    %parallel_loop3A_291 = arith.constant 0 : i32
    %parallel_loop3A_292 = arith.constant 512 : i32
    %parallel_loop3A_293 = arith.constant 1 : i32
    scf.for %parallel_loop3A_736 = %parallel_loop3A_291 to %parallel_loop3A_292 step %parallel_loop3A_293  : i32 {
      %parallel_loop3A_737 = arith.constant 6 : i32
      %parallel_loop3A_738 = arith.shrsi %parallel_loop3A_736, %parallel_loop3A_737 : i32
      %parallel_loop3A_739 = arith.constant 63 : i32
      %parallel_loop3A_740 = arith.andi %parallel_loop3A_736, %parallel_loop3A_739 : i32
      %parallel_loop3A_741 = arith.constant 16 : i32
      %parallel_loop3A_742 = arith.muli %parallel_loop3A_740, %parallel_loop3A_741 : i32
      %parallel_loop3A_743 = arith.index_cast %parallel_loop3A_738 : i32 to index
      %parallel_loop3A_744 = arith.index_cast %parallel_loop3A_742 : i32 to index
      %parallel_loop3A_745 = tpu.vector_load %arg15[%parallel_loop3A_743, %parallel_loop3A_744] {strides = array<i32>} : memref<8x1024xf32, #tpu.memory_space<vmem>>, vector<1x16xf32>,
      %parallel_loop3A_746 = vector.shape_cast %parallel_loop3A_745 : vector<1x16xf32> to vector<16xf32>
      %parallel_loop3A_747 = arith.constant 3.125000e-02 : f32
      %parallel_loop3A_748 = vector.broadcast %parallel_loop3A_747 : f32 to vector<16xf32>
      %parallel_loop3A_749 = arith.mulf %parallel_loop3A_746, %parallel_loop3A_748 : vector<16xf32>
      %parallel_loop3A_750 = arith.index_cast %parallel_loop3A_738 : i32 to index
      %parallel_loop3A_751 = arith.index_cast %parallel_loop3A_742 : i32 to index
      %parallel_loop3A_752 = tpu.vector_load %arg15[%parallel_loop3A_750, %parallel_loop3A_751] {strides = array<i32>} : memref<8x1024xf32, #tpu.memory_space<vmem>>, vector<1x16xf32>,
      %parallel_loop3A_753 = vector.shape_cast %parallel_loop3A_752 : vector<1x16xf32> to vector<16xf32>
      %parallel_loop3A_754 = vector.shape_cast %parallel_loop3A_749 : vector<16xf32> to vector<1x16xf32>
      tpu.vector_store %arg15[%parallel_loop3A_750, %parallel_loop3A_751], %parallel_loop3A_754 {strides = array<i32>} : memref<8x1024xf32, #tpu.memory_space<vmem>>, vector<1x16xf32>,
    } {sc.loop_unroll_factor = 4 : i64, sc.parallel_access}
    %add3A_294 = arith.constant 88 : i32
    %add3A_295 = arith.addi %mul3A_2, %add3A_294 : i32
    %dma_start3A_296 = arith.constant 0 : i32
    %dma_start3A_297 = tpu.memref_slice %arg3[%add3A_295, %dma_start3A_296] : memref<8192x1024xf32, #tpu.memory_space<hbm>> -> memref<8x1024xf32, #tpu.memory_space<hbm>>
    %dma_start3A_298 = arith.constant 0 : i32
    %dma_start3A_299 = tpu.memref_slice %arg3[%add3A_295, %dma_start3A_298] : memref<8192x1024xf32, #tpu.memory_space<hbm>> -> memref<8x1024xf32, #tpu.memory_space<hbm>>
    tpu.enqueue_dma source(%arg15 : memref<8x1024xf32, #tpu.memory_space<vmem>>) target(%dma_start3A_299 : memref<8x1024xf32, #tpu.memory_space<hbm>>) target_semaphore(%arg43 : memref<!tpu.dma_semaphore, #tpu.memory_space<semaphore_mem>>)
    %dma_wait3A_300 = arith.constant 0 : i32
    %dma_wait3A_301 = tpu.memref_slice %arg3[%add3A_180, %dma_wait3A_300] : memref<8192x1024xf32, #tpu.memory_space<hbm>> -> memref<8x1024xf32, #tpu.memory_space<hbm>>
    %dma_wait3A_302 = arith.constant 0 : i32
    %dma_wait3A_303 = tpu.memref_slice %arg3[%add3A_180, %dma_wait3A_302] : memref<8192x1024xf32, #tpu.memory_space<hbm>> -> memref<8x1024xf32, #tpu.memory_space<hbm>>
    tpu.wait_dma2 semaphore(%arg38 : memref<!tpu.dma_semaphore, #tpu.memory_space<semaphore_mem>>) src(%arg10 : memref<8x1024xf32, #tpu.memory_space<vmem>>) dst(%dma_wait3A_303 : memref<8x1024xf32, #tpu.memory_space<hbm>>)
    %add3A_304 = arith.constant 160 : i32
    %add3A_305 = arith.addi %mul3A_2, %add3A_304 : i32
    %dma_start3A_306 = arith.constant 0 : i32
    %dma_start3A_307 = tpu.memref_slice %arg2[%add3A_305, %dma_start3A_306] : memref<8192x1024xf32, #tpu.memory_space<hbm>> -> memref<8x1024xf32, #tpu.memory_space<hbm>>
    %dma_start3A_308 = arith.constant 0 : i32
    %dma_start3A_309 = tpu.memref_slice %arg2[%add3A_305, %dma_start3A_308] : memref<8192x1024xf32, #tpu.memory_space<hbm>> -> memref<8x1024xf32, #tpu.memory_space<hbm>>
    tpu.enqueue_dma source(%dma_start3A_309 : memref<8x1024xf32, #tpu.memory_space<hbm>>) target(%arg10 : memref<8x1024xf32, #tpu.memory_space<vmem>>) target_semaphore(%arg24 : memref<!tpu.dma_semaphore, #tpu.memory_space<semaphore_mem>>)
    %dma_wait3A_310 = arith.constant 0 : i32
    %dma_wait3A_311 = tpu.memref_slice %arg2[%add3A_125, %dma_wait3A_310] : memref<8192x1024xf32, #tpu.memory_space<hbm>> -> memref<8x1024xf32, #tpu.memory_space<hbm>>
    %dma_wait3A_312 = arith.constant 0 : i32
    %dma_wait3A_313 = tpu.memref_slice %arg2[%add3A_125, %dma_wait3A_312] : memref<8192x1024xf32, #tpu.memory_space<hbm>> -> memref<8x1024xf32, #tpu.memory_space<hbm>>
    tpu.wait_dma2 semaphore(%arg30 : memref<!tpu.dma_semaphore, #tpu.memory_space<semaphore_mem>>) src(%dma_wait3A_313 : memref<8x1024xf32, #tpu.memory_space<hbm>>) dst(%arg16 : memref<8x1024xf32, #tpu.memory_space<vmem>>)
    %parallel_loop3A_314 = arith.constant 0 : i32
    %parallel_loop3A_315 = arith.constant 512 : i32
    %parallel_loop3A_316 = arith.constant 1 : i32
    scf.for %parallel_loop3A_736 = %parallel_loop3A_314 to %parallel_loop3A_315 step %parallel_loop3A_316  : i32 {
      %parallel_loop3A_737 = arith.constant 6 : i32
      %parallel_loop3A_738 = arith.shrsi %parallel_loop3A_736, %parallel_loop3A_737 : i32
      %parallel_loop3A_739 = arith.constant 63 : i32
      %parallel_loop3A_740 = arith.andi %parallel_loop3A_736, %parallel_loop3A_739 : i32
      %parallel_loop3A_741 = arith.constant 16 : i32
      %parallel_loop3A_742 = arith.muli %parallel_loop3A_740, %parallel_loop3A_741 : i32
      %parallel_loop3A_743 = arith.index_cast %parallel_loop3A_738 : i32 to index
      %parallel_loop3A_744 = arith.index_cast %parallel_loop3A_742 : i32 to index
      %parallel_loop3A_745 = tpu.vector_load %arg16[%parallel_loop3A_743, %parallel_loop3A_744] {strides = array<i32>} : memref<8x1024xf32, #tpu.memory_space<vmem>>, vector<1x16xf32>,
      %parallel_loop3A_746 = vector.shape_cast %parallel_loop3A_745 : vector<1x16xf32> to vector<16xf32>
      %parallel_loop3A_747 = arith.constant 3.125000e-02 : f32
      %parallel_loop3A_748 = vector.broadcast %parallel_loop3A_747 : f32 to vector<16xf32>
      %parallel_loop3A_749 = arith.mulf %parallel_loop3A_746, %parallel_loop3A_748 : vector<16xf32>
      %parallel_loop3A_750 = arith.index_cast %parallel_loop3A_738 : i32 to index
      %parallel_loop3A_751 = arith.index_cast %parallel_loop3A_742 : i32 to index
      %parallel_loop3A_752 = tpu.vector_load %arg16[%parallel_loop3A_750, %parallel_loop3A_751] {strides = array<i32>} : memref<8x1024xf32, #tpu.memory_space<vmem>>, vector<1x16xf32>,
      %parallel_loop3A_753 = vector.shape_cast %parallel_loop3A_752 : vector<1x16xf32> to vector<16xf32>
      %parallel_loop3A_754 = vector.shape_cast %parallel_loop3A_749 : vector<16xf32> to vector<1x16xf32>
      tpu.vector_store %arg16[%parallel_loop3A_750, %parallel_loop3A_751], %parallel_loop3A_754 {strides = array<i32>} : memref<8x1024xf32, #tpu.memory_space<vmem>>, vector<1x16xf32>,
    } {sc.loop_unroll_factor = 4 : i64, sc.parallel_access}
    %add3A_317 = arith.constant 96 : i32
    %add3A_318 = arith.addi %mul3A_2, %add3A_317 : i32
    %dma_start3A_319 = arith.constant 0 : i32
    %dma_start3A_320 = tpu.memref_slice %arg3[%add3A_318, %dma_start3A_319] : memref<8192x1024xf32, #tpu.memory_space<hbm>> -> memref<8x1024xf32, #tpu.memory_space<hbm>>
    %dma_start3A_321 = arith.constant 0 : i32
    %dma_start3A_322 = tpu.memref_slice %arg3[%add3A_318, %dma_start3A_321] : memref<8192x1024xf32, #tpu.memory_space<hbm>> -> memref<8x1024xf32, #tpu.memory_space<hbm>>
    tpu.enqueue_dma source(%arg16 : memref<8x1024xf32, #tpu.memory_space<vmem>>) target(%dma_start3A_322 : memref<8x1024xf32, #tpu.memory_space<hbm>>) target_semaphore(%arg44 : memref<!tpu.dma_semaphore, #tpu.memory_space<semaphore_mem>>)
    %dma_wait3A_323 = arith.constant 0 : i32
    %dma_wait3A_324 = tpu.memref_slice %arg3[%add3A_203, %dma_wait3A_323] : memref<8192x1024xf32, #tpu.memory_space<hbm>> -> memref<8x1024xf32, #tpu.memory_space<hbm>>
    %dma_wait3A_325 = arith.constant 0 : i32
    %dma_wait3A_326 = tpu.memref_slice %arg3[%add3A_203, %dma_wait3A_325] : memref<8192x1024xf32, #tpu.memory_space<hbm>> -> memref<8x1024xf32, #tpu.memory_space<hbm>>
    tpu.wait_dma2 semaphore(%arg39 : memref<!tpu.dma_semaphore, #tpu.memory_space<semaphore_mem>>) src(%arg11 : memref<8x1024xf32, #tpu.memory_space<vmem>>) dst(%dma_wait3A_326 : memref<8x1024xf32, #tpu.memory_space<hbm>>)
    %add3A_327 = arith.constant 168 : i32
    %add3A_328 = arith.addi %mul3A_2, %add3A_327 : i32
    %dma_start3A_329 = arith.constant 0 : i32
    %dma_start3A_330 = tpu.memref_slice %arg2[%add3A_328, %dma_start3A_329] : memref<8192x1024xf32, #tpu.memory_space<hbm>> -> memref<8x1024xf32, #tpu.memory_space<hbm>>
    %dma_start3A_331 = arith.constant 0 : i32
    %dma_start3A_332 = tpu.memref_slice %arg2[%add3A_328, %dma_start3A_331] : memref<8192x1024xf32, #tpu.memory_space<hbm>> -> memref<8x1024xf32, #tpu.memory_space<hbm>>
    tpu.enqueue_dma source(%dma_start3A_332 : memref<8x1024xf32, #tpu.memory_space<hbm>>) target(%arg11 : memref<8x1024xf32, #tpu.memory_space<vmem>>) target_semaphore(%arg25 : memref<!tpu.dma_semaphore, #tpu.memory_space<semaphore_mem>>)
    %dma_wait3A_333 = arith.constant 0 : i32
    %dma_wait3A_334 = tpu.memref_slice %arg2[%add3A_144, %dma_wait3A_333] : memref<8192x1024xf32, #tpu.memory_space<hbm>> -> memref<8x1024xf32, #tpu.memory_space<hbm>>
    %dma_wait3A_335 = arith.constant 0 : i32
    %dma_wait3A_336 = tpu.memref_slice %arg2[%add3A_144, %dma_wait3A_335] : memref<8192x1024xf32, #tpu.memory_space<hbm>> -> memref<8x1024xf32, #tpu.memory_space<hbm>>
    tpu.wait_dma2 semaphore(%arg31 : memref<!tpu.dma_semaphore, #tpu.memory_space<semaphore_mem>>) src(%dma_wait3A_336 : memref<8x1024xf32, #tpu.memory_space<hbm>>) dst(%arg17 : memref<8x1024xf32, #tpu.memory_space<vmem>>)
    %parallel_loop3A_337 = arith.constant 0 : i32
    %parallel_loop3A_338 = arith.constant 512 : i32
    %parallel_loop3A_339 = arith.constant 1 : i32
    scf.for %parallel_loop3A_736 = %parallel_loop3A_337 to %parallel_loop3A_338 step %parallel_loop3A_339  : i32 {
      %parallel_loop3A_737 = arith.constant 6 : i32
      %parallel_loop3A_738 = arith.shrsi %parallel_loop3A_736, %parallel_loop3A_737 : i32
      %parallel_loop3A_739 = arith.constant 63 : i32
      %parallel_loop3A_740 = arith.andi %parallel_loop3A_736, %parallel_loop3A_739 : i32
      %parallel_loop3A_741 = arith.constant 16 : i32
      %parallel_loop3A_742 = arith.muli %parallel_loop3A_740, %parallel_loop3A_741 : i32
      %parallel_loop3A_743 = arith.index_cast %parallel_loop3A_738 : i32 to index
      %parallel_loop3A_744 = arith.index_cast %parallel_loop3A_742 : i32 to index
      %parallel_loop3A_745 = tpu.vector_load %arg17[%parallel_loop3A_743, %parallel_loop3A_744] {strides = array<i32>} : memref<8x1024xf32, #tpu.memory_space<vmem>>, vector<1x16xf32>,
      %parallel_loop3A_746 = vector.shape_cast %parallel_loop3A_745 : vector<1x16xf32> to vector<16xf32>
      %parallel_loop3A_747 = arith.constant 3.125000e-02 : f32
      %parallel_loop3A_748 = vector.broadcast %parallel_loop3A_747 : f32 to vector<16xf32>
      %parallel_loop3A_749 = arith.mulf %parallel_loop3A_746, %parallel_loop3A_748 : vector<16xf32>
      %parallel_loop3A_750 = arith.index_cast %parallel_loop3A_738 : i32 to index
      %parallel_loop3A_751 = arith.index_cast %parallel_loop3A_742 : i32 to index
      %parallel_loop3A_752 = tpu.vector_load %arg17[%parallel_loop3A_750, %parallel_loop3A_751] {strides = array<i32>} : memref<8x1024xf32, #tpu.memory_space<vmem>>, vector<1x16xf32>,
      %parallel_loop3A_753 = vector.shape_cast %parallel_loop3A_752 : vector<1x16xf32> to vector<16xf32>
      %parallel_loop3A_754 = vector.shape_cast %parallel_loop3A_749 : vector<16xf32> to vector<1x16xf32>
      tpu.vector_store %arg17[%parallel_loop3A_750, %parallel_loop3A_751], %parallel_loop3A_754 {strides = array<i32>} : memref<8x1024xf32, #tpu.memory_space<vmem>>, vector<1x16xf32>,
    } {sc.loop_unroll_factor = 4 : i64, sc.parallel_access}
    %add3A_340 = arith.constant 104 : i32
    %add3A_341 = arith.addi %mul3A_2, %add3A_340 : i32
    %dma_start3A_342 = arith.constant 0 : i32
    %dma_start3A_343 = tpu.memref_slice %arg3[%add3A_341, %dma_start3A_342] : memref<8192x1024xf32, #tpu.memory_space<hbm>> -> memref<8x1024xf32, #tpu.memory_space<hbm>>
    %dma_start3A_344 = arith.constant 0 : i32
    %dma_start3A_345 = tpu.memref_slice %arg3[%add3A_341, %dma_start3A_344] : memref<8192x1024xf32, #tpu.memory_space<hbm>> -> memref<8x1024xf32, #tpu.memory_space<hbm>>
    tpu.enqueue_dma source(%arg17 : memref<8x1024xf32, #tpu.memory_space<vmem>>) target(%dma_start3A_345 : memref<8x1024xf32, #tpu.memory_space<hbm>>) target_semaphore(%arg45 : memref<!tpu.dma_semaphore, #tpu.memory_space<semaphore_mem>>)
    %dma_wait3A_346 = arith.constant 0 : i32
    %dma_wait3A_347 = tpu.memref_slice %arg3[%add3A_226, %dma_wait3A_346] : memref<8192x1024xf32, #tpu.memory_space<hbm>> -> memref<8x1024xf32, #tpu.memory_space<hbm>>
    %dma_wait3A_348 = arith.constant 0 : i32
    %dma_wait3A_349 = tpu.memref_slice %arg3[%add3A_226, %dma_wait3A_348] : memref<8192x1024xf32, #tpu.memory_space<hbm>> -> memref<8x1024xf32, #tpu.memory_space<hbm>>
    tpu.wait_dma2 semaphore(%arg40 : memref<!tpu.dma_semaphore, #tpu.memory_space<semaphore_mem>>) src(%arg12 : memref<8x1024xf32, #tpu.memory_space<vmem>>) dst(%dma_wait3A_349 : memref<8x1024xf32, #tpu.memory_space<hbm>>)
    %add3A_350 = arith.constant 176 : i32
    %add3A_351 = arith.addi %mul3A_2, %add3A_350 : i32
    %dma_start3A_352 = arith.constant 0 : i32
    %dma_start3A_353 = tpu.memref_slice %arg2[%add3A_351, %dma_start3A_352] : memref<8192x1024xf32, #tpu.memory_space<hbm>> -> memref<8x1024xf32, #tpu.memory_space<hbm>>
    %dma_start3A_354 = arith.constant 0 : i32
    %dma_start3A_355 = tpu.memref_slice %arg2[%add3A_351, %dma_start3A_354] : memref<8192x1024xf32, #tpu.memory_space<hbm>> -> memref<8x1024xf32, #tpu.memory_space<hbm>>
    tpu.enqueue_dma source(%dma_start3A_355 : memref<8x1024xf32, #tpu.memory_space<hbm>>) target(%arg12 : memref<8x1024xf32, #tpu.memory_space<vmem>>) target_semaphore(%arg26 : memref<!tpu.dma_semaphore, #tpu.memory_space<semaphore_mem>>)
    %dma_wait3A_356 = arith.constant 0 : i32
    %dma_wait3A_357 = tpu.memref_slice %arg2[%add3A_167, %dma_wait3A_356] : memref<8192x1024xf32, #tpu.memory_space<hbm>> -> memref<8x1024xf32, #tpu.memory_space<hbm>>
    %dma_wait3A_358 = arith.constant 0 : i32
    %dma_wait3A_359 = tpu.memref_slice %arg2[%add3A_167, %dma_wait3A_358] : memref<8192x1024xf32, #tpu.memory_space<hbm>> -> memref<8x1024xf32, #tpu.memory_space<hbm>>
    tpu.wait_dma2 semaphore(%arg18 : memref<!tpu.dma_semaphore, #tpu.memory_space<semaphore_mem>>) src(%dma_wait3A_359 : memref<8x1024xf32, #tpu.memory_space<hbm>>) dst(%arg4 : memref<8x1024xf32, #tpu.memory_space<vmem>>)
    %parallel_loop3A_360 = arith.constant 0 : i32
    %parallel_loop3A_361 = arith.constant 512 : i32
    %parallel_loop3A_362 = arith.constant 1 : i32
    scf.for %parallel_loop3A_736 = %parallel_loop3A_360 to %parallel_loop3A_361 step %parallel_loop3A_362  : i32 {
      %parallel_loop3A_737 = arith.constant 6 : i32
      %parallel_loop3A_738 = arith.shrsi %parallel_loop3A_736, %parallel_loop3A_737 : i32
      %parallel_loop3A_739 = arith.constant 63 : i32
      %parallel_loop3A_740 = arith.andi %parallel_loop3A_736, %parallel_loop3A_739 : i32
      %parallel_loop3A_741 = arith.constant 16 : i32
      %parallel_loop3A_742 = arith.muli %parallel_loop3A_740, %parallel_loop3A_741 : i32
      %parallel_loop3A_743 = arith.index_cast %parallel_loop3A_738 : i32 to index
      %parallel_loop3A_744 = arith.index_cast %parallel_loop3A_742 : i32 to index
      %parallel_loop3A_745 = tpu.vector_load %arg4[%parallel_loop3A_743, %parallel_loop3A_744] {strides = array<i32>} : memref<8x1024xf32, #tpu.memory_space<vmem>>, vector<1x16xf32>,
      %parallel_loop3A_746 = vector.shape_cast %parallel_loop3A_745 : vector<1x16xf32> to vector<16xf32>
      %parallel_loop3A_747 = arith.constant 3.125000e-02 : f32
      %parallel_loop3A_748 = vector.broadcast %parallel_loop3A_747 : f32 to vector<16xf32>
      %parallel_loop3A_749 = arith.mulf %parallel_loop3A_746, %parallel_loop3A_748 : vector<16xf32>
      %parallel_loop3A_750 = arith.index_cast %parallel_loop3A_738 : i32 to index
      %parallel_loop3A_751 = arith.index_cast %parallel_loop3A_742 : i32 to index
      %parallel_loop3A_752 = tpu.vector_load %arg4[%parallel_loop3A_750, %parallel_loop3A_751] {strides = array<i32>} : memref<8x1024xf32, #tpu.memory_space<vmem>>, vector<1x16xf32>,
      %parallel_loop3A_753 = vector.shape_cast %parallel_loop3A_752 : vector<1x16xf32> to vector<16xf32>
      %parallel_loop3A_754 = vector.shape_cast %parallel_loop3A_749 : vector<16xf32> to vector<1x16xf32>
      tpu.vector_store %arg4[%parallel_loop3A_750, %parallel_loop3A_751], %parallel_loop3A_754 {strides = array<i32>} : memref<8x1024xf32, #tpu.memory_space<vmem>>, vector<1x16xf32>,
    } {sc.loop_unroll_factor = 4 : i64, sc.parallel_access}
    %add3A_363 = arith.constant 112 : i32
    %add3A_364 = arith.addi %mul3A_2, %add3A_363 : i32
    %dma_start3A_365 = arith.constant 0 : i32
    %dma_start3A_366 = tpu.memref_slice %arg3[%add3A_364, %dma_start3A_365] : memref<8192x1024xf32, #tpu.memory_space<hbm>> -> memref<8x1024xf32, #tpu.memory_space<hbm>>
    %dma_start3A_367 = arith.constant 0 : i32
    %dma_start3A_368 = tpu.memref_slice %arg3[%add3A_364, %dma_start3A_367] : memref<8192x1024xf32, #tpu.memory_space<hbm>> -> memref<8x1024xf32, #tpu.memory_space<hbm>>
    tpu.enqueue_dma source(%arg4 : memref<8x1024xf32, #tpu.memory_space<vmem>>) target(%dma_start3A_368 : memref<8x1024xf32, #tpu.memory_space<hbm>>) target_semaphore(%arg32 : memref<!tpu.dma_semaphore, #tpu.memory_space<semaphore_mem>>)
    %dma_wait3A_369 = arith.constant 0 : i32
    %dma_wait3A_370 = tpu.memref_slice %arg3[%add3A_249, %dma_wait3A_369] : memref<8192x1024xf32, #tpu.memory_space<hbm>> -> memref<8x1024xf32, #tpu.memory_space<hbm>>
    %dma_wait3A_371 = arith.constant 0 : i32
    %dma_wait3A_372 = tpu.memref_slice %arg3[%add3A_249, %dma_wait3A_371] : memref<8192x1024xf32, #tpu.memory_space<hbm>> -> memref<8x1024xf32, #tpu.memory_space<hbm>>
    tpu.wait_dma2 semaphore(%arg41 : memref<!tpu.dma_semaphore, #tpu.memory_space<semaphore_mem>>) src(%arg13 : memref<8x1024xf32, #tpu.memory_space<vmem>>) dst(%dma_wait3A_372 : memref<8x1024xf32, #tpu.memory_space<hbm>>)
    %add3A_373 = arith.constant 184 : i32
    %add3A_374 = arith.addi %mul3A_2, %add3A_373 : i32
    %dma_start3A_375 = arith.constant 0 : i32
    %dma_start3A_376 = tpu.memref_slice %arg2[%add3A_374, %dma_start3A_375] : memref<8192x1024xf32, #tpu.memory_space<hbm>> -> memref<8x1024xf32, #tpu.memory_space<hbm>>
    %dma_start3A_377 = arith.constant 0 : i32
    %dma_start3A_378 = tpu.memref_slice %arg2[%add3A_374, %dma_start3A_377] : memref<8192x1024xf32, #tpu.memory_space<hbm>> -> memref<8x1024xf32, #tpu.memory_space<hbm>>
    tpu.enqueue_dma source(%dma_start3A_378 : memref<8x1024xf32, #tpu.memory_space<hbm>>) target(%arg13 : memref<8x1024xf32, #tpu.memory_space<vmem>>) target_semaphore(%arg27 : memref<!tpu.dma_semaphore, #tpu.memory_space<semaphore_mem>>)
    %dma_wait3A_379 = arith.constant 0 : i32
    %dma_wait3A_380 = tpu.memref_slice %arg2[%add3A_190, %dma_wait3A_379] : memref<8192x1024xf32, #tpu.memory_space<hbm>> -> memref<8x1024xf32, #tpu.memory_space<hbm>>
    %dma_wait3A_381 = arith.constant 0 : i32
    %dma_wait3A_382 = tpu.memref_slice %arg2[%add3A_190, %dma_wait3A_381] : memref<8192x1024xf32, #tpu.memory_space<hbm>> -> memref<8x1024xf32, #tpu.memory_space<hbm>>
    tpu.wait_dma2 semaphore(%arg19 : memref<!tpu.dma_semaphore, #tpu.memory_space<semaphore_mem>>) src(%dma_wait3A_382 : memref<8x1024xf32, #tpu.memory_space<hbm>>) dst(%arg5 : memref<8x1024xf32, #tpu.memory_space<vmem>>)
    %parallel_loop3A_383 = arith.constant 0 : i32
    %parallel_loop3A_384 = arith.constant 512 : i32
    %parallel_loop3A_385 = arith.constant 1 : i32
    scf.for %parallel_loop3A_736 = %parallel_loop3A_383 to %parallel_loop3A_384 step %parallel_loop3A_385  : i32 {
      %parallel_loop3A_737 = arith.constant 6 : i32
      %parallel_loop3A_738 = arith.shrsi %parallel_loop3A_736, %parallel_loop3A_737 : i32
      %parallel_loop3A_739 = arith.constant 63 : i32
      %parallel_loop3A_740 = arith.andi %parallel_loop3A_736, %parallel_loop3A_739 : i32
      %parallel_loop3A_741 = arith.constant 16 : i32
      %parallel_loop3A_742 = arith.muli %parallel_loop3A_740, %parallel_loop3A_741 : i32
      %parallel_loop3A_743 = arith.index_cast %parallel_loop3A_738 : i32 to index
      %parallel_loop3A_744 = arith.index_cast %parallel_loop3A_742 : i32 to index
      %parallel_loop3A_745 = tpu.vector_load %arg5[%parallel_loop3A_743, %parallel_loop3A_744] {strides = array<i32>} : memref<8x1024xf32, #tpu.memory_space<vmem>>, vector<1x16xf32>,
      %parallel_loop3A_746 = vector.shape_cast %parallel_loop3A_745 : vector<1x16xf32> to vector<16xf32>
      %parallel_loop3A_747 = arith.constant 3.125000e-02 : f32
      %parallel_loop3A_748 = vector.broadcast %parallel_loop3A_747 : f32 to vector<16xf32>
      %parallel_loop3A_749 = arith.mulf %parallel_loop3A_746, %parallel_loop3A_748 : vector<16xf32>
      %parallel_loop3A_750 = arith.index_cast %parallel_loop3A_738 : i32 to index
      %parallel_loop3A_751 = arith.index_cast %parallel_loop3A_742 : i32 to index
      %parallel_loop3A_752 = tpu.vector_load %arg5[%parallel_loop3A_750, %parallel_loop3A_751] {strides = array<i32>} : memref<8x1024xf32, #tpu.memory_space<vmem>>, vector<1x16xf32>,
      %parallel_loop3A_753 = vector.shape_cast %parallel_loop3A_752 : vector<1x16xf32> to vector<16xf32>
      %parallel_loop3A_754 = vector.shape_cast %parallel_loop3A_749 : vector<16xf32> to vector<1x16xf32>
      tpu.vector_store %arg5[%parallel_loop3A_750, %parallel_loop3A_751], %parallel_loop3A_754 {strides = array<i32>} : memref<8x1024xf32, #tpu.memory_space<vmem>>, vector<1x16xf32>,
    } {sc.loop_unroll_factor = 4 : i64, sc.parallel_access}
    %add3A_386 = arith.constant 120 : i32
    %add3A_387 = arith.addi %mul3A_2, %add3A_386 : i32
    %dma_start3A_388 = arith.constant 0 : i32
    %dma_start3A_389 = tpu.memref_slice %arg3[%add3A_387, %dma_start3A_388] : memref<8192x1024xf32, #tpu.memory_space<hbm>> -> memref<8x1024xf32, #tpu.memory_space<hbm>>
    %dma_start3A_390 = arith.constant 0 : i32
    %dma_start3A_391 = tpu.memref_slice %arg3[%add3A_387, %dma_start3A_390] : memref<8192x1024xf32, #tpu.memory_space<hbm>> -> memref<8x1024xf32, #tpu.memory_space<hbm>>
    tpu.enqueue_dma source(%arg5 : memref<8x1024xf32, #tpu.memory_space<vmem>>) target(%dma_start3A_391 : memref<8x1024xf32, #tpu.memory_space<hbm>>) target_semaphore(%arg33 : memref<!tpu.dma_semaphore, #tpu.memory_space<semaphore_mem>>)
    %dma_wait3A_392 = arith.constant 0 : i32
    %dma_wait3A_393 = tpu.memref_slice %arg3[%add3A_272, %dma_wait3A_392] : memref<8192x1024xf32, #tpu.memory_space<hbm>> -> memref<8x1024xf32, #tpu.memory_space<hbm>>
    %dma_wait3A_394 = arith.constant 0 : i32
    %dma_wait3A_395 = tpu.memref_slice %arg3[%add3A_272, %dma_wait3A_394] : memref<8192x1024xf32, #tpu.memory_space<hbm>> -> memref<8x1024xf32, #tpu.memory_space<hbm>>
    tpu.wait_dma2 semaphore(%arg42 : memref<!tpu.dma_semaphore, #tpu.memory_space<semaphore_mem>>) src(%arg14 : memref<8x1024xf32, #tpu.memory_space<vmem>>) dst(%dma_wait3A_395 : memref<8x1024xf32, #tpu.memory_space<hbm>>)
    %add3A_396 = arith.constant 192 : i32
    %add3A_397 = arith.addi %mul3A_2, %add3A_396 : i32
    %dma_start3A_398 = arith.constant 0 : i32
    %dma_start3A_399 = tpu.memref_slice %arg2[%add3A_397, %dma_start3A_398] : memref<8192x1024xf32, #tpu.memory_space<hbm>> -> memref<8x1024xf32, #tpu.memory_space<hbm>>
    %dma_start3A_400 = arith.constant 0 : i32
    %dma_start3A_401 = tpu.memref_slice %arg2[%add3A_397, %dma_start3A_400] : memref<8192x1024xf32, #tpu.memory_space<hbm>> -> memref<8x1024xf32, #tpu.memory_space<hbm>>
    tpu.enqueue_dma source(%dma_start3A_401 : memref<8x1024xf32, #tpu.memory_space<hbm>>) target(%arg14 : memref<8x1024xf32, #tpu.memory_space<vmem>>) target_semaphore(%arg28 : memref<!tpu.dma_semaphore, #tpu.memory_space<semaphore_mem>>)
    %dma_wait3A_402 = arith.constant 0 : i32
    %dma_wait3A_403 = tpu.memref_slice %arg2[%add3A_213, %dma_wait3A_402] : memref<8192x1024xf32, #tpu.memory_space<hbm>> -> memref<8x1024xf32, #tpu.memory_space<hbm>>
    %dma_wait3A_404 = arith.constant 0 : i32
    %dma_wait3A_405 = tpu.memref_slice %arg2[%add3A_213, %dma_wait3A_404] : memref<8192x1024xf32, #tpu.memory_space<hbm>> -> memref<8x1024xf32, #tpu.memory_space<hbm>>
    tpu.wait_dma2 semaphore(%arg20 : memref<!tpu.dma_semaphore, #tpu.memory_space<semaphore_mem>>) src(%dma_wait3A_405 : memref<8x1024xf32, #tpu.memory_space<hbm>>) dst(%arg6 : memref<8x1024xf32, #tpu.memory_space<vmem>>)
    %parallel_loop3A_406 = arith.constant 0 : i32
    %parallel_loop3A_407 = arith.constant 512 : i32
    %parallel_loop3A_408 = arith.constant 1 : i32
    scf.for %parallel_loop3A_736 = %parallel_loop3A_406 to %parallel_loop3A_407 step %parallel_loop3A_408  : i32 {
      %parallel_loop3A_737 = arith.constant 6 : i32
      %parallel_loop3A_738 = arith.shrsi %parallel_loop3A_736, %parallel_loop3A_737 : i32
      %parallel_loop3A_739 = arith.constant 63 : i32
      %parallel_loop3A_740 = arith.andi %parallel_loop3A_736, %parallel_loop3A_739 : i32
      %parallel_loop3A_741 = arith.constant 16 : i32
      %parallel_loop3A_742 = arith.muli %parallel_loop3A_740, %parallel_loop3A_741 : i32
      %parallel_loop3A_743 = arith.index_cast %parallel_loop3A_738 : i32 to index
      %parallel_loop3A_744 = arith.index_cast %parallel_loop3A_742 : i32 to index
      %parallel_loop3A_745 = tpu.vector_load %arg6[%parallel_loop3A_743, %parallel_loop3A_744] {strides = array<i32>} : memref<8x1024xf32, #tpu.memory_space<vmem>>, vector<1x16xf32>,
      %parallel_loop3A_746 = vector.shape_cast %parallel_loop3A_745 : vector<1x16xf32> to vector<16xf32>
      %parallel_loop3A_747 = arith.constant 3.125000e-02 : f32
      %parallel_loop3A_748 = vector.broadcast %parallel_loop3A_747 : f32 to vector<16xf32>
      %parallel_loop3A_749 = arith.mulf %parallel_loop3A_746, %parallel_loop3A_748 : vector<16xf32>
      %parallel_loop3A_750 = arith.index_cast %parallel_loop3A_738 : i32 to index
      %parallel_loop3A_751 = arith.index_cast %parallel_loop3A_742 : i32 to index
      %parallel_loop3A_752 = tpu.vector_load %arg6[%parallel_loop3A_750, %parallel_loop3A_751] {strides = array<i32>} : memref<8x1024xf32, #tpu.memory_space<vmem>>, vector<1x16xf32>,
      %parallel_loop3A_753 = vector.shape_cast %parallel_loop3A_752 : vector<1x16xf32> to vector<16xf32>
      %parallel_loop3A_754 = vector.shape_cast %parallel_loop3A_749 : vector<16xf32> to vector<1x16xf32>
      tpu.vector_store %arg6[%parallel_loop3A_750, %parallel_loop3A_751], %parallel_loop3A_754 {strides = array<i32>} : memref<8x1024xf32, #tpu.memory_space<vmem>>, vector<1x16xf32>,
    } {sc.loop_unroll_factor = 4 : i64, sc.parallel_access}
    %add3A_409 = arith.constant 128 : i32
    %add3A_410 = arith.addi %mul3A_2, %add3A_409 : i32
    %dma_start3A_411 = arith.constant 0 : i32
    %dma_start3A_412 = tpu.memref_slice %arg3[%add3A_410, %dma_start3A_411] : memref<8192x1024xf32, #tpu.memory_space<hbm>> -> memref<8x1024xf32, #tpu.memory_space<hbm>>
    %dma_start3A_413 = arith.constant 0 : i32
    %dma_start3A_414 = tpu.memref_slice %arg3[%add3A_410, %dma_start3A_413] : memref<8192x1024xf32, #tpu.memory_space<hbm>> -> memref<8x1024xf32, #tpu.memory_space<hbm>>
    tpu.enqueue_dma source(%arg6 : memref<8x1024xf32, #tpu.memory_space<vmem>>) target(%dma_start3A_414 : memref<8x1024xf32, #tpu.memory_space<hbm>>) target_semaphore(%arg34 : memref<!tpu.dma_semaphore, #tpu.memory_space<semaphore_mem>>)
    %dma_wait3A_415 = arith.constant 0 : i32
    %dma_wait3A_416 = tpu.memref_slice %arg3[%add3A_295, %dma_wait3A_415] : memref<8192x1024xf32, #tpu.memory_space<hbm>> -> memref<8x1024xf32, #tpu.memory_space<hbm>>
    %dma_wait3A_417 = arith.constant 0 : i32
    %dma_wait3A_418 = tpu.memref_slice %arg3[%add3A_295, %dma_wait3A_417] : memref<8192x1024xf32, #tpu.memory_space<hbm>> -> memref<8x1024xf32, #tpu.memory_space<hbm>>
    tpu.wait_dma2 semaphore(%arg43 : memref<!tpu.dma_semaphore, #tpu.memory_space<semaphore_mem>>) src(%arg15 : memref<8x1024xf32, #tpu.memory_space<vmem>>) dst(%dma_wait3A_418 : memref<8x1024xf32, #tpu.memory_space<hbm>>)
    %add3A_419 = arith.constant 200 : i32
    %add3A_420 = arith.addi %mul3A_2, %add3A_419 : i32
    %dma_start3A_421 = arith.constant 0 : i32
    %dma_start3A_422 = tpu.memref_slice %arg2[%add3A_420, %dma_start3A_421] : memref<8192x1024xf32, #tpu.memory_space<hbm>> -> memref<8x1024xf32, #tpu.memory_space<hbm>>
    %dma_start3A_423 = arith.constant 0 : i32
    %dma_start3A_424 = tpu.memref_slice %arg2[%add3A_420, %dma_start3A_423] : memref<8192x1024xf32, #tpu.memory_space<hbm>> -> memref<8x1024xf32, #tpu.memory_space<hbm>>
    tpu.enqueue_dma source(%dma_start3A_424 : memref<8x1024xf32, #tpu.memory_space<hbm>>) target(%arg15 : memref<8x1024xf32, #tpu.memory_space<vmem>>) target_semaphore(%arg29 : memref<!tpu.dma_semaphore, #tpu.memory_space<semaphore_mem>>)
    %dma_wait3A_425 = arith.constant 0 : i32
    %dma_wait3A_426 = tpu.memref_slice %arg2[%add3A_236, %dma_wait3A_425] : memref<8192x1024xf32, #tpu.memory_space<hbm>> -> memref<8x1024xf32, #tpu.memory_space<hbm>>
    %dma_wait3A_427 = arith.constant 0 : i32
    %dma_wait3A_428 = tpu.memref_slice %arg2[%add3A_236, %dma_wait3A_427] : memref<8192x1024xf32, #tpu.memory_space<hbm>> -> memref<8x1024xf32, #tpu.memory_space<hbm>>
    tpu.wait_dma2 semaphore(%arg21 : memref<!tpu.dma_semaphore, #tpu.memory_space<semaphore_mem>>) src(%dma_wait3A_428 : memref<8x1024xf32, #tpu.memory_space<hbm>>) dst(%arg7 : memref<8x1024xf32, #tpu.memory_space<vmem>>)
    %parallel_loop3A_429 = arith.constant 0 : i32
    %parallel_loop3A_430 = arith.constant 512 : i32
    %parallel_loop3A_431 = arith.constant 1 : i32
    scf.for %parallel_loop3A_736 = %parallel_loop3A_429 to %parallel_loop3A_430 step %parallel_loop3A_431  : i32 {
      %parallel_loop3A_737 = arith.constant 6 : i32
      %parallel_loop3A_738 = arith.shrsi %parallel_loop3A_736, %parallel_loop3A_737 : i32
      %parallel_loop3A_739 = arith.constant 63 : i32
      %parallel_loop3A_740 = arith.andi %parallel_loop3A_736, %parallel_loop3A_739 : i32
      %parallel_loop3A_741 = arith.constant 16 : i32
      %parallel_loop3A_742 = arith.muli %parallel_loop3A_740, %parallel_loop3A_741 : i32
      %parallel_loop3A_743 = arith.index_cast %parallel_loop3A_738 : i32 to index
      %parallel_loop3A_744 = arith.index_cast %parallel_loop3A_742 : i32 to index
      %parallel_loop3A_745 = tpu.vector_load %arg7[%parallel_loop3A_743, %parallel_loop3A_744] {strides = array<i32>} : memref<8x1024xf32, #tpu.memory_space<vmem>>, vector<1x16xf32>,
      %parallel_loop3A_746 = vector.shape_cast %parallel_loop3A_745 : vector<1x16xf32> to vector<16xf32>
      %parallel_loop3A_747 = arith.constant 3.125000e-02 : f32
      %parallel_loop3A_748 = vector.broadcast %parallel_loop3A_747 : f32 to vector<16xf32>
      %parallel_loop3A_749 = arith.mulf %parallel_loop3A_746, %parallel_loop3A_748 : vector<16xf32>
      %parallel_loop3A_750 = arith.index_cast %parallel_loop3A_738 : i32 to index
      %parallel_loop3A_751 = arith.index_cast %parallel_loop3A_742 : i32 to index
      %parallel_loop3A_752 = tpu.vector_load %arg7[%parallel_loop3A_750, %parallel_loop3A_751] {strides = array<i32>} : memref<8x1024xf32, #tpu.memory_space<vmem>>, vector<1x16xf32>,
      %parallel_loop3A_753 = vector.shape_cast %parallel_loop3A_752 : vector<1x16xf32> to vector<16xf32>
      %parallel_loop3A_754 = vector.shape_cast %parallel_loop3A_749 : vector<16xf32> to vector<1x16xf32>
      tpu.vector_store %arg7[%parallel_loop3A_750, %parallel_loop3A_751], %parallel_loop3A_754 {strides = array<i32>} : memref<8x1024xf32, #tpu.memory_space<vmem>>, vector<1x16xf32>,
    } {sc.loop_unroll_factor = 4 : i64, sc.parallel_access}
    %add3A_432 = arith.constant 136 : i32
    %add3A_433 = arith.addi %mul3A_2, %add3A_432 : i32
    %dma_start3A_434 = arith.constant 0 : i32
    %dma_start3A_435 = tpu.memref_slice %arg3[%add3A_433, %dma_start3A_434] : memref<8192x1024xf32, #tpu.memory_space<hbm>> -> memref<8x1024xf32, #tpu.memory_space<hbm>>
    %dma_start3A_436 = arith.constant 0 : i32
    %dma_start3A_437 = tpu.memref_slice %arg3[%add3A_433, %dma_start3A_436] : memref<8192x1024xf32, #tpu.memory_space<hbm>> -> memref<8x1024xf32, #tpu.memory_space<hbm>>
    tpu.enqueue_dma source(%arg7 : memref<8x1024xf32, #tpu.memory_space<vmem>>) target(%dma_start3A_437 : memref<8x1024xf32, #tpu.memory_space<hbm>>) target_semaphore(%arg35 : memref<!tpu.dma_semaphore, #tpu.memory_space<semaphore_mem>>)
    %dma_wait3A_438 = arith.constant 0 : i32
    %dma_wait3A_439 = tpu.memref_slice %arg3[%add3A_318, %dma_wait3A_438] : memref<8192x1024xf32, #tpu.memory_space<hbm>> -> memref<8x1024xf32, #tpu.memory_space<hbm>>
    %dma_wait3A_440 = arith.constant 0 : i32
    %dma_wait3A_441 = tpu.memref_slice %arg3[%add3A_318, %dma_wait3A_440] : memref<8192x1024xf32, #tpu.memory_space<hbm>> -> memref<8x1024xf32, #tpu.memory_space<hbm>>
    tpu.wait_dma2 semaphore(%arg44 : memref<!tpu.dma_semaphore, #tpu.memory_space<semaphore_mem>>) src(%arg16 : memref<8x1024xf32, #tpu.memory_space<vmem>>) dst(%dma_wait3A_441 : memref<8x1024xf32, #tpu.memory_space<hbm>>)
    %add3A_442 = arith.constant 208 : i32
    %add3A_443 = arith.addi %mul3A_2, %add3A_442 : i32
    %dma_start3A_444 = arith.constant 0 : i32
    %dma_start3A_445 = tpu.memref_slice %arg2[%add3A_443, %dma_start3A_444] : memref<8192x1024xf32, #tpu.memory_space<hbm>> -> memref<8x1024xf32, #tpu.memory_space<hbm>>
    %dma_start3A_446 = arith.constant 0 : i32
    %dma_start3A_447 = tpu.memref_slice %arg2[%add3A_443, %dma_start3A_446] : memref<8192x1024xf32, #tpu.memory_space<hbm>> -> memref<8x1024xf32, #tpu.memory_space<hbm>>
    tpu.enqueue_dma source(%dma_start3A_447 : memref<8x1024xf32, #tpu.memory_space<hbm>>) target(%arg16 : memref<8x1024xf32, #tpu.memory_space<vmem>>) target_semaphore(%arg30 : memref<!tpu.dma_semaphore, #tpu.memory_space<semaphore_mem>>)
    %dma_wait3A_448 = arith.constant 0 : i32
    %dma_wait3A_449 = tpu.memref_slice %arg2[%add3A_259, %dma_wait3A_448] : memref<8192x1024xf32, #tpu.memory_space<hbm>> -> memref<8x1024xf32, #tpu.memory_space<hbm>>
    %dma_wait3A_450 = arith.constant 0 : i32
    %dma_wait3A_451 = tpu.memref_slice %arg2[%add3A_259, %dma_wait3A_450] : memref<8192x1024xf32, #tpu.memory_space<hbm>> -> memref<8x1024xf32, #tpu.memory_space<hbm>>
    tpu.wait_dma2 semaphore(%arg22 : memref<!tpu.dma_semaphore, #tpu.memory_space<semaphore_mem>>) src(%dma_wait3A_451 : memref<8x1024xf32, #tpu.memory_space<hbm>>) dst(%arg8 : memref<8x1024xf32, #tpu.memory_space<vmem>>)
    %parallel_loop3A_452 = arith.constant 0 : i32
    %parallel_loop3A_453 = arith.constant 512 : i32
    %parallel_loop3A_454 = arith.constant 1 : i32
    scf.for %parallel_loop3A_736 = %parallel_loop3A_452 to %parallel_loop3A_453 step %parallel_loop3A_454  : i32 {
      %parallel_loop3A_737 = arith.constant 6 : i32
      %parallel_loop3A_738 = arith.shrsi %parallel_loop3A_736, %parallel_loop3A_737 : i32
      %parallel_loop3A_739 = arith.constant 63 : i32
      %parallel_loop3A_740 = arith.andi %parallel_loop3A_736, %parallel_loop3A_739 : i32
      %parallel_loop3A_741 = arith.constant 16 : i32
      %parallel_loop3A_742 = arith.muli %parallel_loop3A_740, %parallel_loop3A_741 : i32
      %parallel_loop3A_743 = arith.index_cast %parallel_loop3A_738 : i32 to index
      %parallel_loop3A_744 = arith.index_cast %parallel_loop3A_742 : i32 to index
      %parallel_loop3A_745 = tpu.vector_load %arg8[%parallel_loop3A_743, %parallel_loop3A_744] {strides = array<i32>} : memref<8x1024xf32, #tpu.memory_space<vmem>>, vector<1x16xf32>,
      %parallel_loop3A_746 = vector.shape_cast %parallel_loop3A_745 : vector<1x16xf32> to vector<16xf32>
      %parallel_loop3A_747 = arith.constant 3.125000e-02 : f32
      %parallel_loop3A_748 = vector.broadcast %parallel_loop3A_747 : f32 to vector<16xf32>
      %parallel_loop3A_749 = arith.mulf %parallel_loop3A_746, %parallel_loop3A_748 : vector<16xf32>
      %parallel_loop3A_750 = arith.index_cast %parallel_loop3A_738 : i32 to index
      %parallel_loop3A_751 = arith.index_cast %parallel_loop3A_742 : i32 to index
      %parallel_loop3A_752 = tpu.vector_load %arg8[%parallel_loop3A_750, %parallel_loop3A_751] {strides = array<i32>} : memref<8x1024xf32, #tpu.memory_space<vmem>>, vector<1x16xf32>,
      %parallel_loop3A_753 = vector.shape_cast %parallel_loop3A_752 : vector<1x16xf32> to vector<16xf32>
      %parallel_loop3A_754 = vector.shape_cast %parallel_loop3A_749 : vector<16xf32> to vector<1x16xf32>
      tpu.vector_store %arg8[%parallel_loop3A_750, %parallel_loop3A_751], %parallel_loop3A_754 {strides = array<i32>} : memref<8x1024xf32, #tpu.memory_space<vmem>>, vector<1x16xf32>,
    } {sc.loop_unroll_factor = 4 : i64, sc.parallel_access}
    %add3A_455 = arith.constant 144 : i32
    %add3A_456 = arith.addi %mul3A_2, %add3A_455 : i32
    %dma_start3A_457 = arith.constant 0 : i32
    %dma_start3A_458 = tpu.memref_slice %arg3[%add3A_456, %dma_start3A_457] : memref<8192x1024xf32, #tpu.memory_space<hbm>> -> memref<8x1024xf32, #tpu.memory_space<hbm>>
    %dma_start3A_459 = arith.constant 0 : i32
    %dma_start3A_460 = tpu.memref_slice %arg3[%add3A_456, %dma_start3A_459] : memref<8192x1024xf32, #tpu.memory_space<hbm>> -> memref<8x1024xf32, #tpu.memory_space<hbm>>
    tpu.enqueue_dma source(%arg8 : memref<8x1024xf32, #tpu.memory_space<vmem>>) target(%dma_start3A_460 : memref<8x1024xf32, #tpu.memory_space<hbm>>) target_semaphore(%arg36 : memref<!tpu.dma_semaphore, #tpu.memory_space<semaphore_mem>>)
    %dma_wait3A_461 = arith.constant 0 : i32
    %dma_wait3A_462 = tpu.memref_slice %arg3[%add3A_341, %dma_wait3A_461] : memref<8192x1024xf32, #tpu.memory_space<hbm>> -> memref<8x1024xf32, #tpu.memory_space<hbm>>
    %dma_wait3A_463 = arith.constant 0 : i32
    %dma_wait3A_464 = tpu.memref_slice %arg3[%add3A_341, %dma_wait3A_463] : memref<8192x1024xf32, #tpu.memory_space<hbm>> -> memref<8x1024xf32, #tpu.memory_space<hbm>>
    tpu.wait_dma2 semaphore(%arg45 : memref<!tpu.dma_semaphore, #tpu.memory_space<semaphore_mem>>) src(%arg17 : memref<8x1024xf32, #tpu.memory_space<vmem>>) dst(%dma_wait3A_464 : memref<8x1024xf32, #tpu.memory_space<hbm>>)
    %add3A_465 = arith.constant 216 : i32
    %add3A_466 = arith.addi %mul3A_2, %add3A_465 : i32
    %dma_start3A_467 = arith.constant 0 : i32
    %dma_start3A_468 = tpu.memref_slice %arg2[%add3A_466, %dma_start3A_467] : memref<8192x1024xf32, #tpu.memory_space<hbm>> -> memref<8x1024xf32, #tpu.memory_space<hbm>>
    %dma_start3A_469 = arith.constant 0 : i32
    %dma_start3A_470 = tpu.memref_slice %arg2[%add3A_466, %dma_start3A_469] : memref<8192x1024xf32, #tpu.memory_space<hbm>> -> memref<8x1024xf32, #tpu.memory_space<hbm>>
    tpu.enqueue_dma source(%dma_start3A_470 : memref<8x1024xf32, #tpu.memory_space<hbm>>) target(%arg17 : memref<8x1024xf32, #tpu.memory_space<vmem>>) target_semaphore(%arg31 : memref<!tpu.dma_semaphore, #tpu.memory_space<semaphore_mem>>)
    %dma_wait3A_471 = arith.constant 0 : i32
    %dma_wait3A_472 = tpu.memref_slice %arg2[%add3A_282, %dma_wait3A_471] : memref<8192x1024xf32, #tpu.memory_space<hbm>> -> memref<8x1024xf32, #tpu.memory_space<hbm>>
    %dma_wait3A_473 = arith.constant 0 : i32
    %dma_wait3A_474 = tpu.memref_slice %arg2[%add3A_282, %dma_wait3A_473] : memref<8192x1024xf32, #tpu.memory_space<hbm>> -> memref<8x1024xf32, #tpu.memory_space<hbm>>
    tpu.wait_dma2 semaphore(%arg23 : memref<!tpu.dma_semaphore, #tpu.memory_space<semaphore_mem>>) src(%dma_wait3A_474 : memref<8x1024xf32, #tpu.memory_space<hbm>>) dst(%arg9 : memref<8x1024xf32, #tpu.memory_space<vmem>>)
    %parallel_loop3A_475 = arith.constant 0 : i32
    %parallel_loop3A_476 = arith.constant 512 : i32
    %parallel_loop3A_477 = arith.constant 1 : i32
    scf.for %parallel_loop3A_736 = %parallel_loop3A_475 to %parallel_loop3A_476 step %parallel_loop3A_477  : i32 {
      %parallel_loop3A_737 = arith.constant 6 : i32
      %parallel_loop3A_738 = arith.shrsi %parallel_loop3A_736, %parallel_loop3A_737 : i32
      %parallel_loop3A_739 = arith.constant 63 : i32
      %parallel_loop3A_740 = arith.andi %parallel_loop3A_736, %parallel_loop3A_739 : i32
      %parallel_loop3A_741 = arith.constant 16 : i32
      %parallel_loop3A_742 = arith.muli %parallel_loop3A_740, %parallel_loop3A_741 : i32
      %parallel_loop3A_743 = arith.index_cast %parallel_loop3A_738 : i32 to index
      %parallel_loop3A_744 = arith.index_cast %parallel_loop3A_742 : i32 to index
      %parallel_loop3A_745 = tpu.vector_load %arg9[%parallel_loop3A_743, %parallel_loop3A_744] {strides = array<i32>} : memref<8x1024xf32, #tpu.memory_space<vmem>>, vector<1x16xf32>,
      %parallel_loop3A_746 = vector.shape_cast %parallel_loop3A_745 : vector<1x16xf32> to vector<16xf32>
      %parallel_loop3A_747 = arith.constant 3.125000e-02 : f32
      %parallel_loop3A_748 = vector.broadcast %parallel_loop3A_747 : f32 to vector<16xf32>
      %parallel_loop3A_749 = arith.mulf %parallel_loop3A_746, %parallel_loop3A_748 : vector<16xf32>
      %parallel_loop3A_750 = arith.index_cast %parallel_loop3A_738 : i32 to index
      %parallel_loop3A_751 = arith.index_cast %parallel_loop3A_742 : i32 to index
      %parallel_loop3A_752 = tpu.vector_load %arg9[%parallel_loop3A_750, %parallel_loop3A_751] {strides = array<i32>} : memref<8x1024xf32, #tpu.memory_space<vmem>>, vector<1x16xf32>,
      %parallel_loop3A_753 = vector.shape_cast %parallel_loop3A_752 : vector<1x16xf32> to vector<16xf32>
      %parallel_loop3A_754 = vector.shape_cast %parallel_loop3A_749 : vector<16xf32> to vector<1x16xf32>
      tpu.vector_store %arg9[%parallel_loop3A_750, %parallel_loop3A_751], %parallel_loop3A_754 {strides = array<i32>} : memref<8x1024xf32, #tpu.memory_space<vmem>>, vector<1x16xf32>,
    } {sc.loop_unroll_factor = 4 : i64, sc.parallel_access}
    %add3A_478 = arith.constant 152 : i32
    %add3A_479 = arith.addi %mul3A_2, %add3A_478 : i32
    %dma_start3A_480 = arith.constant 0 : i32
    %dma_start3A_481 = tpu.memref_slice %arg3[%add3A_479, %dma_start3A_480] : memref<8192x1024xf32, #tpu.memory_space<hbm>> -> memref<8x1024xf32, #tpu.memory_space<hbm>>
    %dma_start3A_482 = arith.constant 0 : i32
    %dma_start3A_483 = tpu.memref_slice %arg3[%add3A_479, %dma_start3A_482] : memref<8192x1024xf32, #tpu.memory_space<hbm>> -> memref<8x1024xf32, #tpu.memory_space<hbm>>
    tpu.enqueue_dma source(%arg9 : memref<8x1024xf32, #tpu.memory_space<vmem>>) target(%dma_start3A_483 : memref<8x1024xf32, #tpu.memory_space<hbm>>) target_semaphore(%arg37 : memref<!tpu.dma_semaphore, #tpu.memory_space<semaphore_mem>>)
    %dma_wait3A_484 = arith.constant 0 : i32
    %dma_wait3A_485 = tpu.memref_slice %arg3[%add3A_364, %dma_wait3A_484] : memref<8192x1024xf32, #tpu.memory_space<hbm>> -> memref<8x1024xf32, #tpu.memory_space<hbm>>
    %dma_wait3A_486 = arith.constant 0 : i32
    %dma_wait3A_487 = tpu.memref_slice %arg3[%add3A_364, %dma_wait3A_486] : memref<8192x1024xf32, #tpu.memory_space<hbm>> -> memref<8x1024xf32, #tpu.memory_space<hbm>>
    tpu.wait_dma2 semaphore(%arg32 : memref<!tpu.dma_semaphore, #tpu.memory_space<semaphore_mem>>) src(%arg4 : memref<8x1024xf32, #tpu.memory_space<vmem>>) dst(%dma_wait3A_487 : memref<8x1024xf32, #tpu.memory_space<hbm>>)
    %add3A_488 = arith.constant 224 : i32
    %add3A_489 = arith.addi %mul3A_2, %add3A_488 : i32
    %dma_start3A_490 = arith.constant 0 : i32
    %dma_start3A_491 = tpu.memref_slice %arg2[%add3A_489, %dma_start3A_490] : memref<8192x1024xf32, #tpu.memory_space<hbm>> -> memref<8x1024xf32, #tpu.memory_space<hbm>>
    %dma_start3A_492 = arith.constant 0 : i32
    %dma_start3A_493 = tpu.memref_slice %arg2[%add3A_489, %dma_start3A_492] : memref<8192x1024xf32, #tpu.memory_space<hbm>> -> memref<8x1024xf32, #tpu.memory_space<hbm>>
    tpu.enqueue_dma source(%dma_start3A_493 : memref<8x1024xf32, #tpu.memory_space<hbm>>) target(%arg4 : memref<8x1024xf32, #tpu.memory_space<vmem>>) target_semaphore(%arg18 : memref<!tpu.dma_semaphore, #tpu.memory_space<semaphore_mem>>)
    %dma_wait3A_494 = arith.constant 0 : i32
    %dma_wait3A_495 = tpu.memref_slice %arg2[%add3A_305, %dma_wait3A_494] : memref<8192x1024xf32, #tpu.memory_space<hbm>> -> memref<8x1024xf32, #tpu.memory_space<hbm>>
    %dma_wait3A_496 = arith.constant 0 : i32
    %dma_wait3A_497 = tpu.memref_slice %arg2[%add3A_305, %dma_wait3A_496] : memref<8192x1024xf32, #tpu.memory_space<hbm>> -> memref<8x1024xf32, #tpu.memory_space<hbm>>
    tpu.wait_dma2 semaphore(%arg24 : memref<!tpu.dma_semaphore, #tpu.memory_space<semaphore_mem>>) src(%dma_wait3A_497 : memref<8x1024xf32, #tpu.memory_space<hbm>>) dst(%arg10 : memref<8x1024xf32, #tpu.memory_space<vmem>>)
    %parallel_loop3A_498 = arith.constant 0 : i32
    %parallel_loop3A_499 = arith.constant 512 : i32
    %parallel_loop3A_500 = arith.constant 1 : i32
    scf.for %parallel_loop3A_736 = %parallel_loop3A_498 to %parallel_loop3A_499 step %parallel_loop3A_500  : i32 {
      %parallel_loop3A_737 = arith.constant 6 : i32
      %parallel_loop3A_738 = arith.shrsi %parallel_loop3A_736, %parallel_loop3A_737 : i32
      %parallel_loop3A_739 = arith.constant 63 : i32
      %parallel_loop3A_740 = arith.andi %parallel_loop3A_736, %parallel_loop3A_739 : i32
      %parallel_loop3A_741 = arith.constant 16 : i32
      %parallel_loop3A_742 = arith.muli %parallel_loop3A_740, %parallel_loop3A_741 : i32
      %parallel_loop3A_743 = arith.index_cast %parallel_loop3A_738 : i32 to index
      %parallel_loop3A_744 = arith.index_cast %parallel_loop3A_742 : i32 to index
      %parallel_loop3A_745 = tpu.vector_load %arg10[%parallel_loop3A_743, %parallel_loop3A_744] {strides = array<i32>} : memref<8x1024xf32, #tpu.memory_space<vmem>>, vector<1x16xf32>,
      %parallel_loop3A_746 = vector.shape_cast %parallel_loop3A_745 : vector<1x16xf32> to vector<16xf32>
      %parallel_loop3A_747 = arith.constant 3.125000e-02 : f32
      %parallel_loop3A_748 = vector.broadcast %parallel_loop3A_747 : f32 to vector<16xf32>
      %parallel_loop3A_749 = arith.mulf %parallel_loop3A_746, %parallel_loop3A_748 : vector<16xf32>
      %parallel_loop3A_750 = arith.index_cast %parallel_loop3A_738 : i32 to index
      %parallel_loop3A_751 = arith.index_cast %parallel_loop3A_742 : i32 to index
      %parallel_loop3A_752 = tpu.vector_load %arg10[%parallel_loop3A_750, %parallel_loop3A_751] {strides = array<i32>} : memref<8x1024xf32, #tpu.memory_space<vmem>>, vector<1x16xf32>,
      %parallel_loop3A_753 = vector.shape_cast %parallel_loop3A_752 : vector<1x16xf32> to vector<16xf32>
      %parallel_loop3A_754 = vector.shape_cast %parallel_loop3A_749 : vector<16xf32> to vector<1x16xf32>
      tpu.vector_store %arg10[%parallel_loop3A_750, %parallel_loop3A_751], %parallel_loop3A_754 {strides = array<i32>} : memref<8x1024xf32, #tpu.memory_space<vmem>>, vector<1x16xf32>,
    } {sc.loop_unroll_factor = 4 : i64, sc.parallel_access}
    %add3A_501 = arith.constant 160 : i32
    %add3A_502 = arith.addi %mul3A_2, %add3A_501 : i32
    %dma_start3A_503 = arith.constant 0 : i32
    %dma_start3A_504 = tpu.memref_slice %arg3[%add3A_502, %dma_start3A_503] : memref<8192x1024xf32, #tpu.memory_space<hbm>> -> memref<8x1024xf32, #tpu.memory_space<hbm>>
    %dma_start3A_505 = arith.constant 0 : i32
    %dma_start3A_506 = tpu.memref_slice %arg3[%add3A_502, %dma_start3A_505] : memref<8192x1024xf32, #tpu.memory_space<hbm>> -> memref<8x1024xf32, #tpu.memory_space<hbm>>
    tpu.enqueue_dma source(%arg10 : memref<8x1024xf32, #tpu.memory_space<vmem>>) target(%dma_start3A_506 : memref<8x1024xf32, #tpu.memory_space<hbm>>) target_semaphore(%arg38 : memref<!tpu.dma_semaphore, #tpu.memory_space<semaphore_mem>>)
    %dma_wait3A_507 = arith.constant 0 : i32
    %dma_wait3A_508 = tpu.memref_slice %arg3[%add3A_387, %dma_wait3A_507] : memref<8192x1024xf32, #tpu.memory_space<hbm>> -> memref<8x1024xf32, #tpu.memory_space<hbm>>
    %dma_wait3A_509 = arith.constant 0 : i32
    %dma_wait3A_510 = tpu.memref_slice %arg3[%add3A_387, %dma_wait3A_509] : memref<8192x1024xf32, #tpu.memory_space<hbm>> -> memref<8x1024xf32, #tpu.memory_space<hbm>>
    tpu.wait_dma2 semaphore(%arg33 : memref<!tpu.dma_semaphore, #tpu.memory_space<semaphore_mem>>) src(%arg5 : memref<8x1024xf32, #tpu.memory_space<vmem>>) dst(%dma_wait3A_510 : memref<8x1024xf32, #tpu.memory_space<hbm>>)
    %add3A_511 = arith.constant 232 : i32
    %add3A_512 = arith.addi %mul3A_2, %add3A_511 : i32
    %dma_start3A_513 = arith.constant 0 : i32
    %dma_start3A_514 = tpu.memref_slice %arg2[%add3A_512, %dma_start3A_513] : memref<8192x1024xf32, #tpu.memory_space<hbm>> -> memref<8x1024xf32, #tpu.memory_space<hbm>>
    %dma_start3A_515 = arith.constant 0 : i32
    %dma_start3A_516 = tpu.memref_slice %arg2[%add3A_512, %dma_start3A_515] : memref<8192x1024xf32, #tpu.memory_space<hbm>> -> memref<8x1024xf32, #tpu.memory_space<hbm>>
    tpu.enqueue_dma source(%dma_start3A_516 : memref<8x1024xf32, #tpu.memory_space<hbm>>) target(%arg5 : memref<8x1024xf32, #tpu.memory_space<vmem>>) target_semaphore(%arg19 : memref<!tpu.dma_semaphore, #tpu.memory_space<semaphore_mem>>)
    %dma_wait3A_517 = arith.constant 0 : i32
    %dma_wait3A_518 = tpu.memref_slice %arg2[%add3A_328, %dma_wait3A_517] : memref<8192x1024xf32, #tpu.memory_space<hbm>> -> memref<8x1024xf32, #tpu.memory_space<hbm>>
    %dma_wait3A_519 = arith.constant 0 : i32
    %dma_wait3A_520 = tpu.memref_slice %arg2[%add3A_328, %dma_wait3A_519] : memref<8192x1024xf32, #tpu.memory_space<hbm>> -> memref<8x1024xf32, #tpu.memory_space<hbm>>
    tpu.wait_dma2 semaphore(%arg25 : memref<!tpu.dma_semaphore, #tpu.memory_space<semaphore_mem>>) src(%dma_wait3A_520 : memref<8x1024xf32, #tpu.memory_space<hbm>>) dst(%arg11 : memref<8x1024xf32, #tpu.memory_space<vmem>>)
    %parallel_loop3A_521 = arith.constant 0 : i32
    %parallel_loop3A_522 = arith.constant 512 : i32
    %parallel_loop3A_523 = arith.constant 1 : i32
    scf.for %parallel_loop3A_736 = %parallel_loop3A_521 to %parallel_loop3A_522 step %parallel_loop3A_523  : i32 {
      %parallel_loop3A_737 = arith.constant 6 : i32
      %parallel_loop3A_738 = arith.shrsi %parallel_loop3A_736, %parallel_loop3A_737 : i32
      %parallel_loop3A_739 = arith.constant 63 : i32
      %parallel_loop3A_740 = arith.andi %parallel_loop3A_736, %parallel_loop3A_739 : i32
      %parallel_loop3A_741 = arith.constant 16 : i32
      %parallel_loop3A_742 = arith.muli %parallel_loop3A_740, %parallel_loop3A_741 : i32
      %parallel_loop3A_743 = arith.index_cast %parallel_loop3A_738 : i32 to index
      %parallel_loop3A_744 = arith.index_cast %parallel_loop3A_742 : i32 to index
      %parallel_loop3A_745 = tpu.vector_load %arg11[%parallel_loop3A_743, %parallel_loop3A_744] {strides = array<i32>} : memref<8x1024xf32, #tpu.memory_space<vmem>>, vector<1x16xf32>,
      %parallel_loop3A_746 = vector.shape_cast %parallel_loop3A_745 : vector<1x16xf32> to vector<16xf32>
      %parallel_loop3A_747 = arith.constant 3.125000e-02 : f32
      %parallel_loop3A_748 = vector.broadcast %parallel_loop3A_747 : f32 to vector<16xf32>
      %parallel_loop3A_749 = arith.mulf %parallel_loop3A_746, %parallel_loop3A_748 : vector<16xf32>
      %parallel_loop3A_750 = arith.index_cast %parallel_loop3A_738 : i32 to index
      %parallel_loop3A_751 = arith.index_cast %parallel_loop3A_742 : i32 to index
      %parallel_loop3A_752 = tpu.vector_load %arg11[%parallel_loop3A_750, %parallel_loop3A_751] {strides = array<i32>} : memref<8x1024xf32, #tpu.memory_space<vmem>>, vector<1x16xf32>,
      %parallel_loop3A_753 = vector.shape_cast %parallel_loop3A_752 : vector<1x16xf32> to vector<16xf32>
      %parallel_loop3A_754 = vector.shape_cast %parallel_loop3A_749 : vector<16xf32> to vector<1x16xf32>
      tpu.vector_store %arg11[%parallel_loop3A_750, %parallel_loop3A_751], %parallel_loop3A_754 {strides = array<i32>} : memref<8x1024xf32, #tpu.memory_space<vmem>>, vector<1x16xf32>,
    } {sc.loop_unroll_factor = 4 : i64, sc.parallel_access}
    %add3A_524 = arith.constant 168 : i32
    %add3A_525 = arith.addi %mul3A_2, %add3A_524 : i32
    %dma_start3A_526 = arith.constant 0 : i32
    %dma_start3A_527 = tpu.memref_slice %arg3[%add3A_525, %dma_start3A_526] : memref<8192x1024xf32, #tpu.memory_space<hbm>> -> memref<8x1024xf32, #tpu.memory_space<hbm>>
    %dma_start3A_528 = arith.constant 0 : i32
    %dma_start3A_529 = tpu.memref_slice %arg3[%add3A_525, %dma_start3A_528] : memref<8192x1024xf32, #tpu.memory_space<hbm>> -> memref<8x1024xf32, #tpu.memory_space<hbm>>
    tpu.enqueue_dma source(%arg11 : memref<8x1024xf32, #tpu.memory_space<vmem>>) target(%dma_start3A_529 : memref<8x1024xf32, #tpu.memory_space<hbm>>) target_semaphore(%arg39 : memref<!tpu.dma_semaphore, #tpu.memory_space<semaphore_mem>>)
    %dma_wait3A_530 = arith.constant 0 : i32
    %dma_wait3A_531 = tpu.memref_slice %arg3[%add3A_410, %dma_wait3A_530] : memref<8192x1024xf32, #tpu.memory_space<hbm>> -> memref<8x1024xf32, #tpu.memory_space<hbm>>
    %dma_wait3A_532 = arith.constant 0 : i32
    %dma_wait3A_533 = tpu.memref_slice %arg3[%add3A_410, %dma_wait3A_532] : memref<8192x1024xf32, #tpu.memory_space<hbm>> -> memref<8x1024xf32, #tpu.memory_space<hbm>>
    tpu.wait_dma2 semaphore(%arg34 : memref<!tpu.dma_semaphore, #tpu.memory_space<semaphore_mem>>) src(%arg6 : memref<8x1024xf32, #tpu.memory_space<vmem>>) dst(%dma_wait3A_533 : memref<8x1024xf32, #tpu.memory_space<hbm>>)
    %add3A_534 = arith.constant 240 : i32
    %add3A_535 = arith.addi %mul3A_2, %add3A_534 : i32
    %dma_start3A_536 = arith.constant 0 : i32
    %dma_start3A_537 = tpu.memref_slice %arg2[%add3A_535, %dma_start3A_536] : memref<8192x1024xf32, #tpu.memory_space<hbm>> -> memref<8x1024xf32, #tpu.memory_space<hbm>>
    %dma_start3A_538 = arith.constant 0 : i32
    %dma_start3A_539 = tpu.memref_slice %arg2[%add3A_535, %dma_start3A_538] : memref<8192x1024xf32, #tpu.memory_space<hbm>> -> memref<8x1024xf32, #tpu.memory_space<hbm>>
    tpu.enqueue_dma source(%dma_start3A_539 : memref<8x1024xf32, #tpu.memory_space<hbm>>) target(%arg6 : memref<8x1024xf32, #tpu.memory_space<vmem>>) target_semaphore(%arg20 : memref<!tpu.dma_semaphore, #tpu.memory_space<semaphore_mem>>)
    %dma_wait3A_540 = arith.constant 0 : i32
    %dma_wait3A_541 = tpu.memref_slice %arg2[%add3A_351, %dma_wait3A_540] : memref<8192x1024xf32, #tpu.memory_space<hbm>> -> memref<8x1024xf32, #tpu.memory_space<hbm>>
    %dma_wait3A_542 = arith.constant 0 : i32
    %dma_wait3A_543 = tpu.memref_slice %arg2[%add3A_351, %dma_wait3A_542] : memref<8192x1024xf32, #tpu.memory_space<hbm>> -> memref<8x1024xf32, #tpu.memory_space<hbm>>
    tpu.wait_dma2 semaphore(%arg26 : memref<!tpu.dma_semaphore, #tpu.memory_space<semaphore_mem>>) src(%dma_wait3A_543 : memref<8x1024xf32, #tpu.memory_space<hbm>>) dst(%arg12 : memref<8x1024xf32, #tpu.memory_space<vmem>>)
    %parallel_loop3A_544 = arith.constant 0 : i32
    %parallel_loop3A_545 = arith.constant 512 : i32
    %parallel_loop3A_546 = arith.constant 1 : i32
    scf.for %parallel_loop3A_736 = %parallel_loop3A_544 to %parallel_loop3A_545 step %parallel_loop3A_546  : i32 {
      %parallel_loop3A_737 = arith.constant 6 : i32
      %parallel_loop3A_738 = arith.shrsi %parallel_loop3A_736, %parallel_loop3A_737 : i32
      %parallel_loop3A_739 = arith.constant 63 : i32
      %parallel_loop3A_740 = arith.andi %parallel_loop3A_736, %parallel_loop3A_739 : i32
      %parallel_loop3A_741 = arith.constant 16 : i32
      %parallel_loop3A_742 = arith.muli %parallel_loop3A_740, %parallel_loop3A_741 : i32
      %parallel_loop3A_743 = arith.index_cast %parallel_loop3A_738 : i32 to index
      %parallel_loop3A_744 = arith.index_cast %parallel_loop3A_742 : i32 to index
      %parallel_loop3A_745 = tpu.vector_load %arg12[%parallel_loop3A_743, %parallel_loop3A_744] {strides = array<i32>} : memref<8x1024xf32, #tpu.memory_space<vmem>>, vector<1x16xf32>,
      %parallel_loop3A_746 = vector.shape_cast %parallel_loop3A_745 : vector<1x16xf32> to vector<16xf32>
      %parallel_loop3A_747 = arith.constant 3.125000e-02 : f32
      %parallel_loop3A_748 = vector.broadcast %parallel_loop3A_747 : f32 to vector<16xf32>
      %parallel_loop3A_749 = arith.mulf %parallel_loop3A_746, %parallel_loop3A_748 : vector<16xf32>
      %parallel_loop3A_750 = arith.index_cast %parallel_loop3A_738 : i32 to index
      %parallel_loop3A_751 = arith.index_cast %parallel_loop3A_742 : i32 to index
      %parallel_loop3A_752 = tpu.vector_load %arg12[%parallel_loop3A_750, %parallel_loop3A_751] {strides = array<i32>} : memref<8x1024xf32, #tpu.memory_space<vmem>>, vector<1x16xf32>,
      %parallel_loop3A_753 = vector.shape_cast %parallel_loop3A_752 : vector<1x16xf32> to vector<16xf32>
      %parallel_loop3A_754 = vector.shape_cast %parallel_loop3A_749 : vector<16xf32> to vector<1x16xf32>
      tpu.vector_store %arg12[%parallel_loop3A_750, %parallel_loop3A_751], %parallel_loop3A_754 {strides = array<i32>} : memref<8x1024xf32, #tpu.memory_space<vmem>>, vector<1x16xf32>,
    } {sc.loop_unroll_factor = 4 : i64, sc.parallel_access}
    %add3A_547 = arith.constant 176 : i32
    %add3A_548 = arith.addi %mul3A_2, %add3A_547 : i32
    %dma_start3A_549 = arith.constant 0 : i32
    %dma_start3A_550 = tpu.memref_slice %arg3[%add3A_548, %dma_start3A_549] : memref<8192x1024xf32, #tpu.memory_space<hbm>> -> memref<8x1024xf32, #tpu.memory_space<hbm>>
    %dma_start3A_551 = arith.constant 0 : i32
    %dma_start3A_552 = tpu.memref_slice %arg3[%add3A_548, %dma_start3A_551] : memref<8192x1024xf32, #tpu.memory_space<hbm>> -> memref<8x1024xf32, #tpu.memory_space<hbm>>
    tpu.enqueue_dma source(%arg12 : memref<8x1024xf32, #tpu.memory_space<vmem>>) target(%dma_start3A_552 : memref<8x1024xf32, #tpu.memory_space<hbm>>) target_semaphore(%arg40 : memref<!tpu.dma_semaphore, #tpu.memory_space<semaphore_mem>>)
    %dma_wait3A_553 = arith.constant 0 : i32
    %dma_wait3A_554 = tpu.memref_slice %arg3[%add3A_433, %dma_wait3A_553] : memref<8192x1024xf32, #tpu.memory_space<hbm>> -> memref<8x1024xf32, #tpu.memory_space<hbm>>
    %dma_wait3A_555 = arith.constant 0 : i32
    %dma_wait3A_556 = tpu.memref_slice %arg3[%add3A_433, %dma_wait3A_555] : memref<8192x1024xf32, #tpu.memory_space<hbm>> -> memref<8x1024xf32, #tpu.memory_space<hbm>>
    tpu.wait_dma2 semaphore(%arg35 : memref<!tpu.dma_semaphore, #tpu.memory_space<semaphore_mem>>) src(%arg7 : memref<8x1024xf32, #tpu.memory_space<vmem>>) dst(%dma_wait3A_556 : memref<8x1024xf32, #tpu.memory_space<hbm>>)
    %add3A_557 = arith.constant 248 : i32
    %add3A_558 = arith.addi %mul3A_2, %add3A_557 : i32
    %dma_start3A_559 = arith.constant 0 : i32
    %dma_start3A_560 = tpu.memref_slice %arg2[%add3A_558, %dma_start3A_559] : memref<8192x1024xf32, #tpu.memory_space<hbm>> -> memref<8x1024xf32, #tpu.memory_space<hbm>>
    %dma_start3A_561 = arith.constant 0 : i32
    %dma_start3A_562 = tpu.memref_slice %arg2[%add3A_558, %dma_start3A_561] : memref<8192x1024xf32, #tpu.memory_space<hbm>> -> memref<8x1024xf32, #tpu.memory_space<hbm>>
    tpu.enqueue_dma source(%dma_start3A_562 : memref<8x1024xf32, #tpu.memory_space<hbm>>) target(%arg7 : memref<8x1024xf32, #tpu.memory_space<vmem>>) target_semaphore(%arg21 : memref<!tpu.dma_semaphore, #tpu.memory_space<semaphore_mem>>)
    %dma_wait3A_563 = arith.constant 0 : i32
    %dma_wait3A_564 = tpu.memref_slice %arg2[%add3A_374, %dma_wait3A_563] : memref<8192x1024xf32, #tpu.memory_space<hbm>> -> memref<8x1024xf32, #tpu.memory_space<hbm>>
    %dma_wait3A_565 = arith.constant 0 : i32
    %dma_wait3A_566 = tpu.memref_slice %arg2[%add3A_374, %dma_wait3A_565] : memref<8192x1024xf32, #tpu.memory_space<hbm>> -> memref<8x1024xf32, #tpu.memory_space<hbm>>
    tpu.wait_dma2 semaphore(%arg27 : memref<!tpu.dma_semaphore, #tpu.memory_space<semaphore_mem>>) src(%dma_wait3A_566 : memref<8x1024xf32, #tpu.memory_space<hbm>>) dst(%arg13 : memref<8x1024xf32, #tpu.memory_space<vmem>>)
    %parallel_loop3A_567 = arith.constant 0 : i32
    %parallel_loop3A_568 = arith.constant 512 : i32
    %parallel_loop3A_569 = arith.constant 1 : i32
    scf.for %parallel_loop3A_736 = %parallel_loop3A_567 to %parallel_loop3A_568 step %parallel_loop3A_569  : i32 {
      %parallel_loop3A_737 = arith.constant 6 : i32
      %parallel_loop3A_738 = arith.shrsi %parallel_loop3A_736, %parallel_loop3A_737 : i32
      %parallel_loop3A_739 = arith.constant 63 : i32
      %parallel_loop3A_740 = arith.andi %parallel_loop3A_736, %parallel_loop3A_739 : i32
      %parallel_loop3A_741 = arith.constant 16 : i32
      %parallel_loop3A_742 = arith.muli %parallel_loop3A_740, %parallel_loop3A_741 : i32
      %parallel_loop3A_743 = arith.index_cast %parallel_loop3A_738 : i32 to index
      %parallel_loop3A_744 = arith.index_cast %parallel_loop3A_742 : i32 to index
      %parallel_loop3A_745 = tpu.vector_load %arg13[%parallel_loop3A_743, %parallel_loop3A_744] {strides = array<i32>} : memref<8x1024xf32, #tpu.memory_space<vmem>>, vector<1x16xf32>,
      %parallel_loop3A_746 = vector.shape_cast %parallel_loop3A_745 : vector<1x16xf32> to vector<16xf32>
      %parallel_loop3A_747 = arith.constant 3.125000e-02 : f32
      %parallel_loop3A_748 = vector.broadcast %parallel_loop3A_747 : f32 to vector<16xf32>
      %parallel_loop3A_749 = arith.mulf %parallel_loop3A_746, %parallel_loop3A_748 : vector<16xf32>
      %parallel_loop3A_750 = arith.index_cast %parallel_loop3A_738 : i32 to index
      %parallel_loop3A_751 = arith.index_cast %parallel_loop3A_742 : i32 to index
      %parallel_loop3A_752 = tpu.vector_load %arg13[%parallel_loop3A_750, %parallel_loop3A_751] {strides = array<i32>} : memref<8x1024xf32, #tpu.memory_space<vmem>>, vector<1x16xf32>,
      %parallel_loop3A_753 = vector.shape_cast %parallel_loop3A_752 : vector<1x16xf32> to vector<16xf32>
      %parallel_loop3A_754 = vector.shape_cast %parallel_loop3A_749 : vector<16xf32> to vector<1x16xf32>
      tpu.vector_store %arg13[%parallel_loop3A_750, %parallel_loop3A_751], %parallel_loop3A_754 {strides = array<i32>} : memref<8x1024xf32, #tpu.memory_space<vmem>>, vector<1x16xf32>,
    } {sc.loop_unroll_factor = 4 : i64, sc.parallel_access}
    %add3A_570 = arith.constant 184 : i32
    %add3A_571 = arith.addi %mul3A_2, %add3A_570 : i32
    %dma_start3A_572 = arith.constant 0 : i32
    %dma_start3A_573 = tpu.memref_slice %arg3[%add3A_571, %dma_start3A_572] : memref<8192x1024xf32, #tpu.memory_space<hbm>> -> memref<8x1024xf32, #tpu.memory_space<hbm>>
    %dma_start3A_574 = arith.constant 0 : i32
    %dma_start3A_575 = tpu.memref_slice %arg3[%add3A_571, %dma_start3A_574] : memref<8192x1024xf32, #tpu.memory_space<hbm>> -> memref<8x1024xf32, #tpu.memory_space<hbm>>
    tpu.enqueue_dma source(%arg13 : memref<8x1024xf32, #tpu.memory_space<vmem>>) target(%dma_start3A_575 : memref<8x1024xf32, #tpu.memory_space<hbm>>) target_semaphore(%arg41 : memref<!tpu.dma_semaphore, #tpu.memory_space<semaphore_mem>>)
    %dma_wait3A_576 = arith.constant 0 : i32
    %dma_wait3A_577 = tpu.memref_slice %arg2[%add3A_397, %dma_wait3A_576] : memref<8192x1024xf32, #tpu.memory_space<hbm>> -> memref<8x1024xf32, #tpu.memory_space<hbm>>
    %dma_wait3A_578 = arith.constant 0 : i32
    %dma_wait3A_579 = tpu.memref_slice %arg2[%add3A_397, %dma_wait3A_578] : memref<8192x1024xf32, #tpu.memory_space<hbm>> -> memref<8x1024xf32, #tpu.memory_space<hbm>>
    tpu.wait_dma2 semaphore(%arg28 : memref<!tpu.dma_semaphore, #tpu.memory_space<semaphore_mem>>) src(%dma_wait3A_579 : memref<8x1024xf32, #tpu.memory_space<hbm>>) dst(%arg14 : memref<8x1024xf32, #tpu.memory_space<vmem>>)
    %parallel_loop3A_580 = arith.constant 0 : i32
    %parallel_loop3A_581 = arith.constant 512 : i32
    %parallel_loop3A_582 = arith.constant 1 : i32
    scf.for %parallel_loop3A_736 = %parallel_loop3A_580 to %parallel_loop3A_581 step %parallel_loop3A_582  : i32 {
      %parallel_loop3A_737 = arith.constant 6 : i32
      %parallel_loop3A_738 = arith.shrsi %parallel_loop3A_736, %parallel_loop3A_737 : i32
      %parallel_loop3A_739 = arith.constant 63 : i32
      %parallel_loop3A_740 = arith.andi %parallel_loop3A_736, %parallel_loop3A_739 : i32
      %parallel_loop3A_741 = arith.constant 16 : i32
      %parallel_loop3A_742 = arith.muli %parallel_loop3A_740, %parallel_loop3A_741 : i32
      %parallel_loop3A_743 = arith.index_cast %parallel_loop3A_738 : i32 to index
      %parallel_loop3A_744 = arith.index_cast %parallel_loop3A_742 : i32 to index
      %parallel_loop3A_745 = tpu.vector_load %arg14[%parallel_loop3A_743, %parallel_loop3A_744] {strides = array<i32>} : memref<8x1024xf32, #tpu.memory_space<vmem>>, vector<1x16xf32>,
      %parallel_loop3A_746 = vector.shape_cast %parallel_loop3A_745 : vector<1x16xf32> to vector<16xf32>
      %parallel_loop3A_747 = arith.constant 3.125000e-02 : f32
      %parallel_loop3A_748 = vector.broadcast %parallel_loop3A_747 : f32 to vector<16xf32>
      %parallel_loop3A_749 = arith.mulf %parallel_loop3A_746, %parallel_loop3A_748 : vector<16xf32>
      %parallel_loop3A_750 = arith.index_cast %parallel_loop3A_738 : i32 to index
      %parallel_loop3A_751 = arith.index_cast %parallel_loop3A_742 : i32 to index
      %parallel_loop3A_752 = tpu.vector_load %arg14[%parallel_loop3A_750, %parallel_loop3A_751] {strides = array<i32>} : memref<8x1024xf32, #tpu.memory_space<vmem>>, vector<1x16xf32>,
      %parallel_loop3A_753 = vector.shape_cast %parallel_loop3A_752 : vector<1x16xf32> to vector<16xf32>
      %parallel_loop3A_754 = vector.shape_cast %parallel_loop3A_749 : vector<16xf32> to vector<1x16xf32>
      tpu.vector_store %arg14[%parallel_loop3A_750, %parallel_loop3A_751], %parallel_loop3A_754 {strides = array<i32>} : memref<8x1024xf32, #tpu.memory_space<vmem>>, vector<1x16xf32>,
    } {sc.loop_unroll_factor = 4 : i64, sc.parallel_access}
    %add3A_583 = arith.constant 192 : i32
    %add3A_584 = arith.addi %mul3A_2, %add3A_583 : i32
    %dma_start3A_585 = arith.constant 0 : i32
    %dma_start3A_586 = tpu.memref_slice %arg3[%add3A_584, %dma_start3A_585] : memref<8192x1024xf32, #tpu.memory_space<hbm>> -> memref<8x1024xf32, #tpu.memory_space<hbm>>
    %dma_start3A_587 = arith.constant 0 : i32
    %dma_start3A_588 = tpu.memref_slice %arg3[%add3A_584, %dma_start3A_587] : memref<8192x1024xf32, #tpu.memory_space<hbm>> -> memref<8x1024xf32, #tpu.memory_space<hbm>>
    tpu.enqueue_dma source(%arg14 : memref<8x1024xf32, #tpu.memory_space<vmem>>) target(%dma_start3A_588 : memref<8x1024xf32, #tpu.memory_space<hbm>>) target_semaphore(%arg42 : memref<!tpu.dma_semaphore, #tpu.memory_space<semaphore_mem>>)
    %dma_wait3A_589 = arith.constant 0 : i32
    %dma_wait3A_590 = tpu.memref_slice %arg2[%add3A_420, %dma_wait3A_589] : memref<8192x1024xf32, #tpu.memory_space<hbm>> -> memref<8x1024xf32, #tpu.memory_space<hbm>>
    %dma_wait3A_591 = arith.constant 0 : i32
    %dma_wait3A_592 = tpu.memref_slice %arg2[%add3A_420, %dma_wait3A_591] : memref<8192x1024xf32, #tpu.memory_space<hbm>> -> memref<8x1024xf32, #tpu.memory_space<hbm>>
    tpu.wait_dma2 semaphore(%arg29 : memref<!tpu.dma_semaphore, #tpu.memory_space<semaphore_mem>>) src(%dma_wait3A_592 : memref<8x1024xf32, #tpu.memory_space<hbm>>) dst(%arg15 : memref<8x1024xf32, #tpu.memory_space<vmem>>)
    %parallel_loop3A_593 = arith.constant 0 : i32
    %parallel_loop3A_594 = arith.constant 512 : i32
    %parallel_loop3A_595 = arith.constant 1 : i32
    scf.for %parallel_loop3A_736 = %parallel_loop3A_593 to %parallel_loop3A_594 step %parallel_loop3A_595  : i32 {
      %parallel_loop3A_737 = arith.constant 6 : i32
      %parallel_loop3A_738 = arith.shrsi %parallel_loop3A_736, %parallel_loop3A_737 : i32
      %parallel_loop3A_739 = arith.constant 63 : i32
      %parallel_loop3A_740 = arith.andi %parallel_loop3A_736, %parallel_loop3A_739 : i32
      %parallel_loop3A_741 = arith.constant 16 : i32
      %parallel_loop3A_742 = arith.muli %parallel_loop3A_740, %parallel_loop3A_741 : i32
      %parallel_loop3A_743 = arith.index_cast %parallel_loop3A_738 : i32 to index
      %parallel_loop3A_744 = arith.index_cast %parallel_loop3A_742 : i32 to index
      %parallel_loop3A_745 = tpu.vector_load %arg15[%parallel_loop3A_743, %parallel_loop3A_744] {strides = array<i32>} : memref<8x1024xf32, #tpu.memory_space<vmem>>, vector<1x16xf32>,
      %parallel_loop3A_746 = vector.shape_cast %parallel_loop3A_745 : vector<1x16xf32> to vector<16xf32>
      %parallel_loop3A_747 = arith.constant 3.125000e-02 : f32
      %parallel_loop3A_748 = vector.broadcast %parallel_loop3A_747 : f32 to vector<16xf32>
      %parallel_loop3A_749 = arith.mulf %parallel_loop3A_746, %parallel_loop3A_748 : vector<16xf32>
      %parallel_loop3A_750 = arith.index_cast %parallel_loop3A_738 : i32 to index
      %parallel_loop3A_751 = arith.index_cast %parallel_loop3A_742 : i32 to index
      %parallel_loop3A_752 = tpu.vector_load %arg15[%parallel_loop3A_750, %parallel_loop3A_751] {strides = array<i32>} : memref<8x1024xf32, #tpu.memory_space<vmem>>, vector<1x16xf32>,
      %parallel_loop3A_753 = vector.shape_cast %parallel_loop3A_752 : vector<1x16xf32> to vector<16xf32>
      %parallel_loop3A_754 = vector.shape_cast %parallel_loop3A_749 : vector<16xf32> to vector<1x16xf32>
      tpu.vector_store %arg15[%parallel_loop3A_750, %parallel_loop3A_751], %parallel_loop3A_754 {strides = array<i32>} : memref<8x1024xf32, #tpu.memory_space<vmem>>, vector<1x16xf32>,
    } {sc.loop_unroll_factor = 4 : i64, sc.parallel_access}
    %add3A_596 = arith.constant 200 : i32
    %add3A_597 = arith.addi %mul3A_2, %add3A_596 : i32
    %dma_start3A_598 = arith.constant 0 : i32
    %dma_start3A_599 = tpu.memref_slice %arg3[%add3A_597, %dma_start3A_598] : memref<8192x1024xf32, #tpu.memory_space<hbm>> -> memref<8x1024xf32, #tpu.memory_space<hbm>>
    %dma_start3A_600 = arith.constant 0 : i32
    %dma_start3A_601 = tpu.memref_slice %arg3[%add3A_597, %dma_start3A_600] : memref<8192x1024xf32, #tpu.memory_space<hbm>> -> memref<8x1024xf32, #tpu.memory_space<hbm>>
    tpu.enqueue_dma source(%arg15 : memref<8x1024xf32, #tpu.memory_space<vmem>>) target(%dma_start3A_601 : memref<8x1024xf32, #tpu.memory_space<hbm>>) target_semaphore(%arg43 : memref<!tpu.dma_semaphore, #tpu.memory_space<semaphore_mem>>)
    %dma_wait3A_602 = arith.constant 0 : i32
    %dma_wait3A_603 = tpu.memref_slice %arg2[%add3A_443, %dma_wait3A_602] : memref<8192x1024xf32, #tpu.memory_space<hbm>> -> memref<8x1024xf32, #tpu.memory_space<hbm>>
    %dma_wait3A_604 = arith.constant 0 : i32
    %dma_wait3A_605 = tpu.memref_slice %arg2[%add3A_443, %dma_wait3A_604] : memref<8192x1024xf32, #tpu.memory_space<hbm>> -> memref<8x1024xf32, #tpu.memory_space<hbm>>
    tpu.wait_dma2 semaphore(%arg30 : memref<!tpu.dma_semaphore, #tpu.memory_space<semaphore_mem>>) src(%dma_wait3A_605 : memref<8x1024xf32, #tpu.memory_space<hbm>>) dst(%arg16 : memref<8x1024xf32, #tpu.memory_space<vmem>>)
    %parallel_loop3A_606 = arith.constant 0 : i32
    %parallel_loop3A_607 = arith.constant 512 : i32
    %parallel_loop3A_608 = arith.constant 1 : i32
    scf.for %parallel_loop3A_736 = %parallel_loop3A_606 to %parallel_loop3A_607 step %parallel_loop3A_608  : i32 {
      %parallel_loop3A_737 = arith.constant 6 : i32
      %parallel_loop3A_738 = arith.shrsi %parallel_loop3A_736, %parallel_loop3A_737 : i32
      %parallel_loop3A_739 = arith.constant 63 : i32
      %parallel_loop3A_740 = arith.andi %parallel_loop3A_736, %parallel_loop3A_739 : i32
      %parallel_loop3A_741 = arith.constant 16 : i32
      %parallel_loop3A_742 = arith.muli %parallel_loop3A_740, %parallel_loop3A_741 : i32
      %parallel_loop3A_743 = arith.index_cast %parallel_loop3A_738 : i32 to index
      %parallel_loop3A_744 = arith.index_cast %parallel_loop3A_742 : i32 to index
      %parallel_loop3A_745 = tpu.vector_load %arg16[%parallel_loop3A_743, %parallel_loop3A_744] {strides = array<i32>} : memref<8x1024xf32, #tpu.memory_space<vmem>>, vector<1x16xf32>,
      %parallel_loop3A_746 = vector.shape_cast %parallel_loop3A_745 : vector<1x16xf32> to vector<16xf32>
      %parallel_loop3A_747 = arith.constant 3.125000e-02 : f32
      %parallel_loop3A_748 = vector.broadcast %parallel_loop3A_747 : f32 to vector<16xf32>
      %parallel_loop3A_749 = arith.mulf %parallel_loop3A_746, %parallel_loop3A_748 : vector<16xf32>
      %parallel_loop3A_750 = arith.index_cast %parallel_loop3A_738 : i32 to index
      %parallel_loop3A_751 = arith.index_cast %parallel_loop3A_742 : i32 to index
      %parallel_loop3A_752 = tpu.vector_load %arg16[%parallel_loop3A_750, %parallel_loop3A_751] {strides = array<i32>} : memref<8x1024xf32, #tpu.memory_space<vmem>>, vector<1x16xf32>,
      %parallel_loop3A_753 = vector.shape_cast %parallel_loop3A_752 : vector<1x16xf32> to vector<16xf32>
      %parallel_loop3A_754 = vector.shape_cast %parallel_loop3A_749 : vector<16xf32> to vector<1x16xf32>
      tpu.vector_store %arg16[%parallel_loop3A_750, %parallel_loop3A_751], %parallel_loop3A_754 {strides = array<i32>} : memref<8x1024xf32, #tpu.memory_space<vmem>>, vector<1x16xf32>,
    } {sc.loop_unroll_factor = 4 : i64, sc.parallel_access}
    %add3A_609 = arith.constant 208 : i32
    %add3A_610 = arith.addi %mul3A_2, %add3A_609 : i32
    %dma_start3A_611 = arith.constant 0 : i32
    %dma_start3A_612 = tpu.memref_slice %arg3[%add3A_610, %dma_start3A_611] : memref<8192x1024xf32, #tpu.memory_space<hbm>> -> memref<8x1024xf32, #tpu.memory_space<hbm>>
    %dma_start3A_613 = arith.constant 0 : i32
    %dma_start3A_614 = tpu.memref_slice %arg3[%add3A_610, %dma_start3A_613] : memref<8192x1024xf32, #tpu.memory_space<hbm>> -> memref<8x1024xf32, #tpu.memory_space<hbm>>
    tpu.enqueue_dma source(%arg16 : memref<8x1024xf32, #tpu.memory_space<vmem>>) target(%dma_start3A_614 : memref<8x1024xf32, #tpu.memory_space<hbm>>) target_semaphore(%arg44 : memref<!tpu.dma_semaphore, #tpu.memory_space<semaphore_mem>>)
    %dma_wait3A_615 = arith.constant 0 : i32
    %dma_wait3A_616 = tpu.memref_slice %arg2[%add3A_466, %dma_wait3A_615] : memref<8192x1024xf32, #tpu.memory_space<hbm>> -> memref<8x1024xf32, #tpu.memory_space<hbm>>
    %dma_wait3A_617 = arith.constant 0 : i32
    %dma_wait3A_618 = tpu.memref_slice %arg2[%add3A_466, %dma_wait3A_617] : memref<8192x1024xf32, #tpu.memory_space<hbm>> -> memref<8x1024xf32, #tpu.memory_space<hbm>>
    tpu.wait_dma2 semaphore(%arg31 : memref<!tpu.dma_semaphore, #tpu.memory_space<semaphore_mem>>) src(%dma_wait3A_618 : memref<8x1024xf32, #tpu.memory_space<hbm>>) dst(%arg17 : memref<8x1024xf32, #tpu.memory_space<vmem>>)
    %parallel_loop3A_619 = arith.constant 0 : i32
    %parallel_loop3A_620 = arith.constant 512 : i32
    %parallel_loop3A_621 = arith.constant 1 : i32
    scf.for %parallel_loop3A_736 = %parallel_loop3A_619 to %parallel_loop3A_620 step %parallel_loop3A_621  : i32 {
      %parallel_loop3A_737 = arith.constant 6 : i32
      %parallel_loop3A_738 = arith.shrsi %parallel_loop3A_736, %parallel_loop3A_737 : i32
      %parallel_loop3A_739 = arith.constant 63 : i32
      %parallel_loop3A_740 = arith.andi %parallel_loop3A_736, %parallel_loop3A_739 : i32
      %parallel_loop3A_741 = arith.constant 16 : i32
      %parallel_loop3A_742 = arith.muli %parallel_loop3A_740, %parallel_loop3A_741 : i32
      %parallel_loop3A_743 = arith.index_cast %parallel_loop3A_738 : i32 to index
      %parallel_loop3A_744 = arith.index_cast %parallel_loop3A_742 : i32 to index
      %parallel_loop3A_745 = tpu.vector_load %arg17[%parallel_loop3A_743, %parallel_loop3A_744] {strides = array<i32>} : memref<8x1024xf32, #tpu.memory_space<vmem>>, vector<1x16xf32>,
      %parallel_loop3A_746 = vector.shape_cast %parallel_loop3A_745 : vector<1x16xf32> to vector<16xf32>
      %parallel_loop3A_747 = arith.constant 3.125000e-02 : f32
      %parallel_loop3A_748 = vector.broadcast %parallel_loop3A_747 : f32 to vector<16xf32>
      %parallel_loop3A_749 = arith.mulf %parallel_loop3A_746, %parallel_loop3A_748 : vector<16xf32>
      %parallel_loop3A_750 = arith.index_cast %parallel_loop3A_738 : i32 to index
      %parallel_loop3A_751 = arith.index_cast %parallel_loop3A_742 : i32 to index
      %parallel_loop3A_752 = tpu.vector_load %arg17[%parallel_loop3A_750, %parallel_loop3A_751] {strides = array<i32>} : memref<8x1024xf32, #tpu.memory_space<vmem>>, vector<1x16xf32>,
      %parallel_loop3A_753 = vector.shape_cast %parallel_loop3A_752 : vector<1x16xf32> to vector<16xf32>
      %parallel_loop3A_754 = vector.shape_cast %parallel_loop3A_749 : vector<16xf32> to vector<1x16xf32>
      tpu.vector_store %arg17[%parallel_loop3A_750, %parallel_loop3A_751], %parallel_loop3A_754 {strides = array<i32>} : memref<8x1024xf32, #tpu.memory_space<vmem>>, vector<1x16xf32>,
    } {sc.loop_unroll_factor = 4 : i64, sc.parallel_access}
    %add3A_622 = arith.constant 216 : i32
    %add3A_623 = arith.addi %mul3A_2, %add3A_622 : i32
    %dma_start3A_624 = arith.constant 0 : i32
    %dma_start3A_625 = tpu.memref_slice %arg3[%add3A_623, %dma_start3A_624] : memref<8192x1024xf32, #tpu.memory_space<hbm>> -> memref<8x1024xf32, #tpu.memory_space<hbm>>
    %dma_start3A_626 = arith.constant 0 : i32
    %dma_start3A_627 = tpu.memref_slice %arg3[%add3A_623, %dma_start3A_626] : memref<8192x1024xf32, #tpu.memory_space<hbm>> -> memref<8x1024xf32, #tpu.memory_space<hbm>>
    tpu.enqueue_dma source(%arg17 : memref<8x1024xf32, #tpu.memory_space<vmem>>) target(%dma_start3A_627 : memref<8x1024xf32, #tpu.memory_space<hbm>>) target_semaphore(%arg45 : memref<!tpu.dma_semaphore, #tpu.memory_space<semaphore_mem>>)
    %dma_wait3A_628 = arith.constant 0 : i32
    %dma_wait3A_629 = tpu.memref_slice %arg2[%add3A_489, %dma_wait3A_628] : memref<8192x1024xf32, #tpu.memory_space<hbm>> -> memref<8x1024xf32, #tpu.memory_space<hbm>>
    %dma_wait3A_630 = arith.constant 0 : i32
    %dma_wait3A_631 = tpu.memref_slice %arg2[%add3A_489, %dma_wait3A_630] : memref<8192x1024xf32, #tpu.memory_space<hbm>> -> memref<8x1024xf32, #tpu.memory_space<hbm>>
    tpu.wait_dma2 semaphore(%arg18 : memref<!tpu.dma_semaphore, #tpu.memory_space<semaphore_mem>>) src(%dma_wait3A_631 : memref<8x1024xf32, #tpu.memory_space<hbm>>) dst(%arg4 : memref<8x1024xf32, #tpu.memory_space<vmem>>)
    %parallel_loop3A_632 = arith.constant 0 : i32
    %parallel_loop3A_633 = arith.constant 512 : i32
    %parallel_loop3A_634 = arith.constant 1 : i32
    scf.for %parallel_loop3A_736 = %parallel_loop3A_632 to %parallel_loop3A_633 step %parallel_loop3A_634  : i32 {
      %parallel_loop3A_737 = arith.constant 6 : i32
      %parallel_loop3A_738 = arith.shrsi %parallel_loop3A_736, %parallel_loop3A_737 : i32
      %parallel_loop3A_739 = arith.constant 63 : i32
      %parallel_loop3A_740 = arith.andi %parallel_loop3A_736, %parallel_loop3A_739 : i32
      %parallel_loop3A_741 = arith.constant 16 : i32
      %parallel_loop3A_742 = arith.muli %parallel_loop3A_740, %parallel_loop3A_741 : i32
      %parallel_loop3A_743 = arith.index_cast %parallel_loop3A_738 : i32 to index
      %parallel_loop3A_744 = arith.index_cast %parallel_loop3A_742 : i32 to index
      %parallel_loop3A_745 = tpu.vector_load %arg4[%parallel_loop3A_743, %parallel_loop3A_744] {strides = array<i32>} : memref<8x1024xf32, #tpu.memory_space<vmem>>, vector<1x16xf32>,
      %parallel_loop3A_746 = vector.shape_cast %parallel_loop3A_745 : vector<1x16xf32> to vector<16xf32>
      %parallel_loop3A_747 = arith.constant 3.125000e-02 : f32
      %parallel_loop3A_748 = vector.broadcast %parallel_loop3A_747 : f32 to vector<16xf32>
      %parallel_loop3A_749 = arith.mulf %parallel_loop3A_746, %parallel_loop3A_748 : vector<16xf32>
      %parallel_loop3A_750 = arith.index_cast %parallel_loop3A_738 : i32 to index
      %parallel_loop3A_751 = arith.index_cast %parallel_loop3A_742 : i32 to index
      %parallel_loop3A_752 = tpu.vector_load %arg4[%parallel_loop3A_750, %parallel_loop3A_751] {strides = array<i32>} : memref<8x1024xf32, #tpu.memory_space<vmem>>, vector<1x16xf32>,
      %parallel_loop3A_753 = vector.shape_cast %parallel_loop3A_752 : vector<1x16xf32> to vector<16xf32>
      %parallel_loop3A_754 = vector.shape_cast %parallel_loop3A_749 : vector<16xf32> to vector<1x16xf32>
      tpu.vector_store %arg4[%parallel_loop3A_750, %parallel_loop3A_751], %parallel_loop3A_754 {strides = array<i32>} : memref<8x1024xf32, #tpu.memory_space<vmem>>, vector<1x16xf32>,
    } {sc.loop_unroll_factor = 4 : i64, sc.parallel_access}
    %add3A_635 = arith.constant 224 : i32
    %add3A_636 = arith.addi %mul3A_2, %add3A_635 : i32
    %dma_start3A_637 = arith.constant 0 : i32
    %dma_start3A_638 = tpu.memref_slice %arg3[%add3A_636, %dma_start3A_637] : memref<8192x1024xf32, #tpu.memory_space<hbm>> -> memref<8x1024xf32, #tpu.memory_space<hbm>>
    %dma_start3A_639 = arith.constant 0 : i32
    %dma_start3A_640 = tpu.memref_slice %arg3[%add3A_636, %dma_start3A_639] : memref<8192x1024xf32, #tpu.memory_space<hbm>> -> memref<8x1024xf32, #tpu.memory_space<hbm>>
    tpu.enqueue_dma source(%arg4 : memref<8x1024xf32, #tpu.memory_space<vmem>>) target(%dma_start3A_640 : memref<8x1024xf32, #tpu.memory_space<hbm>>) target_semaphore(%arg32 : memref<!tpu.dma_semaphore, #tpu.memory_space<semaphore_mem>>)
    %dma_wait3A_641 = arith.constant 0 : i32
    %dma_wait3A_642 = tpu.memref_slice %arg2[%add3A_512, %dma_wait3A_641] : memref<8192x1024xf32, #tpu.memory_space<hbm>> -> memref<8x1024xf32, #tpu.memory_space<hbm>>
    %dma_wait3A_643 = arith.constant 0 : i32
    %dma_wait3A_644 = tpu.memref_slice %arg2[%add3A_512, %dma_wait3A_643] : memref<8192x1024xf32, #tpu.memory_space<hbm>> -> memref<8x1024xf32, #tpu.memory_space<hbm>>
    tpu.wait_dma2 semaphore(%arg19 : memref<!tpu.dma_semaphore, #tpu.memory_space<semaphore_mem>>) src(%dma_wait3A_644 : memref<8x1024xf32, #tpu.memory_space<hbm>>) dst(%arg5 : memref<8x1024xf32, #tpu.memory_space<vmem>>)
    %parallel_loop3A_645 = arith.constant 0 : i32
    %parallel_loop3A_646 = arith.constant 512 : i32
    %parallel_loop3A_647 = arith.constant 1 : i32
    scf.for %parallel_loop3A_736 = %parallel_loop3A_645 to %parallel_loop3A_646 step %parallel_loop3A_647  : i32 {
      %parallel_loop3A_737 = arith.constant 6 : i32
      %parallel_loop3A_738 = arith.shrsi %parallel_loop3A_736, %parallel_loop3A_737 : i32
      %parallel_loop3A_739 = arith.constant 63 : i32
      %parallel_loop3A_740 = arith.andi %parallel_loop3A_736, %parallel_loop3A_739 : i32
      %parallel_loop3A_741 = arith.constant 16 : i32
      %parallel_loop3A_742 = arith.muli %parallel_loop3A_740, %parallel_loop3A_741 : i32
      %parallel_loop3A_743 = arith.index_cast %parallel_loop3A_738 : i32 to index
      %parallel_loop3A_744 = arith.index_cast %parallel_loop3A_742 : i32 to index
      %parallel_loop3A_745 = tpu.vector_load %arg5[%parallel_loop3A_743, %parallel_loop3A_744] {strides = array<i32>} : memref<8x1024xf32, #tpu.memory_space<vmem>>, vector<1x16xf32>,
      %parallel_loop3A_746 = vector.shape_cast %parallel_loop3A_745 : vector<1x16xf32> to vector<16xf32>
      %parallel_loop3A_747 = arith.constant 3.125000e-02 : f32
      %parallel_loop3A_748 = vector.broadcast %parallel_loop3A_747 : f32 to vector<16xf32>
      %parallel_loop3A_749 = arith.mulf %parallel_loop3A_746, %parallel_loop3A_748 : vector<16xf32>
      %parallel_loop3A_750 = arith.index_cast %parallel_loop3A_738 : i32 to index
      %parallel_loop3A_751 = arith.index_cast %parallel_loop3A_742 : i32 to index
      %parallel_loop3A_752 = tpu.vector_load %arg5[%parallel_loop3A_750, %parallel_loop3A_751] {strides = array<i32>} : memref<8x1024xf32, #tpu.memory_space<vmem>>, vector<1x16xf32>,
      %parallel_loop3A_753 = vector.shape_cast %parallel_loop3A_752 : vector<1x16xf32> to vector<16xf32>
      %parallel_loop3A_754 = vector.shape_cast %parallel_loop3A_749 : vector<16xf32> to vector<1x16xf32>
      tpu.vector_store %arg5[%parallel_loop3A_750, %parallel_loop3A_751], %parallel_loop3A_754 {strides = array<i32>} : memref<8x1024xf32, #tpu.memory_space<vmem>>, vector<1x16xf32>,
    } {sc.loop_unroll_factor = 4 : i64, sc.parallel_access}
    %add3A_648 = arith.constant 232 : i32
    %add3A_649 = arith.addi %mul3A_2, %add3A_648 : i32
    %dma_start3A_650 = arith.constant 0 : i32
    %dma_start3A_651 = tpu.memref_slice %arg3[%add3A_649, %dma_start3A_650] : memref<8192x1024xf32, #tpu.memory_space<hbm>> -> memref<8x1024xf32, #tpu.memory_space<hbm>>
    %dma_start3A_652 = arith.constant 0 : i32
    %dma_start3A_653 = tpu.memref_slice %arg3[%add3A_649, %dma_start3A_652] : memref<8192x1024xf32, #tpu.memory_space<hbm>> -> memref<8x1024xf32, #tpu.memory_space<hbm>>
    tpu.enqueue_dma source(%arg5 : memref<8x1024xf32, #tpu.memory_space<vmem>>) target(%dma_start3A_653 : memref<8x1024xf32, #tpu.memory_space<hbm>>) target_semaphore(%arg33 : memref<!tpu.dma_semaphore, #tpu.memory_space<semaphore_mem>>)
    %dma_wait3A_654 = arith.constant 0 : i32
    %dma_wait3A_655 = tpu.memref_slice %arg2[%add3A_535, %dma_wait3A_654] : memref<8192x1024xf32, #tpu.memory_space<hbm>> -> memref<8x1024xf32, #tpu.memory_space<hbm>>
    %dma_wait3A_656 = arith.constant 0 : i32
    %dma_wait3A_657 = tpu.memref_slice %arg2[%add3A_535, %dma_wait3A_656] : memref<8192x1024xf32, #tpu.memory_space<hbm>> -> memref<8x1024xf32, #tpu.memory_space<hbm>>
    tpu.wait_dma2 semaphore(%arg20 : memref<!tpu.dma_semaphore, #tpu.memory_space<semaphore_mem>>) src(%dma_wait3A_657 : memref<8x1024xf32, #tpu.memory_space<hbm>>) dst(%arg6 : memref<8x1024xf32, #tpu.memory_space<vmem>>)
    %parallel_loop3A_658 = arith.constant 0 : i32
    %parallel_loop3A_659 = arith.constant 512 : i32
    %parallel_loop3A_660 = arith.constant 1 : i32
    scf.for %parallel_loop3A_736 = %parallel_loop3A_658 to %parallel_loop3A_659 step %parallel_loop3A_660  : i32 {
      %parallel_loop3A_737 = arith.constant 6 : i32
      %parallel_loop3A_738 = arith.shrsi %parallel_loop3A_736, %parallel_loop3A_737 : i32
      %parallel_loop3A_739 = arith.constant 63 : i32
      %parallel_loop3A_740 = arith.andi %parallel_loop3A_736, %parallel_loop3A_739 : i32
      %parallel_loop3A_741 = arith.constant 16 : i32
      %parallel_loop3A_742 = arith.muli %parallel_loop3A_740, %parallel_loop3A_741 : i32
      %parallel_loop3A_743 = arith.index_cast %parallel_loop3A_738 : i32 to index
      %parallel_loop3A_744 = arith.index_cast %parallel_loop3A_742 : i32 to index
      %parallel_loop3A_745 = tpu.vector_load %arg6[%parallel_loop3A_743, %parallel_loop3A_744] {strides = array<i32>} : memref<8x1024xf32, #tpu.memory_space<vmem>>, vector<1x16xf32>,
      %parallel_loop3A_746 = vector.shape_cast %parallel_loop3A_745 : vector<1x16xf32> to vector<16xf32>
      %parallel_loop3A_747 = arith.constant 3.125000e-02 : f32
      %parallel_loop3A_748 = vector.broadcast %parallel_loop3A_747 : f32 to vector<16xf32>
      %parallel_loop3A_749 = arith.mulf %parallel_loop3A_746, %parallel_loop3A_748 : vector<16xf32>
      %parallel_loop3A_750 = arith.index_cast %parallel_loop3A_738 : i32 to index
      %parallel_loop3A_751 = arith.index_cast %parallel_loop3A_742 : i32 to index
      %parallel_loop3A_752 = tpu.vector_load %arg6[%parallel_loop3A_750, %parallel_loop3A_751] {strides = array<i32>} : memref<8x1024xf32, #tpu.memory_space<vmem>>, vector<1x16xf32>,
      %parallel_loop3A_753 = vector.shape_cast %parallel_loop3A_752 : vector<1x16xf32> to vector<16xf32>
      %parallel_loop3A_754 = vector.shape_cast %parallel_loop3A_749 : vector<16xf32> to vector<1x16xf32>
      tpu.vector_store %arg6[%parallel_loop3A_750, %parallel_loop3A_751], %parallel_loop3A_754 {strides = array<i32>} : memref<8x1024xf32, #tpu.memory_space<vmem>>, vector<1x16xf32>,
    } {sc.loop_unroll_factor = 4 : i64, sc.parallel_access}
    %add3A_661 = arith.constant 240 : i32
    %add3A_662 = arith.addi %mul3A_2, %add3A_661 : i32
    %dma_start3A_663 = arith.constant 0 : i32
    %dma_start3A_664 = tpu.memref_slice %arg3[%add3A_662, %dma_start3A_663] : memref<8192x1024xf32, #tpu.memory_space<hbm>> -> memref<8x1024xf32, #tpu.memory_space<hbm>>
    %dma_start3A_665 = arith.constant 0 : i32
    %dma_start3A_666 = tpu.memref_slice %arg3[%add3A_662, %dma_start3A_665] : memref<8192x1024xf32, #tpu.memory_space<hbm>> -> memref<8x1024xf32, #tpu.memory_space<hbm>>
    tpu.enqueue_dma source(%arg6 : memref<8x1024xf32, #tpu.memory_space<vmem>>) target(%dma_start3A_666 : memref<8x1024xf32, #tpu.memory_space<hbm>>) target_semaphore(%arg34 : memref<!tpu.dma_semaphore, #tpu.memory_space<semaphore_mem>>)
    %dma_wait3A_667 = arith.constant 0 : i32
    %dma_wait3A_668 = tpu.memref_slice %arg2[%add3A_558, %dma_wait3A_667] : memref<8192x1024xf32, #tpu.memory_space<hbm>> -> memref<8x1024xf32, #tpu.memory_space<hbm>>
    %dma_wait3A_669 = arith.constant 0 : i32
    %dma_wait3A_670 = tpu.memref_slice %arg2[%add3A_558, %dma_wait3A_669] : memref<8192x1024xf32, #tpu.memory_space<hbm>> -> memref<8x1024xf32, #tpu.memory_space<hbm>>
    tpu.wait_dma2 semaphore(%arg21 : memref<!tpu.dma_semaphore, #tpu.memory_space<semaphore_mem>>) src(%dma_wait3A_670 : memref<8x1024xf32, #tpu.memory_space<hbm>>) dst(%arg7 : memref<8x1024xf32, #tpu.memory_space<vmem>>)
    %parallel_loop3A_671 = arith.constant 0 : i32
    %parallel_loop3A_672 = arith.constant 512 : i32
    %parallel_loop3A_673 = arith.constant 1 : i32
    scf.for %parallel_loop3A_736 = %parallel_loop3A_671 to %parallel_loop3A_672 step %parallel_loop3A_673  : i32 {
      %parallel_loop3A_737 = arith.constant 6 : i32
      %parallel_loop3A_738 = arith.shrsi %parallel_loop3A_736, %parallel_loop3A_737 : i32
      %parallel_loop3A_739 = arith.constant 63 : i32
      %parallel_loop3A_740 = arith.andi %parallel_loop3A_736, %parallel_loop3A_739 : i32
      %parallel_loop3A_741 = arith.constant 16 : i32
      %parallel_loop3A_742 = arith.muli %parallel_loop3A_740, %parallel_loop3A_741 : i32
      %parallel_loop3A_743 = arith.index_cast %parallel_loop3A_738 : i32 to index
      %parallel_loop3A_744 = arith.index_cast %parallel_loop3A_742 : i32 to index
      %parallel_loop3A_745 = tpu.vector_load %arg7[%parallel_loop3A_743, %parallel_loop3A_744] {strides = array<i32>} : memref<8x1024xf32, #tpu.memory_space<vmem>>, vector<1x16xf32>,
      %parallel_loop3A_746 = vector.shape_cast %parallel_loop3A_745 : vector<1x16xf32> to vector<16xf32>
      %parallel_loop3A_747 = arith.constant 3.125000e-02 : f32
      %parallel_loop3A_748 = vector.broadcast %parallel_loop3A_747 : f32 to vector<16xf32>
      %parallel_loop3A_749 = arith.mulf %parallel_loop3A_746, %parallel_loop3A_748 : vector<16xf32>
      %parallel_loop3A_750 = arith.index_cast %parallel_loop3A_738 : i32 to index
      %parallel_loop3A_751 = arith.index_cast %parallel_loop3A_742 : i32 to index
      %parallel_loop3A_752 = tpu.vector_load %arg7[%parallel_loop3A_750, %parallel_loop3A_751] {strides = array<i32>} : memref<8x1024xf32, #tpu.memory_space<vmem>>, vector<1x16xf32>,
      %parallel_loop3A_753 = vector.shape_cast %parallel_loop3A_752 : vector<1x16xf32> to vector<16xf32>
      %parallel_loop3A_754 = vector.shape_cast %parallel_loop3A_749 : vector<16xf32> to vector<1x16xf32>
      tpu.vector_store %arg7[%parallel_loop3A_750, %parallel_loop3A_751], %parallel_loop3A_754 {strides = array<i32>} : memref<8x1024xf32, #tpu.memory_space<vmem>>, vector<1x16xf32>,
    } {sc.loop_unroll_factor = 4 : i64, sc.parallel_access}
    %add3A_674 = arith.constant 248 : i32
    %add3A_675 = arith.addi %mul3A_2, %add3A_674 : i32
    %dma_start3A_676 = arith.constant 0 : i32
    %dma_start3A_677 = tpu.memref_slice %arg3[%add3A_675, %dma_start3A_676] : memref<8192x1024xf32, #tpu.memory_space<hbm>> -> memref<8x1024xf32, #tpu.memory_space<hbm>>
    %dma_start3A_678 = arith.constant 0 : i32
    %dma_start3A_679 = tpu.memref_slice %arg3[%add3A_675, %dma_start3A_678] : memref<8192x1024xf32, #tpu.memory_space<hbm>> -> memref<8x1024xf32, #tpu.memory_space<hbm>>
    tpu.enqueue_dma source(%arg7 : memref<8x1024xf32, #tpu.memory_space<vmem>>) target(%dma_start3A_679 : memref<8x1024xf32, #tpu.memory_space<hbm>>) target_semaphore(%arg35 : memref<!tpu.dma_semaphore, #tpu.memory_space<semaphore_mem>>)
    %dma_wait3A_680 = arith.constant 0 : i32
    %dma_wait3A_681 = tpu.memref_slice %arg3[%add3A_636, %dma_wait3A_680] : memref<8192x1024xf32, #tpu.memory_space<hbm>> -> memref<8x1024xf32, #tpu.memory_space<hbm>>
    %dma_wait3A_682 = arith.constant 0 : i32
    %dma_wait3A_683 = tpu.memref_slice %arg3[%add3A_636, %dma_wait3A_682] : memref<8192x1024xf32, #tpu.memory_space<hbm>> -> memref<8x1024xf32, #tpu.memory_space<hbm>>
    tpu.wait_dma2 semaphore(%arg32 : memref<!tpu.dma_semaphore, #tpu.memory_space<semaphore_mem>>) src(%arg4 : memref<8x1024xf32, #tpu.memory_space<vmem>>) dst(%dma_wait3A_683 : memref<8x1024xf32, #tpu.memory_space<hbm>>)
    %dma_wait3A_684 = arith.constant 0 : i32
    %dma_wait3A_685 = tpu.memref_slice %arg3[%add3A_649, %dma_wait3A_684] : memref<8192x1024xf32, #tpu.memory_space<hbm>> -> memref<8x1024xf32, #tpu.memory_space<hbm>>
    %dma_wait3A_686 = arith.constant 0 : i32
    %dma_wait3A_687 = tpu.memref_slice %arg3[%add3A_649, %dma_wait3A_686] : memref<8192x1024xf32, #tpu.memory_space<hbm>> -> memref<8x1024xf32, #tpu.memory_space<hbm>>
    tpu.wait_dma2 semaphore(%arg33 : memref<!tpu.dma_semaphore, #tpu.memory_space<semaphore_mem>>) src(%arg5 : memref<8x1024xf32, #tpu.memory_space<vmem>>) dst(%dma_wait3A_687 : memref<8x1024xf32, #tpu.memory_space<hbm>>)
    %dma_wait3A_688 = arith.constant 0 : i32
    %dma_wait3A_689 = tpu.memref_slice %arg3[%add3A_662, %dma_wait3A_688] : memref<8192x1024xf32, #tpu.memory_space<hbm>> -> memref<8x1024xf32, #tpu.memory_space<hbm>>
    %dma_wait3A_690 = arith.constant 0 : i32
    %dma_wait3A_691 = tpu.memref_slice %arg3[%add3A_662, %dma_wait3A_690] : memref<8192x1024xf32, #tpu.memory_space<hbm>> -> memref<8x1024xf32, #tpu.memory_space<hbm>>
    tpu.wait_dma2 semaphore(%arg34 : memref<!tpu.dma_semaphore, #tpu.memory_space<semaphore_mem>>) src(%arg6 : memref<8x1024xf32, #tpu.memory_space<vmem>>) dst(%dma_wait3A_691 : memref<8x1024xf32, #tpu.memory_space<hbm>>)
    %dma_wait3A_692 = arith.constant 0 : i32
    %dma_wait3A_693 = tpu.memref_slice %arg3[%add3A_675, %dma_wait3A_692] : memref<8192x1024xf32, #tpu.memory_space<hbm>> -> memref<8x1024xf32, #tpu.memory_space<hbm>>
    %dma_wait3A_694 = arith.constant 0 : i32
    %dma_wait3A_695 = tpu.memref_slice %arg3[%add3A_675, %dma_wait3A_694] : memref<8192x1024xf32, #tpu.memory_space<hbm>> -> memref<8x1024xf32, #tpu.memory_space<hbm>>
    tpu.wait_dma2 semaphore(%arg35 : memref<!tpu.dma_semaphore, #tpu.memory_space<semaphore_mem>>) src(%arg7 : memref<8x1024xf32, #tpu.memory_space<vmem>>) dst(%dma_wait3A_695 : memref<8x1024xf32, #tpu.memory_space<hbm>>)
    %dma_wait3A_696 = arith.constant 0 : i32
    %dma_wait3A_697 = tpu.memref_slice %arg3[%add3A_456, %dma_wait3A_696] : memref<8192x1024xf32, #tpu.memory_space<hbm>> -> memref<8x1024xf32, #tpu.memory_space<hbm>>
    %dma_wait3A_698 = arith.constant 0 : i32
    %dma_wait3A_699 = tpu.memref_slice %arg3[%add3A_456, %dma_wait3A_698] : memref<8192x1024xf32, #tpu.memory_space<hbm>> -> memref<8x1024xf32, #tpu.memory_space<hbm>>
    tpu.wait_dma2 semaphore(%arg36 : memref<!tpu.dma_semaphore, #tpu.memory_space<semaphore_mem>>) src(%arg8 : memref<8x1024xf32, #tpu.memory_space<vmem>>) dst(%dma_wait3A_699 : memref<8x1024xf32, #tpu.memory_space<hbm>>)
    %dma_wait3A_700 = arith.constant 0 : i32
    %dma_wait3A_701 = tpu.memref_slice %arg3[%add3A_479, %dma_wait3A_700] : memref<8192x1024xf32, #tpu.memory_space<hbm>> -> memref<8x1024xf32, #tpu.memory_space<hbm>>
    %dma_wait3A_702 = arith.constant 0 : i32
    %dma_wait3A_703 = tpu.memref_slice %arg3[%add3A_479, %dma_wait3A_702] : memref<8192x1024xf32, #tpu.memory_space<hbm>> -> memref<8x1024xf32, #tpu.memory_space<hbm>>
    tpu.wait_dma2 semaphore(%arg37 : memref<!tpu.dma_semaphore, #tpu.memory_space<semaphore_mem>>) src(%arg9 : memref<8x1024xf32, #tpu.memory_space<vmem>>) dst(%dma_wait3A_703 : memref<8x1024xf32, #tpu.memory_space<hbm>>)
    %dma_wait3A_704 = arith.constant 0 : i32
    %dma_wait3A_705 = tpu.memref_slice %arg3[%add3A_502, %dma_wait3A_704] : memref<8192x1024xf32, #tpu.memory_space<hbm>> -> memref<8x1024xf32, #tpu.memory_space<hbm>>
    %dma_wait3A_706 = arith.constant 0 : i32
    %dma_wait3A_707 = tpu.memref_slice %arg3[%add3A_502, %dma_wait3A_706] : memref<8192x1024xf32, #tpu.memory_space<hbm>> -> memref<8x1024xf32, #tpu.memory_space<hbm>>
    tpu.wait_dma2 semaphore(%arg38 : memref<!tpu.dma_semaphore, #tpu.memory_space<semaphore_mem>>) src(%arg10 : memref<8x1024xf32, #tpu.memory_space<vmem>>) dst(%dma_wait3A_707 : memref<8x1024xf32, #tpu.memory_space<hbm>>)
    %dma_wait3A_708 = arith.constant 0 : i32
    %dma_wait3A_709 = tpu.memref_slice %arg3[%add3A_525, %dma_wait3A_708] : memref<8192x1024xf32, #tpu.memory_space<hbm>> -> memref<8x1024xf32, #tpu.memory_space<hbm>>
    %dma_wait3A_710 = arith.constant 0 : i32
    %dma_wait3A_711 = tpu.memref_slice %arg3[%add3A_525, %dma_wait3A_710] : memref<8192x1024xf32, #tpu.memory_space<hbm>> -> memref<8x1024xf32, #tpu.memory_space<hbm>>
    tpu.wait_dma2 semaphore(%arg39 : memref<!tpu.dma_semaphore, #tpu.memory_space<semaphore_mem>>) src(%arg11 : memref<8x1024xf32, #tpu.memory_space<vmem>>) dst(%dma_wait3A_711 : memref<8x1024xf32, #tpu.memory_space<hbm>>)
    %dma_wait3A_712 = arith.constant 0 : i32
    %dma_wait3A_713 = tpu.memref_slice %arg3[%add3A_548, %dma_wait3A_712] : memref<8192x1024xf32, #tpu.memory_space<hbm>> -> memref<8x1024xf32, #tpu.memory_space<hbm>>
    %dma_wait3A_714 = arith.constant 0 : i32
    %dma_wait3A_715 = tpu.memref_slice %arg3[%add3A_548, %dma_wait3A_714] : memref<8192x1024xf32, #tpu.memory_space<hbm>> -> memref<8x1024xf32, #tpu.memory_space<hbm>>
    tpu.wait_dma2 semaphore(%arg40 : memref<!tpu.dma_semaphore, #tpu.memory_space<semaphore_mem>>) src(%arg12 : memref<8x1024xf32, #tpu.memory_space<vmem>>) dst(%dma_wait3A_715 : memref<8x1024xf32, #tpu.memory_space<hbm>>)
    %dma_wait3A_716 = arith.constant 0 : i32
    %dma_wait3A_717 = tpu.memref_slice %arg3[%add3A_571, %dma_wait3A_716] : memref<8192x1024xf32, #tpu.memory_space<hbm>> -> memref<8x1024xf32, #tpu.memory_space<hbm>>
    %dma_wait3A_718 = arith.constant 0 : i32
    %dma_wait3A_719 = tpu.memref_slice %arg3[%add3A_571, %dma_wait3A_718] : memref<8192x1024xf32, #tpu.memory_space<hbm>> -> memref<8x1024xf32, #tpu.memory_space<hbm>>
    tpu.wait_dma2 semaphore(%arg41 : memref<!tpu.dma_semaphore, #tpu.memory_space<semaphore_mem>>) src(%arg13 : memref<8x1024xf32, #tpu.memory_space<vmem>>) dst(%dma_wait3A_719 : memref<8x1024xf32, #tpu.memory_space<hbm>>)
    %dma_wait3A_720 = arith.constant 0 : i32
    %dma_wait3A_721 = tpu.memref_slice %arg3[%add3A_584, %dma_wait3A_720] : memref<8192x1024xf32, #tpu.memory_space<hbm>> -> memref<8x1024xf32, #tpu.memory_space<hbm>>
    %dma_wait3A_722 = arith.constant 0 : i32
    %dma_wait3A_723 = tpu.memref_slice %arg3[%add3A_584, %dma_wait3A_722] : memref<8192x1024xf32, #tpu.memory_space<hbm>> -> memref<8x1024xf32, #tpu.memory_space<hbm>>
    tpu.wait_dma2 semaphore(%arg42 : memref<!tpu.dma_semaphore, #tpu.memory_space<semaphore_mem>>) src(%arg14 : memref<8x1024xf32, #tpu.memory_space<vmem>>) dst(%dma_wait3A_723 : memref<8x1024xf32, #tpu.memory_space<hbm>>)
    %dma_wait3A_724 = arith.constant 0 : i32
    %dma_wait3A_725 = tpu.memref_slice %arg3[%add3A_597, %dma_wait3A_724] : memref<8192x1024xf32, #tpu.memory_space<hbm>> -> memref<8x1024xf32, #tpu.memory_space<hbm>>
    %dma_wait3A_726 = arith.constant 0 : i32
    %dma_wait3A_727 = tpu.memref_slice %arg3[%add3A_597, %dma_wait3A_726] : memref<8192x1024xf32, #tpu.memory_space<hbm>> -> memref<8x1024xf32, #tpu.memory_space<hbm>>
    tpu.wait_dma2 semaphore(%arg43 : memref<!tpu.dma_semaphore, #tpu.memory_space<semaphore_mem>>) src(%arg15 : memref<8x1024xf32, #tpu.memory_space<vmem>>) dst(%dma_wait3A_727 : memref<8x1024xf32, #tpu.memory_space<hbm>>)
    %dma_wait3A_728 = arith.constant 0 : i32
    %dma_wait3A_729 = tpu.memref_slice %arg3[%add3A_610, %dma_wait3A_728] : memref<8192x1024xf32, #tpu.memory_space<hbm>> -> memref<8x1024xf32, #tpu.memory_space<hbm>>
    %dma_wait3A_730 = arith.constant 0 : i32
    %dma_wait3A_731 = tpu.memref_slice %arg3[%add3A_610, %dma_wait3A_730] : memref<8192x1024xf32, #tpu.memory_space<hbm>> -> memref<8x1024xf32, #tpu.memory_space<hbm>>
    tpu.wait_dma2 semaphore(%arg44 : memref<!tpu.dma_semaphore, #tpu.memory_space<semaphore_mem>>) src(%arg16 : memref<8x1024xf32, #tpu.memory_space<vmem>>) dst(%dma_wait3A_731 : memref<8x1024xf32, #tpu.memory_space<hbm>>)
    %dma_wait3A_732 = arith.constant 0 : i32
    %dma_wait3A_733 = tpu.memref_slice %arg3[%add3A_623, %dma_wait3A_732] : memref<8192x1024xf32, #tpu.memory_space<hbm>> -> memref<8x1024xf32, #tpu.memory_space<hbm>>
    %dma_wait3A_734 = arith.constant 0 : i32
    %dma_wait3A_735 = tpu.memref_slice %arg3[%add3A_623, %dma_wait3A_734] : memref<8192x1024xf32, #tpu.memory_space<hbm>> -> memref<8x1024xf32, #tpu.memory_space<hbm>>
    tpu.wait_dma2 semaphore(%arg45 : memref<!tpu.dma_semaphore, #tpu.memory_space<semaphore_mem>>) src(%arg17 : memref<8x1024xf32, #tpu.memory_space<vmem>>) dst(%dma_wait3A_735 : memref<8x1024xf32, #tpu.memory_space<hbm>>)
    return
  }
}

</mosaic_0001>

<sc_bundles>
// kernel: kernel.3.cloned.1.call-start
scs
__scs_entry_jumppad:
0x0: {  	(pc) =	sbr.rel $0x88, $3  }
0x1: {  	(tag) =	ssettag $0x0;
	lr =	simm.s32 $0x1  }
0x2: {  	[smem:$0x3FA0] =	sst lr;
	_ =	strace $0xD0000000  }
0x3: {  	_ = 	snop  }
0x4: {  	_ = 	snop  }
0x5: {  	_ = 	snop  }
0x6: {  	_ = 	snop  }
0x7: {  	_ = 	snop  }
__scs_overlays_trampoline_lowered:
0x8: {  	[smem:$0x3FAF] =	sst s0  }
0x9: {  	[smem:$0x3FB0] =	sst s1  }
0xa: {  	[smem:$0x3FB1] =	sst s2  }
0xb: {  	[smem:$0x3FB2] =	sst s3  }
0xc: {  	[smem:$0x3FB3] =	sst s4  }
0xd: {  	[smem:$0x3FB4] =	sst s5  }
0xe: {  	[smem:$0x3FB5] =	sst s6  }
0xf: {  	[smem:$0x3FB6] =	sst s7  }
0x10: {  	[smem:$0x3FB7] =	sst s8  }
0x11: {  	[smem:$0x3FB8] =	sst s9;
	s0 =	simm.s32 @!p0 $0x0  }
0x12: {  	s1 =	sld [smem:$0x3F9E];
	s0 =	simm.s32 @p0 $0x1  }
0x13: {  	[smem:$0x3FB9] =	sst s0;
	s0 =	simm.s32 @!p1 $0x0  }
0x14: {  	s2 =	sld [smem:$0x3F9D];
	s0 =	simm.s32 @p1 $0x1  }
0x15: {  	[smem:$0x3FBA] =	sst s0;
	s0 =	simm.s32 @!p2 $0x0  }
0x16: {  	s3 =	sld [smem:$0x3FDB];
	s0 =	simm.s32 @p2 $0x1  }
0x17: {  	s4 =	simm.s32 $0x1BF5;
	[smem:$0x3FBC] =	sst s0  }
0x18: {  	s0 =	sld [smem:$0x3F9F];
	_ =	swait.ge [sflag:s4], $0x0  }
0x19: {  	s7 =	sld [smem:$0x3FA0]  }
0x1a: {  	s8 =	sadd.s32 $0xFFFFE003, lr  }
0x1b: {  	s9 =	sadd.s32 $0xFFFFFEF7, lr;
	s5 =	simm.s32 $0xFFFFFFFF;
	p2 =	slt.u32 s8, $0xFFFFF086  }
0x1c: {  	p1 =	slt.u32 s9, $0xF7A;
	s5 =	simm.s32 @!p2 $0x0  }
0x1d: {  	s5 =	simm.s32 @p1 $0x1;
	p0 =	seq.s32 s7, s2  }
0x1e: {  	s7 =	smul.u32 @!p0 $0xF7A, s2;
	p2 =	seq.s32 @!p0 s5, $0x0  }
0x1f: {  	s9 =	smul.u32 $0xF7A, s1;
	s8 =	simm.s32 @!p0 $0x1BF5;
	p2 =	por !p2, p0  }
0x20: {  	[sflag:s8] =	ssyncset.s32 @!p0 $0xFFFFF086;
	s6 =	sadd.s32 @!p0 s3, s7;
	s7 =	simm.s32 @!p0 $0x108  }
0x21: {  	s3 =	sadd.s32 s3, s9;
	s6 =	sadd.s32 @!p0 $0x88, s6;
	s7 =	simm.s32 @p2 $0x1082  }
0x22: {  	[simem:s7], [sflag:s8] =	dma.local @!p0 [hbm:s6], $0xF7A  }
0x23: {  	s9 =	sor.u32 $0xD0000000, s2;
	s6 =	simm.s32 $0x108;
	_ =	swait.ge @!p0 [sflag:s8], $0x0  }
0x24: {  	s3 =	sadd.s32 $0x88, s3;
	s6 =	simm.s32 @!p1 $0x1082;
	[sflag:s4] =	ssyncset.s32 $0xFFFFF086  }
0x25: {  	[simem:s6], [sflag:s4] =	dma.local [hbm:s3], $0xF7A  }
0x26: {  	[smem:$0x3FA0] =	sst s1;
	(tag) =	ssettag s2;
	_ =	strace s9  }
0x27: {  	s1 =	sld [smem:$0x3FB0]  }
0x28: {  	s2 =	sld [smem:$0x3FB1]  }
0x29: {  	s4 =	sld [smem:$0x3FB3]  }
0x2a: {  	p0 =	seq.s32 s5, $0x0;
	s5 =	sld [smem:$0x3FB4]  }
0x2b: {  	s6 =	sld [smem:$0x3FB5]  }
0x2c: {  	s7 =	sld [smem:$0x3FB6]  }
0x2d: {  	s3 =	simm.s32 $0x108;
	s8 =	sld [smem:$0x3FB7]  }
0x2e: {  	s3 =	simm.s32 @!p0 $0x1082;
	s9 =	sld [smem:$0x3FB8]  }
0x2f: {  	lr =	sadd.s32 s0, s3;
	s0 =	sld [smem:$0x3FAF]  }
0x30: {  	s3 =	sld [smem:$0x3FB2]  }
0x31: {  	[smem:$0x3FBB] =	sst s10  }
0x32: {  	s10 =	sld [smem:$0x3FB9];
	_ =	sdelay $0x3  }
0x33: {  	p0 =	seq.s32 s10, $0x1;
	s10 =	sld [smem:$0x3FBB];
	_ =	sdelay $0x3  }
0x34: {  	[smem:$0x3FBB] =	sst s10  }
0x35: {  	s10 =	sld [smem:$0x3FBA];
	_ =	sdelay $0x3  }
0x36: {  	p1 =	seq.s32 s10, $0x1;
	s10 =	sld [smem:$0x3FBB];
	_ =	sdelay $0x3  }
0x37: {  	[smem:$0x3FBB] =	sst s10  }
0x38: {  	s10 =	sld [smem:$0x3FBC]  }
0x39: {  	_ = 	snop;
	(pc) =	sbr.ind lr, $3  }
0x3a: {  	_ = 	snop  }
0x3b: {  	_ = 	snop  }
0x3c: {  	p2 =	seq.s32 s10, $0x1;
	s10 =	sld [smem:$0x3FBB]  }
0x3d: {  	_ =	shalt  }
0x3e: {  	_ =	shalt  }
0x3f: {  	_ =	shalt  }
0x40: {  	_ =	shalt  }
0x41: {  	_ =	shalt  }
0x42: {  	_ =	shalt  }
0x43: {  	_ =	shalt  }
0x44: {  	_ =	shalt  }
0x45: {  	_ =	shalt  }
0x46: {  	_ =	shalt  }
0x47: {  	_ =	shalt  }
0x48: {  	_ =	shalt  }
0x49: {  	_ =	shalt  }
0x4a: {  	_ =	shalt  }
0x4b: {  	_ =	shalt  }
0x4c: {  	_ =	shalt  }
0x4d: {  	_ =	shalt  }
0x4e: {  	_ =	shalt  }
0x4f: {  	_ =	shalt  }
0x50: {  	_ =	shalt  }
0x51: {  	_ =	shalt  }
0x52: {  	_ =	shalt  }
0x53: {  	_ =	shalt  }
0x54: {  	_ =	shalt  }
0x55: {  	_ =	shalt  }
0x56: {  	_ =	shalt  }
0x57: {  	_ =	shalt  }
0x58: {  	_ =	shalt  }
0x59: {  	_ =	shalt  }
0x5a: {  	_ =	shalt  }
0x5b: {  	_ =	shalt  }
0x5c: {  	_ =	shalt  }
0x5d: {  	_ =	shalt  }
0x5e: {  	_ =	shalt  }
0x5f: {  	_ =	shalt  }
0x60: {  	_ =	shalt  }
0x61: {  	_ =	shalt  }
0x62: {  	_ =	shalt  }
0x63: {  	_ =	shalt  }
0x64: {  	_ =	shalt  }
0x65: {  	_ =	shalt  }
0x66: {  	_ =	shalt  }
0x67: {  	_ =	shalt  }
0x68: {  	_ =	shalt  }
0x69: {  	_ =	shalt  }
0x6a: {  	_ =	shalt  }
0x6b: {  	_ =	shalt  }
0x6c: {  	_ =	shalt  }
0x6d: {  	_ =	shalt  }
0x6e: {  	_ =	shalt  }
0x6f: {  	_ =	shalt  }
0x70: {  	_ =	shalt  }
0x71: {  	_ =	shalt  }
0x72: {  	_ =	shalt  }
0x73: {  	_ =	shalt  }
0x74: {  	_ =	shalt  }
0x75: {  	_ =	shalt  }
0x76: {  	_ =	shalt  }
0x77: {  	_ =	shalt  }
0x78: {  	_ =	shalt  }
0x79: {  	_ =	shalt  }
0x7a: {  	_ =	shalt  }
0x7b: {  	_ =	shalt  }
0x7c: {  	_ =	shalt  }
0x7d: {  	_ =	shalt  }
0x7e: {  	_ =	shalt  }
0x7f: {  	_ =	shalt  }
0x80: {  	_ =	shalt  }
0x81: {  	_ =	shalt  }
0x82: {  	_ =	shalt  }
0x83: {  	_ =	shalt  }
0x84: {  	_ =	shalt  }
0x85: {  	_ =	shalt  }
0x86: {  	_ =	shalt  }
0x87: {  	_ =	shalt  }
.Lfunc_end0:
.L_simem_size_0:
called_computation_lowered:
.L_overlay_start_0:
0x88: {  	s2 =	sld [smem:$0x3FD9]  }
0x89: {  	s3 =	sld [smem:$0x3FFE];
	_ =	sdelay $0x1  }
0x8a: {  	s1 =	srdreg.scid  }
0x8b: {  	s0 =	sand.u32 $0x1, s1  }
0x8c: {  	s18 =	sshll.u32 s0, $0xA;
	s2 =	sadd.s32 s3, s2  }
0x8d: {  	s2 =	sadd.s32 s2, s18  }
0x8e: {  	[smem:$0x3FC7] =	sst s2  }
0x8f: {  	_ = 	snop  }
0x90: {  	s2 =	sld [smem:$0x3FC9]  }
0x91: {  	s19 =	sld [smem:$0x3FD0];
	(tm) =	ssettm $0x1  }
0x92: {  	s4 =	sld [smem:$0x3FFB];
	_ =	sdelay $0x3  }
0x93: {  	_ =	strace s4  }
0x94: {  	s4 =	sld [smem:$0x3FFC];
	_ =	sdelay $0x3  }
0x95: {  	_ =	strace s4  }
0x96: {  	s4 =	sld [smem:$0x3FFD];
	_ =	sdelay $0x3  }
0x97: {  	_ =	strace s4  }
0x98: {  	_ =	strace $0x8FFFFFFF  }
0x99: {  	s20 =	sld [smem:$0x3FDB];
	_ =	sdelay $0x1  }
0x9a: {  	s5 =	simm.s32 $_scs_section_size  }
0x9b: {  	s6 =	simm.s32 $_size__tile_overlayer_lowered;
	s7 =	simm.s32 $_tile_overlayer_lowered  }
0x9c: {  	s23 =	simm.s32 $0x1BFF;
	s22 =	sshll.u32 s7, $0x1;
	s4 =	sadd.s32 s5, s20  }
0x9d: {  	s8 =	simm.s32 $0x0;
	s21 =	sshll.u32 s6, $0x1;
	s6 =	sadd.s32 s22, s4  }
0x9e: {  	[timem:s8], [sflag:s23] =	dma.local [hbm:s6], s21  }
0x9f: {  	_ =	swait.ge [sflag:s23], s21  }
0xa0: {  	s5 =	ssub.s32 $0x0, s21;
	[sflag:s23] =	ssyncset.done $0x0  }
0xa1: {  	[sflag:s23] =	ssyncadd.s32 s5;
	_ =	sdelay $0x1  }
0xa2: {  	s24 =	simm.s32 $0x1B8B  }
0xa3: {  	_ =	swait.ge [sflag:s24], $0x1  }
0xa4: {  	[sflag:s24] =	ssyncset.done $0x0  }
0xa5: {  	s25 =	simm.s32 $0x1B8E;
	[sflag:s24] =	ssyncadd.s32 $0xFFFFFFFF  }
0xa6: {  	s26 =	simm.s32 $execute0_lowered;
	[smem:$0x3FD2] =	sst s25  }
0xa7: {  	s5 =	sshll.u32 s26, $0x1;
	_ =	strace $0x80000046;
	[dreg:$0x1] =	wrdreg $0xFFFFFFFF  }
0xa8: {  	s28 =	simm.s32 $_size_execute0_lowered;
	s4 =	sadd.s32 s4, s5;
	[dreg:$0x0] =	wrdreg $0x0  }
0xa9: {  	s5 =	sshll.u32 s28, $0x1;
	[dreg:$0x2] =	wrdreg s4  }
0xaa: {  	[dreg:$0x3] =	wrdreg s5  }
0xab: {  	[dreg:$0x4] =	wrdreg $0xC0  }
0xac: {  	_ =	task [dreg:s8], $0x5FFFF  }
0xad: {  	[dreg:$0x1] =	wrdreg $0xFFFFFFFF  }
0xae: {  	[dreg:$0x0] =	wrdreg $0x60  }
0xaf: {  	[dreg:$0x2] =	wrdreg s2  }
0xb0: {  	[dreg:$0x3] =	wrdreg s19  }
0xb1: {  	[dreg:$0x4] =	wrdreg $0x9  }
0xb2: {  	_ =	task.clear_ibuf [dreg:s8], $0x5FFFF;
	_ =	strace $0x90000046  }
0xb3: {  	s29 =	simm.s32 $0x9;
	_ =	strace $0x80000048  }
0xb4: {  	_ =	swait.ge [sflag:s29], $0x1  }
0xb5: {  	[sflag:s29] =	ssyncadd.s32 $0xFFFFFFFF  }
0xb6: {  	_ =	strace $0x90000048  }
0xb7: {  	_ =	sfence  }
0xb8: {  	s30 =	sld [smem:$0x0];
	_ =	sdelay $0x2  }
0xb9: {  	s31 =	sshll.u32 s1, $0xD;
	s1 =	sshrl.u32 s1, $0x2  }
0xba: {  	s3 =	sand.u32 $0x4000, s31;
	s1 =	sadd.s32 s1, s30  }
0xbb: {  	s0 =	sor.u32 s3, s0;
	s1 =	sshll.u32 s1, $0x11  }
0xbc: {  	s0 =	sor.u32 s1, s0  }
0xbd: {  	s0 =	sadd.s32 $0x8F2B, s0  }
0xbe: {  	[sflag:s0] =	ssyncadd.remote.s32 $0x1  }
0xbf: {  	_ =	sfence.sel $0xFFFF  }
0xc0: {  	[dreg:$0x0] =	wrdreg $0xFFFFFFFF;
	(pc) =	sbr.abs _section_cstart, $3  }
0xc1: {  	[dreg:$0x1] =	wrdreg $0xFFFFFFFF  }
0xc2: {  	_ =	task.clear_ibuf [dreg:s8], $0x2FFFF;
	_ =	strace $0x9FFFFFFF  }
0xc3: {  	(tm) =	ssettm $0x7FFFFFFF  }
tec
execute0_lowered:
.L_overlay_start_1:
0x0: {  	(tag) =	ssettag $0x1  }
0x1: {  	s3 =	srdreg.scid  }
0x2: {  	s2 =	rddreg [dreg:$0x0];
	s4 =	stileid.u32;
	s3 =	sand.u32 $0x1, s3  }
0x3: {  	s4 =	sshll.u32 s4, $0x10;
	s5 =	ssub.s32 $0x2, s3;
	s3 =	sshll.u32 s3, $0xF  }
0x4: {  	s0 =	rddreg [dreg:$0x1];
	s1 =	simm.s32 $0x0;
	s4 =	sor.u32 s3, s4  }
0x5: {  	[smem:$0x7FF] =	sst s1;
	s28 =	sor.u32 $0x400, s4  }
0x6: {  	s6 =	sshrl.u32 s5, $0x1;
	s30 =	sor.u32 $0x800, s4;
	s7 =	sadd.s32 s2, s28  }
0x7: {  	s16 =	sor.u32 $0xC00, s4;
	s15 =	sadd.s32 s2, s30;
	[dreg:$0x3] =	wrdreg s7  }
0x8: {  	s17 =	sor.u32 $0x1000, s4;
	s8 =	sadd.s32 s2, s16;
	[dreg:$0x4] =	wrdreg s15  }
0x9: {  	s9 =	sor.u32 $0x1400, s4;
	s10 =	sadd.s32 s2, s17;
	[dreg:$0x5] =	wrdreg s8  }
0xa: {  	s19 =	sor.u32 $0x1800, s4;
	s18 =	sadd.s32 s2, s9;
	[dreg:$0x6] =	wrdreg s10  }
0xb: {  	s20 =	sor.u32 $0x1C00, s4;
	s11 =	sadd.s32 s2, s19;
	[dreg:$0x7] =	wrdreg s18  }
0xc: {  	s12 =	sor.u32 $0x2000, s4;
	s13 =	sadd.s32 s2, s20;
	[dreg:$0x8] =	wrdreg s11  }
0xd: {  	s22 =	sor.u32 $0x2400, s4;
	s21 =	sadd.s32 s2, s12;
	[dreg:$0x9] =	wrdreg s13  }
0xe: {  	s3 =	ssub.s32 s5, s6;
	s14 =	sadd.s32 s2, s22;
	[dreg:$0xa] =	wrdreg s21  }
0xf: {  	s23 =	sor.u32 $0x2800, s4;
	s5 =	sadd.s32 s0, s28;
	[dreg:$0xb] =	wrdreg s14  }
0x10: {  	s24 =	sadd.s32 s2, s23;
	[dreg:$0xc] =	wrdreg s5  }
0x11: {  	s6 =	sadd.s32 s0, s30;
	[dreg:$0xd] =	wrdreg s24  }
0x12: {  	s25 =	sadd.s32 s0, s16;
	[dreg:$0xe] =	wrdreg s6  }
0x13: {  	s26 =	sadd.s32 s0, s17;
	[dreg:$0xf] =	wrdreg s25  }
0x14: {  	s28 =	sadd.s32 s0, s9;
	[dreg:$0x10] =	wrdreg s26  }
0x15: {  	s30 =	sadd.s32 s0, s19;
	[dreg:$0x11] =	wrdreg s28  }
0x16: {  	s9 =	sadd.s32 s0, s22;
	[dreg:$0x12] =	wrdreg s30  }
0x17: {  	s7 =	sadd.s32 s0, s20;
	[dreg:$0x15] =	wrdreg s9  }
0x18: {  	s8 =	sadd.s32 s0, s12;
	[dreg:$0x13] =	wrdreg s7  }
0x19: {  	s16 =	sor.u32 $0x3800, s4;
	s5 =	sadd.s32 s0, s23;
	[dreg:$0x14] =	wrdreg s8  }
0x1a: {  	s18 =	sadd.s32 s2, s16;
	[dreg:$0x16] =	wrdreg s5  }
0x1b: {  	s10 =	sor.u32 $0x2C00, s4;
	s19 =	sadd.s32 s0, s16;
	[dreg:$0x1d] =	wrdreg s18  }
0x1c: {  	s12 =	sadd.s32 s2, s10;
	[dreg:$0x1e] =	wrdreg s19  }
0x1d: {  	s11 =	sor.u32 $0x3000, s4;
	s5 =	sadd.s32 s0, s10;
	[dreg:$0x17] =	wrdreg s12  }
0x1e: {  	s13 =	sadd.s32 s2, s11;
	[dreg:$0x18] =	wrdreg s5  }
0x1f: {  	s15 =	sor.u32 $0x3400, s4;
	s14 =	sadd.s32 s0, s11;
	[dreg:$0x19] =	wrdreg s13  }
0x20: {  	s20 =	sor.u32 $0x3C00, s4;
	s17 =	sadd.s32 s2, s15;
	[dreg:$0x1a] =	wrdreg s14  }
0x21: {  	s21 =	sor.u32 $0x4000, s4;
	s22 =	sadd.s32 s2, s20;
	[dreg:$0x1b] =	wrdreg s17  }
0x22: {  	s23 =	sadd.s32 s2, s21;
	[dreg:$0x1f] =	wrdreg s22  }
0x23: {  	s25 =	sor.u32 $0x4400, s4;
	s24 =	sadd.s32 s0, s21;
	[smem:$0x7DB] =	sst s23  }
0x24: {  	s26 =	sor.u32 $0x4800, s4;
	s28 =	sadd.s32 s2, s25;
	[smem:$0x7DC] =	sst s24  }
0x25: {  	s29 =	simm.s32 $0x10;
	s30 =	sadd.s32 s2, s26;
	[smem:$0x7DD] =	sst s28  }
0x26: {  	s9 =	sor.u32 $0x5000, s4;
	s7 =	sadd.s32 s0, s26;
	[smem:$0x7DF] =	sst s30  }
0x27: {  	s31 =	simm.s32 $0x11;
	s11 =	sadd.s32 s2, s9;
	[smem:$0x7E0] =	sst s7  }
0x28: {  	s6 =	simm.s32 $0x6000;
	s18 =	sadd.s32 s2, s4;
	[smem:$0x7E3] =	sst s11  }
0x29: {  	s8 =	sor.u32 $0x4C00, s4;
	s19 =	sadd.s32 s0, s4;
	[smem:$0x7E9] =	sst s18  }
0x2a: {  	s21 =	sor.u32 $0x6000, s4;
	s5 =	sadd.s32 s0, s15;
	[smem:$0x7EA] =	sst s19  }
0x2b: {  	s26 =	sor.u32 $0x7400, s4;
	s10 =	sadd.s32 s2, s8;
	[dreg:$0x1c] =	wrdreg s5  }
0x2c: {  	s12 =	sadd.s32 s0, s9;
	s13 =	sor.u32 $0x5400, s4;
	[smem:$0x7E1] =	sst s10  }
0x2d: {  	s14 =	sor.u32 $0x5800, s4;
	s30 =	sadd.s32 s2, s21;
	[smem:$0x7E4] =	sst s12  }
0x2e: {  	s22 =	sor.u32 $0x6400, s4;
	s18 =	sadd.s32 s2, s26;
	[smem:$0x7EC] =	sst s30  }
0x2f: {  	s23 =	sor.u32 $0x6800, s4;
	s21 =	sadd.s32 s0, s21;
	[smem:$0x7F1] =	sst s18  }
0x30: {  	s24 =	sor.u32 $0x6C00, s4;
	s26 =	sadd.s32 s0, s26;
	[smem:$0x7F5] =	sst s21  }
0x31: {  	s11 =	simm.s32 $0x15;
	s5 =	sadd.s32 s0, s20;
	[smem:$0x7FA] =	sst s26  }
0x32: {  	s7 =	simm.s32 $0x1C;
	s15 =	sadd.s32 s2, s13;
	[smem:$0x7DA] =	sst s5  }
0x33: {  	s16 =	sadd.s32 s2, s14;
	s17 =	sadd.s32 s0, s14;
	[smem:$0x7E5] =	sst s15  }
0x34: {  	s20 =	sor.u32 $0x5C00, s4;
	s12 =	sor.u32 $0x7800, s4;
	[smem:$0x7E7] =	sst s16  }
0x35: {  	s14 =	sadd.s32 s2, s22;
	s22 =	sadd.s32 s0, s22;
	[smem:$0x7E8] =	sst s17  }
0x36: {  	s30 =	smax.u32 s3, $0x1;
	s21 =	simm.s32 $0x4;
	[smem:$0x7ED] =	sst s14  }
0x37: {  	s26 =	simm.s32 $0xF;
	s5 =	sadd.s32 s0, s25;
	[smem:$0x7F6] =	sst s22  }
0x38: {  	s10 =	simm.s32 $0xC;
	s28 =	sadd.s32 s2, s20;
	[smem:$0x7DE] =	sst s5  }
0x39: {  	s18 =	simm.s32 $0x18;
	s15 =	sadd.s32 s2, s23;
	[smem:$0x7EB] =	sst s28  }
0x3a: {  	s25 =	sor.u32 $0x7000, s4;
	s16 =	sadd.s32 s2, s24;
	[smem:$0x7EE] =	sst s15  }
0x3b: {  	s4 =	sor.u32 $0x7C00, s4;
	s19 =	sadd.s32 s2, s12;
	[smem:$0x7EF] =	sst s16  }
0x3c: {  	s20 =	sadd.s32 s0, s20;
	s23 =	sadd.s32 s0, s23;
	[smem:$0x7F2] =	sst s19  }
0x3d: {  	s24 =	sadd.s32 s0, s24;
	s14 =	simm.s32 $0xE;
	[smem:$0x7F4] =	sst s20  }
0x3e: {  	s22 =	simm.s32 $0x1A;
	s5 =	sadd.s32 s0, s8;
	[smem:$0x7F7] =	sst s23  }
0x3f: {  	s17 =	sadd.s32 s2, s25;
	s2 =	sadd.s32 s2, s4;
	[smem:$0x7F8] =	sst s24  }
0x40: {  	s25 =	sadd.s32 s0, s25;
	s28 =	sadd.s32 s0, s12;
	[smem:$0x7E2] =	sst s5  }
0x41: {  	s15 =	simm.s32 $0x1;
	s19 =	simm.s32 $0x3;
	[smem:$0x7F0] =	sst s17  }
0x42: {  	s12 =	simm.s32 $0xD;
	s16 =	simm.s32 $0x17;
	[smem:$0x7F3] =	sst s2  }
0x43: {  	s20 =	simm.s32 $0x19;
	s24 =	simm.s32 $0x1B;
	[smem:$0x7F9] =	sst s25  }
0x44: {  	s8 =	simm.s32 $0x0;
	s5 =	sadd.s32 s0, s13;
	[smem:$0x7FB] =	sst s28  }
0x45: {  	s0 =	sadd.s32 s0, s4;
	s4 =	simm.s32 $0x6000;
	[smem:$0x7E6] =	sst s5  }
0x46: {  	s17 =	simm.s32 $0x2;
	s2 =	simm.s32 $0x12;
	[smem:$0x7FC] =	sst s0  }
0x47: {  	s13 =	simm.s32 $0x16;
	_ =	strace $0x80000047;
	[smem:$0x7FD] =	sst s30  }
.LBB2_1:
0x48: {  	s0 =	sld [smem:$0x7E9];
	_ =	sdelay $0x2  }
0x49: {  	[tilespmem:s1], [sflag:$0x1] =	stream.linear.gather [hbm4b:s0+s1], $0x2000, $0x38;
	[tilespmem:$0x1C000] =	vst v63  }
0x4a: {  	s5 =	rddreg [dreg:$0x3];
	s3 =	simm.s32 $0x2000  }
0x4b: {  	[tilespmem:s3], [sflag:$0x2] =	stream.linear.gather [hbm4b:s5+s1], $0x2000, $0x38;
	[tilespmem:$0x1C000] =	vst v63  }
0x4c: {  	s9 =	rddreg [dreg:$0x4];
	s23 =	simm.s32 $0x4000  }
0x4d: {  	[tilespmem:s23], [sflag:$0x3] =	stream.linear.gather [hbm4b:s9+s1], $0x2000, $0x38;
	[tilespmem:$0x1C000] =	vst v63  }
0x4e: {  	s25 =	rddreg [dreg:$0x5]  }
0x4f: {  	[tilespmem:s4], [sflag:$0x4] =	stream.linear.gather [hbm4b:s25+s1], $0x2000, $0x38;
	[tilespmem:$0x1C000] =	vst v63  }
0x50: {  	s3 =	rddreg [dreg:$0x6];
	s4 =	simm.s32 $0x8000  }
0x51: {  	[tilespmem:s4], [sflag:$0x5] =	stream.linear.gather [hbm4b:s3+s1], $0x2000, $0x38;
	[tilespmem:$0x1C000] =	vst v63  }
0x52: {  	s5 =	rddreg [dreg:$0x7];
	s9 =	simm.s32 $0xA000  }
0x53: {  	[tilespmem:s9], [sflag:$0x6] =	stream.linear.gather [hbm4b:s5+s1], $0x2000, $0x38;
	[tilespmem:$0x1C000] =	vst v63  }
0x54: {  	s23 =	rddreg [dreg:$0x8];
	s25 =	simm.s32 $0xC000  }
0x55: {  	[tilespmem:s25], [sflag:$0x7] =	stream.linear.gather [hbm4b:s23+s1], $0x2000, $0x38;
	[tilespmem:$0x1C000] =	vst v63  }
0x56: {  	s4 =	rddreg [dreg:$0x9];
	s5 =	simm.s32 $0xE000  }
0x57: {  	[tilespmem:s5], [sflag:$0x8] =	stream.linear.gather [hbm4b:s4+s1], $0x2000, $0x38;
	[tilespmem:$0x1C000] =	vst v63  }
0x58: {  	s9 =	rddreg [dreg:$0xa];
	s23 =	simm.s32 $0x10000  }
0x59: {  	[tilespmem:s23], [sflag:$0x9] =	stream.linear.gather [hbm4b:s9+s1], $0x2000, $0x38;
	[tilespmem:$0x1C000] =	vst v63  }
0x5a: {  	s25 =	sand.u32 $0x1C00, s1;
	s9 =	sand.u32 $0x380, s1;
	_ =	swait.ge [sflag:s15], $0x2000  }
0x5b: {  	s23 =	sand.u32 $0x40, s1;
	s0 =	sor.u32 s9, s25;
	[sflag:s15] =	ssyncset.done $0x0  }
0x5c: {  	s9 =	sor.u32 s23, s0;
	[sflag:s15] =	ssyncadd.s32 $0xFFFFE000  }
0x5d: {  	v2 =	vld [tilespmem:s9+$0x30]  }
0x5e: {  	v3 =	vld [tilespmem:s9+$0x20]  }
0x5f: {  	s28 =	simm.s32 $0x8;
	s25 =	simm.s32 $0x200  }
0x60: {  	s30 =	simm.s32 $0x40;
	s4 =	sand.u32 $0x380, s28;
	s3 =	sand.u32 $0x1C00, s25;
	v0 =	vld [tilespmem:s9+$0x10]  }
0x61: {  	s5 =	sand.u32 $0x40, s30;
	s0 =	sor.u32 s4, s3;
	v1 =	vld [tilespmem:s9+$0x0]  }
0x62: {  	s23 =	sor.u32 s5, s0  }
0x63: {  	s0 =	simm.s32 $0x4;
	v4 =	vmul.f32 $3.125000000e-02, v2;
	v2 =	vld [tilespmem:s23+$0x30];
	v3 =	vmul.f32 $3.125000000e-02, v3  }
.LBB2_2:
0x64: {  	s0 =	sadd.s32 $0x4, s0  }
0x65: {  	v5 =	vld [tilespmem:s23+$0x20];
	v6 =	vmul.f32 $3.125000000e-02, v0;
	[tilespmem:s9+$0x30] =	vst v4;
	p0 =	slt.u32 s0, $0x1FC  }
.Ltmp0:
0x66: {  	s25 =	sadd.s32 $0x200, s25;
	s28 =	sadd.s32 $0x8, s28;
	v0 =	vld [tilespmem:s23+$0x10];
	v4 =	vmul.f32 $3.125000000e-02, v1;
	[tilespmem:s9+$0x20] =	vst v3;
	(pc) =	sbr.rel @p0 .LBB2_2-.Ltmp0, $4  }
0x67: {  	s30 =	sadd.s32 $0x40, s30;
	s3 =	sand.u32 $0x1C00, s25;
	s4 =	sand.u32 $0x380, s28;
	v1 =	vld [tilespmem:s23+$0x0];
	[tilespmem:s9+$0x10] =	vst v6  }
0x68: {  	s5 =	sand.u32 $0x40, s30;
	s3 =	sor.u32 s4, s3;
	[tilespmem:s9+$0x0] =	vst v4  }
0x69: {  	s9 =	smov.u32 s23;
	s23 =	sor.u32 s5, s3;
	v4 =	vmul.f32 $3.125000000e-02, v2  }
0x6a: {  	v2 =	vld [tilespmem:s23+$0x30];
	v3 =	vmul.f32 $3.125000000e-02, v5  }
0x6b: {  	v5 =	vld [tilespmem:s23+$0x20]  }
0x6c: {  	v6 =	vld [tilespmem:s23+$0x10]  }
0x6d: {  	v0 =	vmul.f32 $3.125000000e-02, v0;
	[tilespmem:s9+$0x30] =	vst v4;
	v4 =	vld [tilespmem:s23+$0x0]  }
0x6e: {  	[tilespmem:s9+$0x20] =	vst v3;
	v1 =	vmul.f32 $3.125000000e-02, v1  }
0x6f: {  	[tilespmem:s9+$0x10] =	vst v0;
	v0 =	vmul.f32 $3.125000000e-02, v2  }
0x70: {  	[tilespmem:s9+$0x0] =	vst v1;
	v1 =	vmul.f32 $3.125000000e-02, v5  }
0x71: {  	v2 =	vmul.f32 $3.125000000e-02, v6;
	[tilespmem:s23+$0x30] =	vst v0  }
0x72: {  	v0 =	vmul.f32 $3.125000000e-02, v4;
	[tilespmem:s23+$0x20] =	vst v1  }
0x73: {  	[tilespmem:s23+$0x10] =	vst v2  }
0x74: {  	[tilespmem:s23+$0x0] =	vst v0  }
0x75: {  	s3 =	sld [smem:$0x7EA];
	_ =	sdelay $0x1  }
0x76: {  	s0 =	simm.s32 $0x0  }
0x77: {  	[hbm4b:s3+s0] =	stream.linear.scatter [tilespmem:s0], [sflag:$0xF], $0x2000, $0x38;
	[tilespmem:$0x1C000] =	vst v63  }
0x78: {  	s4 =	simm.s32 $0x12000;
	s9 =	rddreg [dreg:$0xb]  }
0x79: {  	[tilespmem:s4], [sflag:$0xA] =	stream.linear.gather [hbm4b:s9+s0], $0x2000, $0x38;
	[tilespmem:$0x1C000] =	vst v63  }
0x7a: {  	s25 =	sand.u32 $0x380, s0;
	s23 =	sand.u32 $0x1C00, s0;
	_ =	swait.ge [sflag:s17], $0x2000  }
0x7b: {  	s3 =	sor.u32 s25, s23;
	s0 =	sand.u32 $0x40, s0;
	[sflag:s17] =	ssyncset.done $0x0  }
0x7c: {  	s9 =	sor.u32 s0, s3;
	[sflag:s17] =	ssyncadd.s32 $0xFFFFE000  }
0x7d: {  	v2 =	vld [tilespmem:s9+$0x2030]  }
0x7e: {  	v3 =	vld [tilespmem:s9+$0x2020]  }
0x7f: {  	s28 =	simm.s32 $0x8;
	s25 =	simm.s32 $0x200  }
0x80: {  	s30 =	simm.s32 $0x40;
	s5 =	sand.u32 $0x380, s28;
	s4 =	sand.u32 $0x1C00, s25;
	v0 =	vld [tilespmem:s9+$0x2010]  }
0x81: {  	s23 =	sand.u32 $0x40, s30;
	s0 =	sor.u32 s5, s4;
	v1 =	vld [tilespmem:s9+$0x2000]  }
0x82: {  	s23 =	sor.u32 s23, s0  }
0x83: {  	s0 =	simm.s32 $0x4;
	v4 =	vmul.f32 $3.125000000e-02, v2;
	v2 =	vld [tilespmem:s23+$0x2030];
	v3 =	vmul.f32 $3.125000000e-02, v3  }
.LBB2_4:
0x84: {  	s0 =	sadd.s32 $0x4, s0  }
0x85: {  	v5 =	vld [tilespmem:s23+$0x2020];
	v6 =	vmul.f32 $3.125000000e-02, v0;
	[tilespmem:s9+$0x2030] =	vst v4;
	p0 =	slt.u32 s0, $0x1FC  }
.Ltmp1:
0x86: {  	s25 =	sadd.s32 $0x200, s25;
	s28 =	sadd.s32 $0x8, s28;
	v0 =	vld [tilespmem:s23+$0x2010];
	v4 =	vmul.f32 $3.125000000e-02, v1;
	[tilespmem:s9+$0x2020] =	vst v3;
	(pc) =	sbr.rel @p0 .LBB2_4-.Ltmp1, $4  }
0x87: {  	s30 =	sadd.s32 $0x40, s30;
	s3 =	sand.u32 $0x1C00, s25;
	s4 =	sand.u32 $0x380, s28;
	v1 =	vld [tilespmem:s23+$0x2000];
	[tilespmem:s9+$0x2010] =	vst v6  }
0x88: {  	s5 =	sand.u32 $0x40, s30;
	s3 =	sor.u32 s4, s3;
	[tilespmem:s9+$0x2000] =	vst v4  }
0x89: {  	s9 =	smov.u32 s23;
	s23 =	sor.u32 s5, s3;
	v4 =	vmul.f32 $3.125000000e-02, v2  }
0x8a: {  	v2 =	vld [tilespmem:s23+$0x2030];
	v3 =	vmul.f32 $3.125000000e-02, v5  }
0x8b: {  	v5 =	vld [tilespmem:s23+$0x2020]  }
0x8c: {  	v6 =	vld [tilespmem:s23+$0x2010]  }
0x8d: {  	v0 =	vmul.f32 $3.125000000e-02, v0;
	[tilespmem:s9+$0x2030] =	vst v4;
	v4 =	vld [tilespmem:s23+$0x2000]  }
0x8e: {  	[tilespmem:s9+$0x2020] =	vst v3;
	v1 =	vmul.f32 $3.125000000e-02, v1  }
0x8f: {  	[tilespmem:s9+$0x2010] =	vst v0;
	v0 =	vmul.f32 $3.125000000e-02, v2  }
0x90: {  	[tilespmem:s9+$0x2000] =	vst v1;
	v1 =	vmul.f32 $3.125000000e-02, v5  }
0x91: {  	v2 =	vmul.f32 $3.125000000e-02, v6;
	[tilespmem:s23+$0x2030] =	vst v0  }
0x92: {  	v0 =	vmul.f32 $3.125000000e-02, v4;
	[tilespmem:s23+$0x2020] =	vst v1  }
0x93: {  	[tilespmem:s23+$0x2010] =	vst v2  }
0x94: {  	[tilespmem:s23+$0x2000] =	vst v0  }
0x95: {  	s0 =	simm.s32 $0x0;
	s4 =	simm.s32 $0x2000;
	s3 =	rddreg [dreg:$0xc]  }
0x96: {  	[hbm4b:s3+s0] =	stream.linear.scatter [tilespmem:s4], [sflag:$0x10], $0x2000, $0x38;
	[tilespmem:$0x1C000] =	vst v63  }
0x97: {  	s9 =	simm.s32 $0x14000;
	s5 =	rddreg [dreg:$0xd]  }
0x98: {  	[tilespmem:s9], [sflag:$0xB] =	stream.linear.gather [hbm4b:s5+s0], $0x2000, $0x38;
	[tilespmem:$0x1C000] =	vst v63  }
0x99: {  	s25 =	sand.u32 $0x380, s0;
	s23 =	sand.u32 $0x1C00, s0;
	_ =	swait.ge [sflag:s19], $0x2000  }
0x9a: {  	s3 =	sor.u32 s25, s23;
	s0 =	sand.u32 $0x40, s0;
	[sflag:s19] =	ssyncset.done $0x0  }
0x9b: {  	s9 =	sor.u32 s0, s3;
	[sflag:s19] =	ssyncadd.s32 $0xFFFFE000  }
0x9c: {  	v2 =	vld [tilespmem:s9+$0x4030]  }
0x9d: {  	v3 =	vld [tilespmem:s9+$0x4020]  }
0x9e: {  	s28 =	simm.s32 $0x8;
	s25 =	simm.s32 $0x200  }
0x9f: {  	s30 =	simm.s32 $0x40;
	s4 =	sand.u32 $0x1C00, s25;
	s5 =	sand.u32 $0x380, s28;
	v0 =	vld [tilespmem:s9+$0x4010]  }
0xa0: {  	s23 =	sand.u32 $0x40, s30;
	s0 =	sor.u32 s5, s4;
	v1 =	vld [tilespmem:s9+$0x4000]  }
0xa1: {  	s23 =	sor.u32 s23, s0  }
0xa2: {  	s0 =	simm.s32 $0x4;
	v4 =	vmul.f32 $3.125000000e-02, v2;
	v2 =	vld [tilespmem:s23+$0x4030];
	v3 =	vmul.f32 $3.125000000e-02, v3  }
.LBB2_6:
0xa3: {  	s0 =	sadd.s32 $0x4, s0  }
0xa4: {  	v5 =	vld [tilespmem:s23+$0x4020];
	v6 =	vmul.f32 $3.125000000e-02, v0;
	[tilespmem:s9+$0x4030] =	vst v4;
	p0 =	slt.u32 s0, $0x1FC  }
.Ltmp2:
0xa5: {  	s25 =	sadd.s32 $0x200, s25;
	s28 =	sadd.s32 $0x8, s28;
	v0 =	vld [tilespmem:s23+$0x4010];
	v4 =	vmul.f32 $3.125000000e-02, v1;
	[tilespmem:s9+$0x4020] =	vst v3;
	(pc) =	sbr.rel @p0 .LBB2_6-.Ltmp2, $4  }
0xa6: {  	s30 =	sadd.s32 $0x40, s30;
	s3 =	sand.u32 $0x1C00, s25;
	s4 =	sand.u32 $0x380, s28;
	v1 =	vld [tilespmem:s23+$0x4000];
	[tilespmem:s9+$0x4010] =	vst v6  }
0xa7: {  	s5 =	sand.u32 $0x40, s30;
	s3 =	sor.u32 s4, s3;
	[tilespmem:s9+$0x4000] =	vst v4  }
0xa8: {  	s9 =	smov.u32 s23;
	s23 =	sor.u32 s5, s3;
	v4 =	vmul.f32 $3.125000000e-02, v2  }
0xa9: {  	v2 =	vld [tilespmem:s23+$0x4030];
	v3 =	vmul.f32 $3.125000000e-02, v5  }
0xaa: {  	v5 =	vld [tilespmem:s23+$0x4020]  }
0xab: {  	v6 =	vld [tilespmem:s23+$0x4010]  }
0xac: {  	v0 =	vmul.f32 $3.125000000e-02, v0;
	[tilespmem:s9+$0x4030] =	vst v4;
	v4 =	vld [tilespmem:s23+$0x4000]  }
0xad: {  	[tilespmem:s9+$0x4020] =	vst v3;
	v1 =	vmul.f32 $3.125000000e-02, v1  }
0xae: {  	[tilespmem:s9+$0x4010] =	vst v0;
	v0 =	vmul.f32 $3.125000000e-02, v2  }
0xaf: {  	[tilespmem:s9+$0x4000] =	vst v1;
	v1 =	vmul.f32 $3.125000000e-02, v5  }
0xb0: {  	v2 =	vmul.f32 $3.125000000e-02, v6;
	[tilespmem:s23+$0x4030] =	vst v0  }
0xb1: {  	v0 =	vmul.f32 $3.125000000e-02, v4;
	[tilespmem:s23+$0x4020] =	vst v1  }
0xb2: {  	[tilespmem:s23+$0x4010] =	vst v2  }
0xb3: {  	[tilespmem:s23+$0x4000] =	vst v0  }
0xb4: {  	s0 =	simm.s32 $0x0;
	s4 =	simm.s32 $0x4000;
	s3 =	rddreg [dreg:$0xe]  }
0xb5: {  	[hbm4b:s3+s0] =	stream.linear.scatter [tilespmem:s4], [sflag:$0x11], $0x2000, $0x38;
	[tilespmem:$0x1C000] =	vst v63  }
0xb6: {  	s9 =	simm.s32 $0x16000;
	s5 =	rddreg [dreg:$0x17]  }
0xb7: {  	[tilespmem:s9], [sflag:$0xC] =	stream.linear.gather [hbm4b:s5+s0], $0x2000, $0x38;
	[tilespmem:$0x1C000] =	vst v63  }
0xb8: {  	s25 =	sand.u32 $0x380, s0;
	s23 =	sand.u32 $0x1C00, s0;
	_ =	swait.ge [sflag:s21], $0x2000  }
0xb9: {  	s3 =	sor.u32 s25, s23;
	s0 =	sand.u32 $0x40, s0;
	[sflag:s21] =	ssyncset.done $0x0  }
0xba: {  	s9 =	sor.u32 s0, s3;
	[sflag:s21] =	ssyncadd.s32 $0xFFFFE000  }
0xbb: {  	v2 =	vld [tilespmem:s9+$0x6030]  }
0xbc: {  	v3 =	vld [tilespmem:s9+$0x6020]  }
0xbd: {  	s28 =	simm.s32 $0x8;
	s25 =	simm.s32 $0x200  }
0xbe: {  	s30 =	simm.s32 $0x40;
	s4 =	sand.u32 $0x1C00, s25;
	s5 =	sand.u32 $0x380, s28;
	v0 =	vld [tilespmem:s9+$0x6010]  }
0xbf: {  	s23 =	sand.u32 $0x40, s30;
	s0 =	sor.u32 s5, s4;
	v1 =	vld [tilespmem:s9+$0x6000]  }
0xc0: {  	s23 =	sor.u32 s23, s0  }
0xc1: {  	s0 =	simm.s32 $0x4;
	v4 =	vmul.f32 $3.125000000e-02, v2;
	v2 =	vld [tilespmem:s23+$0x6030];
	v3 =	vmul.f32 $3.125000000e-02, v3  }
.LBB2_8:
0xc2: {  	s0 =	sadd.s32 $0x4, s0  }
0xc3: {  	v5 =	vld [tilespmem:s23+$0x6020];
	v6 =	vmul.f32 $3.125000000e-02, v0;
	[tilespmem:s9+$0x6030] =	vst v4;
	p0 =	slt.u32 s0, $0x1FC  }
.Ltmp3:
0xc4: {  	s25 =	sadd.s32 $0x200, s25;
	s28 =	sadd.s32 $0x8, s28;
	v0 =	vld [tilespmem:s23+$0x6010];
	v4 =	vmul.f32 $3.125000000e-02, v1;
	[tilespmem:s9+$0x6020] =	vst v3;
	(pc) =	sbr.rel @p0 .LBB2_8-.Ltmp3, $4  }
0xc5: {  	s30 =	sadd.s32 $0x40, s30;
	s3 =	sand.u32 $0x1C00, s25;
	s4 =	sand.u32 $0x380, s28;
	v1 =	vld [tilespmem:s23+$0x6000];
	[tilespmem:s9+$0x6010] =	vst v6  }
0xc6: {  	s5 =	sand.u32 $0x40, s30;
	s3 =	sor.u32 s4, s3;
	[tilespmem:s9+$0x6000] =	vst v4  }
0xc7: {  	s9 =	smov.u32 s23;
	s23 =	sor.u32 s5, s3;
	v4 =	vmul.f32 $3.125000000e-02, v2  }
0xc8: {  	v2 =	vld [tilespmem:s23+$0x6030];
	v3 =	vmul.f32 $3.125000000e-02, v5  }
0xc9: {  	v5 =	vld [tilespmem:s23+$0x6020]  }
0xca: {  	v6 =	vld [tilespmem:s23+$0x6010]  }
0xcb: {  	v0 =	vmul.f32 $3.125000000e-02, v0;
	[tilespmem:s9+$0x6030] =	vst v4;
	v4 =	vld [tilespmem:s23+$0x6000]  }
0xcc: {  	[tilespmem:s9+$0x6020] =	vst v3;
	v1 =	vmul.f32 $3.125000000e-02, v1  }
0xcd: {  	[tilespmem:s9+$0x6010] =	vst v0;
	v0 =	vmul.f32 $3.125000000e-02, v2  }
0xce: {  	[tilespmem:s9+$0x6000] =	vst v1;
	v1 =	vmul.f32 $3.125000000e-02, v5  }
0xcf: {  	v2 =	vmul.f32 $3.125000000e-02, v6;
	[tilespmem:s23+$0x6030] =	vst v0  }
0xd0: {  	v0 =	vmul.f32 $3.125000000e-02, v4;
	[tilespmem:s23+$0x6020] =	vst v1  }
0xd1: {  	[tilespmem:s23+$0x6010] =	vst v2  }
0xd2: {  	[tilespmem:s23+$0x6000] =	vst v0  }
0xd3: {  	s0 =	simm.s32 $0x0;
	s3 =	rddreg [dreg:$0xf]  }
0xd4: {  	[hbm4b:s3+s0] =	stream.linear.scatter [tilespmem:s6], [sflag:$0x12], $0x2000, $0x38;
	[tilespmem:$0x1C000] =	vst v63  }
0xd5: {  	s4 =	simm.s32 $0x18000;
	s5 =	simm.s32 $0x5;
	s9 =	rddreg [dreg:$0x19]  }
0xd6: {  	[tilespmem:s4], [sflag:$0xD] =	stream.linear.gather [hbm4b:s9+s0], $0x2000, $0x38;
	[tilespmem:$0x1C000] =	vst v63  }
0xd7: {  	s25 =	sand.u32 $0x380, s0;
	s23 =	sand.u32 $0x1C00, s0;
	_ =	swait.ge [sflag:s5], $0x2000  }
0xd8: {  	s3 =	sor.u32 s25, s23;
	s0 =	sand.u32 $0x40, s0;
	[sflag:s5] =	ssyncset.done $0x0  }
0xd9: {  	s9 =	sor.u32 s0, s3;
	[sflag:s5] =	ssyncadd.s32 $0xFFFFE000  }
0xda: {  	v2 =	vld [tilespmem:s9+$0x8030]  }
0xdb: {  	v3 =	vld [tilespmem:s9+$0x8020]  }
0xdc: {  	s28 =	simm.s32 $0x8;
	s25 =	simm.s32 $0x200  }
0xdd: {  	s30 =	simm.s32 $0x40;
	s4 =	sand.u32 $0x1C00, s25;
	s5 =	sand.u32 $0x380, s28;
	v0 =	vld [tilespmem:s9+$0x8010]  }
0xde: {  	s23 =	sand.u32 $0x40, s30;
	s0 =	sor.u32 s5, s4;
	v1 =	vld [tilespmem:s9+$0x8000]  }
0xdf: {  	s23 =	sor.u32 s23, s0  }
0xe0: {  	s0 =	simm.s32 $0x4;
	v4 =	vmul.f32 $3.125000000e-02, v2;
	v2 =	vld [tilespmem:s23+$0x8030];
	v3 =	vmul.f32 $3.125000000e-02, v3  }
.LBB2_10:
0xe1: {  	s0 =	sadd.s32 $0x4, s0  }
0xe2: {  	v5 =	vld [tilespmem:s23+$0x8020];
	v6 =	vmul.f32 $3.125000000e-02, v0;
	[tilespmem:s9+$0x8030] =	vst v4;
	p0 =	slt.u32 s0, $0x1FC  }
.Ltmp4:
0xe3: {  	s25 =	sadd.s32 $0x200, s25;
	s28 =	sadd.s32 $0x8, s28;
	v0 =	vld [tilespmem:s23+$0x8010];
	v4 =	vmul.f32 $3.125000000e-02, v1;
	[tilespmem:s9+$0x8020] =	vst v3;
	(pc) =	sbr.rel @p0 .LBB2_10-.Ltmp4, $4  }
0xe4: {  	s30 =	sadd.s32 $0x40, s30;
	s3 =	sand.u32 $0x1C00, s25;
	s4 =	sand.u32 $0x380, s28;
	v1 =	vld [tilespmem:s23+$0x8000];
	[tilespmem:s9+$0x8010] =	vst v6  }
0xe5: {  	s5 =	sand.u32 $0x40, s30;
	s3 =	sor.u32 s4, s3;
	[tilespmem:s9+$0x8000] =	vst v4  }
0xe6: {  	s9 =	smov.u32 s23;
	s23 =	sor.u32 s5, s3;
	v4 =	vmul.f32 $3.125000000e-02, v2  }
0xe7: {  	v2 =	vld [tilespmem:s23+$0x8030];
	v3 =	vmul.f32 $3.125000000e-02, v5  }
0xe8: {  	v5 =	vld [tilespmem:s23+$0x8020]  }
0xe9: {  	v6 =	vld [tilespmem:s23+$0x8010]  }
0xea: {  	v0 =	vmul.f32 $3.125000000e-02, v0;
	[tilespmem:s9+$0x8030] =	vst v4;
	v4 =	vld [tilespmem:s23+$0x8000]  }
0xeb: {  	[tilespmem:s9+$0x8020] =	vst v3;
	v1 =	vmul.f32 $3.125000000e-02, v1  }
0xec: {  	[tilespmem:s9+$0x8010] =	vst v0;
	v0 =	vmul.f32 $3.125000000e-02, v2  }
0xed: {  	[tilespmem:s9+$0x8000] =	vst v1;
	v1 =	vmul.f32 $3.125000000e-02, v5  }
0xee: {  	v2 =	vmul.f32 $3.125000000e-02, v6;
	[tilespmem:s23+$0x8030] =	vst v0  }
0xef: {  	v0 =	vmul.f32 $3.125000000e-02, v4;
	[tilespmem:s23+$0x8020] =	vst v1  }
0xf0: {  	[tilespmem:s23+$0x8010] =	vst v2  }
0xf1: {  	[tilespmem:s23+$0x8000] =	vst v0  }
0xf2: {  	s0 =	simm.s32 $0x0;
	s4 =	simm.s32 $0x8000;
	s3 =	rddreg [dreg:$0x10]  }
0xf3: {  	[hbm4b:s3+s0] =	stream.linear.scatter [tilespmem:s4], [sflag:$0x13], $0x2000, $0x38;
	[tilespmem:$0x1C000] =	vst v63  }
0xf4: {  	s9 =	simm.s32 $0x1A000;
	s5 =	rddreg [dreg:$0x1b]  }
0xf5: {  	[tilespmem:s9], [sflag:$0xE] =	stream.linear.gather [hbm4b:s5+s0], $0x2000, $0x38;
	[tilespmem:$0x1C000] =	vst v63  }
0xf6: {  	s5 =	simm.s32 $0x6  }
0xf7: {  	s25 =	sand.u32 $0x380, s0;
	s23 =	sand.u32 $0x1C00, s0;
	_ =	swait.ge [sflag:s5], $0x2000  }
0xf8: {  	s3 =	sor.u32 s25, s23;
	s0 =	sand.u32 $0x40, s0;
	[sflag:s5] =	ssyncset.done $0x0  }
0xf9: {  	s9 =	sor.u32 s0, s3;
	[sflag:s5] =	ssyncadd.s32 $0xFFFFE000  }
0xfa: {  	v2 =	vld [tilespmem:s9+$0xA030]  }
0xfb: {  	v3 =	vld [tilespmem:s9+$0xA020]  }
0xfc: {  	s28 =	simm.s32 $0x8;
	s25 =	simm.s32 $0x200  }
0xfd: {  	s30 =	simm.s32 $0x40;
	s4 =	sand.u32 $0x1C00, s25;
	s5 =	sand.u32 $0x380, s28;
	v0 =	vld [tilespmem:s9+$0xA010]  }
0xfe: {  	s23 =	sand.u32 $0x40, s30;
	s0 =	sor.u32 s5, s4;
	v1 =	vld [tilespmem:s9+$0xA000]  }
0xff: {  	s23 =	sor.u32 s23, s0  }
0x100: {  	s0 =	simm.s32 $0x4;
	v4 =	vmul.f32 $3.125000000e-02, v2;
	v2 =	vld [tilespmem:s23+$0xA030];
	v3 =	vmul.f32 $3.125000000e-02, v3  }
.LBB2_12:
0x101: {  	s0 =	sadd.s32 $0x4, s0  }
0x102: {  	v5 =	vld [tilespmem:s23+$0xA020];
	v6 =	vmul.f32 $3.125000000e-02, v0;
	[tilespmem:s9+$0xA030] =	vst v4;
	p0 =	slt.u32 s0, $0x1FC  }
.Ltmp5:
0x103: {  	s25 =	sadd.s32 $0x200, s25;
	s28 =	sadd.s32 $0x8, s28;
	v0 =	vld [tilespmem:s23+$0xA010];
	v4 =	vmul.f32 $3.125000000e-02, v1;
	[tilespmem:s9+$0xA020] =	vst v3;
	(pc) =	sbr.rel @p0 .LBB2_12-.Ltmp5, $4  }
0x104: {  	s30 =	sadd.s32 $0x40, s30;
	s3 =	sand.u32 $0x1C00, s25;
	s4 =	sand.u32 $0x380, s28;
	v1 =	vld [tilespmem:s23+$0xA000];
	[tilespmem:s9+$0xA010] =	vst v6  }
0x105: {  	s5 =	sand.u32 $0x40, s30;
	s3 =	sor.u32 s4, s3;
	[tilespmem:s9+$0xA000] =	vst v4  }
0x106: {  	s9 =	smov.u32 s23;
	s23 =	sor.u32 s5, s3;
	v4 =	vmul.f32 $3.125000000e-02, v2  }
0x107: {  	v2 =	vld [tilespmem:s23+$0xA030];
	v3 =	vmul.f32 $3.125000000e-02, v5  }
0x108: {  	v5 =	vld [tilespmem:s23+$0xA020]  }
0x109: {  	v6 =	vld [tilespmem:s23+$0xA010]  }
0x10a: {  	v0 =	vmul.f32 $3.125000000e-02, v0;
	[tilespmem:s9+$0xA030] =	vst v4;
	v4 =	vld [tilespmem:s23+$0xA000]  }
0x10b: {  	[tilespmem:s9+$0xA020] =	vst v3;
	v1 =	vmul.f32 $3.125000000e-02, v1  }
0x10c: {  	[tilespmem:s9+$0xA010] =	vst v0;
	v0 =	vmul.f32 $3.125000000e-02, v2  }
0x10d: {  	[tilespmem:s9+$0xA000] =	vst v1;
	v1 =	vmul.f32 $3.125000000e-02, v5  }
0x10e: {  	v2 =	vmul.f32 $3.125000000e-02, v6;
	[tilespmem:s23+$0xA030] =	vst v0  }
0x10f: {  	v0 =	vmul.f32 $3.125000000e-02, v4;
	[tilespmem:s23+$0xA020] =	vst v1  }
0x110: {  	[tilespmem:s23+$0xA010] =	vst v2  }
0x111: {  	[tilespmem:s23+$0xA000] =	vst v0  }
0x112: {  	s0 =	simm.s32 $0x0;
	s4 =	simm.s32 $0xA000;
	s3 =	rddreg [dreg:$0x11]  }
0x113: {  	[hbm4b:s3+s0] =	stream.linear.scatter [tilespmem:s4], [sflag:$0x14], $0x2000, $0x38;
	[tilespmem:$0x1C000] =	vst v63  }
0x114: {  	_ =	swait.ge [sflag:s26], $0x2000  }
0x115: {  	[sflag:s26] =	ssyncset.done $0x0  }
0x116: {  	s5 =	simm.s32 $0x7;
	s9 =	rddreg [dreg:$0x1d];
	[sflag:s26] =	ssyncadd.s32 $0xFFFFE000  }
0x117: {  	[tilespmem:s0], [sflag:$0x1] =	stream.linear.gather [hbm4b:s9+s0], $0x2000, $0x38;
	[tilespmem:$0x1C000] =	vst v63  }
0x118: {  	s25 =	sand.u32 $0x380, s0;
	s23 =	sand.u32 $0x1C00, s0;
	_ =	swait.ge [sflag:s5], $0x2000  }
0x119: {  	s3 =	sor.u32 s25, s23;
	s0 =	sand.u32 $0x40, s0;
	[sflag:s5] =	ssyncset.done $0x0  }
0x11a: {  	s9 =	sor.u32 s0, s3;
	[sflag:s5] =	ssyncadd.s32 $0xFFFFE000  }
0x11b: {  	v2 =	vld [tilespmem:s9+$0xC030]  }
0x11c: {  	v3 =	vld [tilespmem:s9+$0xC020]  }
0x11d: {  	s28 =	simm.s32 $0x8;
	s25 =	simm.s32 $0x200  }
0x11e: {  	s30 =	simm.s32 $0x40;
	s4 =	sand.u32 $0x1C00, s25;
	s5 =	sand.u32 $0x380, s28;
	v0 =	vld [tilespmem:s9+$0xC010]  }
0x11f: {  	s23 =	sand.u32 $0x40, s30;
	s0 =	sor.u32 s5, s4;
	v1 =	vld [tilespmem:s9+$0xC000]  }
0x120: {  	s23 =	sor.u32 s23, s0  }
0x121: {  	s0 =	simm.s32 $0x4;
	v4 =	vmul.f32 $3.125000000e-02, v2;
	v2 =	vld [tilespmem:s23+$0xC030];
	v3 =	vmul.f32 $3.125000000e-02, v3  }
.LBB2_14:
0x122: {  	s0 =	sadd.s32 $0x4, s0  }
0x123: {  	v5 =	vld [tilespmem:s23+$0xC020];
	v6 =	vmul.f32 $3.125000000e-02, v0;
	[tilespmem:s9+$0xC030] =	vst v4;
	p0 =	slt.u32 s0, $0x1FC  }
.Ltmp6:
0x124: {  	s25 =	sadd.s32 $0x200, s25;
	s28 =	sadd.s32 $0x8, s28;
	v0 =	vld [tilespmem:s23+$0xC010];
	v4 =	vmul.f32 $3.125000000e-02, v1;
	[tilespmem:s9+$0xC020] =	vst v3;
	(pc) =	sbr.rel @p0 .LBB2_14-.Ltmp6, $4  }
0x125: {  	s30 =	sadd.s32 $0x40, s30;
	s3 =	sand.u32 $0x1C00, s25;
	s4 =	sand.u32 $0x380, s28;
	v1 =	vld [tilespmem:s23+$0xC000];
	[tilespmem:s9+$0xC010] =	vst v6  }
0x126: {  	s5 =	sand.u32 $0x40, s30;
	s3 =	sor.u32 s4, s3;
	[tilespmem:s9+$0xC000] =	vst v4  }
0x127: {  	s9 =	smov.u32 s23;
	s23 =	sor.u32 s5, s3;
	v4 =	vmul.f32 $3.125000000e-02, v2  }
0x128: {  	v2 =	vld [tilespmem:s23+$0xC030];
	v3 =	vmul.f32 $3.125000000e-02, v5  }
0x129: {  	v5 =	vld [tilespmem:s23+$0xC020]  }
0x12a: {  	v6 =	vld [tilespmem:s23+$0xC010]  }
0x12b: {  	v0 =	vmul.f32 $3.125000000e-02, v0;
	[tilespmem:s9+$0xC030] =	vst v4;
	v4 =	vld [tilespmem:s23+$0xC000]  }
0x12c: {  	[tilespmem:s9+$0xC020] =	vst v3;
	v1 =	vmul.f32 $3.125000000e-02, v1  }
0x12d: {  	[tilespmem:s9+$0xC010] =	vst v0;
	v0 =	vmul.f32 $3.125000000e-02, v2  }
0x12e: {  	[tilespmem:s9+$0xC000] =	vst v1;
	v1 =	vmul.f32 $3.125000000e-02, v5  }
0x12f: {  	v2 =	vmul.f32 $3.125000000e-02, v6;
	[tilespmem:s23+$0xC030] =	vst v0  }
0x130: {  	v0 =	vmul.f32 $3.125000000e-02, v4;
	[tilespmem:s23+$0xC020] =	vst v1  }
0x131: {  	[tilespmem:s23+$0xC010] =	vst v2  }
0x132: {  	[tilespmem:s23+$0xC000] =	vst v0  }
0x133: {  	s0 =	simm.s32 $0x0;
	s4 =	simm.s32 $0xC000;
	s3 =	rddreg [dreg:$0x12]  }
0x134: {  	[hbm4b:s3+s0] =	stream.linear.scatter [tilespmem:s4], [sflag:$0x15], $0x2000, $0x38;
	[tilespmem:$0x1C000] =	vst v63  }
0x135: {  	_ =	swait.ge [sflag:s29], $0x2000  }
0x136: {  	[sflag:s29] =	ssyncset.done $0x0  }
0x137: {  	s9 =	simm.s32 $0x2000;
	s5 =	rddreg [dreg:$0x1f];
	[sflag:s29] =	ssyncadd.s32 $0xFFFFE000  }
0x138: {  	[tilespmem:s9], [sflag:$0x2] =	stream.linear.gather [hbm4b:s5+s0], $0x2000, $0x38;
	[tilespmem:$0x1C000] =	vst v63  }
0x139: {  	s5 =	simm.s32 $0x8  }
0x13a: {  	s25 =	sand.u32 $0x380, s0;
	s23 =	sand.u32 $0x1C00, s0;
	_ =	swait.ge [sflag:s5], $0x2000  }
0x13b: {  	s3 =	sor.u32 s25, s23;
	s0 =	sand.u32 $0x40, s0;
	[sflag:s5] =	ssyncset.done $0x0  }
0x13c: {  	s9 =	sor.u32 s0, s3;
	[sflag:s5] =	ssyncadd.s32 $0xFFFFE000  }
0x13d: {  	v2 =	vld [tilespmem:s9+$0xE030]  }
0x13e: {  	v3 =	vld [tilespmem:s9+$0xE020]  }
0x13f: {  	s28 =	simm.s32 $0x8;
	s25 =	simm.s32 $0x200  }
0x140: {  	s30 =	simm.s32 $0x40;
	s4 =	sand.u32 $0x1C00, s25;
	s5 =	sand.u32 $0x380, s28;
	v0 =	vld [tilespmem:s9+$0xE010]  }
0x141: {  	s23 =	sand.u32 $0x40, s30;
	s0 =	sor.u32 s5, s4;
	v1 =	vld [tilespmem:s9+$0xE000]  }
0x142: {  	s23 =	sor.u32 s23, s0  }
0x143: {  	s0 =	simm.s32 $0x4;
	v4 =	vmul.f32 $3.125000000e-02, v2;
	v2 =	vld [tilespmem:s23+$0xE030];
	v3 =	vmul.f32 $3.125000000e-02, v3  }
.LBB2_16:
0x144: {  	s0 =	sadd.s32 $0x4, s0  }
0x145: {  	v5 =	vld [tilespmem:s23+$0xE020];
	v6 =	vmul.f32 $3.125000000e-02, v0;
	[tilespmem:s9+$0xE030] =	vst v4;
	p0 =	slt.u32 s0, $0x1FC  }
.Ltmp7:
0x146: {  	s25 =	sadd.s32 $0x200, s25;
	s28 =	sadd.s32 $0x8, s28;
	v0 =	vld [tilespmem:s23+$0xE010];
	v4 =	vmul.f32 $3.125000000e-02, v1;
	[tilespmem:s9+$0xE020] =	vst v3;
	(pc) =	sbr.rel @p0 .LBB2_16-.Ltmp7, $4  }
0x147: {  	s30 =	sadd.s32 $0x40, s30;
	s3 =	sand.u32 $0x1C00, s25;
	s4 =	sand.u32 $0x380, s28;
	v1 =	vld [tilespmem:s23+$0xE000];
	[tilespmem:s9+$0xE010] =	vst v6  }
0x148: {  	s5 =	sand.u32 $0x40, s30;
	s3 =	sor.u32 s4, s3;
	[tilespmem:s9+$0xE000] =	vst v4  }
0x149: {  	s9 =	smov.u32 s23;
	s23 =	sor.u32 s5, s3;
	v4 =	vmul.f32 $3.125000000e-02, v2  }
0x14a: {  	v2 =	vld [tilespmem:s23+$0xE030];
	v3 =	vmul.f32 $3.125000000e-02, v5  }
0x14b: {  	v5 =	vld [tilespmem:s23+$0xE020]  }
0x14c: {  	v6 =	vld [tilespmem:s23+$0xE010]  }
0x14d: {  	v0 =	vmul.f32 $3.125000000e-02, v0;
	[tilespmem:s9+$0xE030] =	vst v4;
	v4 =	vld [tilespmem:s23+$0xE000]  }
0x14e: {  	[tilespmem:s9+$0xE020] =	vst v3;
	v1 =	vmul.f32 $3.125000000e-02, v1  }
0x14f: {  	[tilespmem:s9+$0xE010] =	vst v0;
	v0 =	vmul.f32 $3.125000000e-02, v2  }
0x150: {  	[tilespmem:s9+$0xE000] =	vst v1;
	v1 =	vmul.f32 $3.125000000e-02, v5  }
0x151: {  	v2 =	vmul.f32 $3.125000000e-02, v6;
	[tilespmem:s23+$0xE030] =	vst v0  }
0x152: {  	v0 =	vmul.f32 $3.125000000e-02, v4;
	[tilespmem:s23+$0xE020] =	vst v1  }
0x153: {  	[tilespmem:s23+$0xE010] =	vst v2  }
0x154: {  	[tilespmem:s23+$0xE000] =	vst v0  }
0x155: {  	s0 =	simm.s32 $0x0;
	s4 =	simm.s32 $0xE000;
	s3 =	rddreg [dreg:$0x13]  }
0x156: {  	[hbm4b:s3+s0] =	stream.linear.scatter [tilespmem:s4], [sflag:$0x16], $0x2000, $0x38;
	[tilespmem:$0x1C000] =	vst v63  }
0x157: {  	_ =	swait.ge [sflag:s31], $0x2000  }
0x158: {  	s5 =	sld [smem:$0x7DB]  }
0x159: {  	[sflag:s31] =	ssyncset.done $0x0  }
0x15a: {  	s9 =	simm.s32 $0x4000;
	[sflag:s31] =	ssyncadd.s32 $0xFFFFE000  }
0x15b: {  	[tilespmem:s9], [sflag:$0x3] =	stream.linear.gather [hbm4b:s5+s0], $0x2000, $0x38;
	[tilespmem:$0x1C000] =	vst v63  }
0x15c: {  	s5 =	simm.s32 $0x9  }
0x15d: {  	s25 =	sand.u32 $0x380, s0;
	s23 =	sand.u32 $0x1C00, s0;
	_ =	swait.ge [sflag:s5], $0x2000  }
0x15e: {  	s3 =	sor.u32 s25, s23;
	s0 =	sand.u32 $0x40, s0;
	[sflag:s5] =	ssyncset.done $0x0  }
0x15f: {  	s9 =	sor.u32 s0, s3;
	[sflag:s5] =	ssyncadd.s32 $0xFFFFE000  }
0x160: {  	v2 =	vld [tilespmem:s9+$0x10030]  }
0x161: {  	v3 =	vld [tilespmem:s9+$0x10020]  }
0x162: {  	s28 =	simm.s32 $0x8;
	s25 =	simm.s32 $0x200  }
0x163: {  	s30 =	simm.s32 $0x40;
	s4 =	sand.u32 $0x1C00, s25;
	s5 =	sand.u32 $0x380, s28;
	v0 =	vld [tilespmem:s9+$0x10010]  }
0x164: {  	s23 =	sand.u32 $0x40, s30;
	s0 =	sor.u32 s5, s4;
	v1 =	vld [tilespmem:s9+$0x10000]  }
0x165: {  	s23 =	sor.u32 s23, s0  }
0x166: {  	s0 =	simm.s32 $0x4;
	v4 =	vmul.f32 $3.125000000e-02, v2;
	v2 =	vld [tilespmem:s23+$0x10030];
	v3 =	vmul.f32 $3.125000000e-02, v3  }
.LBB2_18:
0x167: {  	s0 =	sadd.s32 $0x4, s0  }
0x168: {  	v5 =	vld [tilespmem:s23+$0x10020];
	v6 =	vmul.f32 $3.125000000e-02, v0;
	[tilespmem:s9+$0x10030] =	vst v4;
	p0 =	slt.u32 s0, $0x1FC  }
.Ltmp8:
0x169: {  	s25 =	sadd.s32 $0x200, s25;
	s28 =	sadd.s32 $0x8, s28;
	v0 =	vld [tilespmem:s23+$0x10010];
	v4 =	vmul.f32 $3.125000000e-02, v1;
	[tilespmem:s9+$0x10020] =	vst v3;
	(pc) =	sbr.rel @p0 .LBB2_18-.Ltmp8, $4  }
0x16a: {  	s30 =	sadd.s32 $0x40, s30;
	s3 =	sand.u32 $0x1C00, s25;
	s4 =	sand.u32 $0x380, s28;
	v1 =	vld [tilespmem:s23+$0x10000];
	[tilespmem:s9+$0x10010] =	vst v6  }
0x16b: {  	s5 =	sand.u32 $0x40, s30;
	s3 =	sor.u32 s4, s3;
	[tilespmem:s9+$0x10000] =	vst v4  }
0x16c: {  	s9 =	smov.u32 s23;
	s23 =	sor.u32 s5, s3;
	v4 =	vmul.f32 $3.125000000e-02, v2  }
0x16d: {  	v2 =	vld [tilespmem:s23+$0x10030];
	v3 =	vmul.f32 $3.125000000e-02, v5  }
0x16e: {  	v5 =	vld [tilespmem:s23+$0x10020]  }
0x16f: {  	v6 =	vld [tilespmem:s23+$0x10010]  }
0x170: {  	v0 =	vmul.f32 $3.125000000e-02, v0;
	[tilespmem:s9+$0x10030] =	vst v4;
	v4 =	vld [tilespmem:s23+$0x10000]  }
0x171: {  	[tilespmem:s9+$0x10020] =	vst v3;
	v1 =	vmul.f32 $3.125000000e-02, v1  }
0x172: {  	[tilespmem:s9+$0x10010] =	vst v0;
	v0 =	vmul.f32 $3.125000000e-02, v2  }
0x173: {  	[tilespmem:s9+$0x10000] =	vst v1;
	v1 =	vmul.f32 $3.125000000e-02, v5  }
0x174: {  	v2 =	vmul.f32 $3.125000000e-02, v6;
	[tilespmem:s23+$0x10030] =	vst v0  }
0x175: {  	v0 =	vmul.f32 $3.125000000e-02, v4;
	[tilespmem:s23+$0x10020] =	vst v1  }
0x176: {  	[tilespmem:s23+$0x10010] =	vst v2  }
0x177: {  	[tilespmem:s23+$0x10000] =	vst v0  }
0x178: {  	s0 =	simm.s32 $0x0;
	s4 =	simm.s32 $0x10000;
	s3 =	rddreg [dreg:$0x14]  }
0x179: {  	[hbm4b:s3+s0] =	stream.linear.scatter [tilespmem:s4], [sflag:$0x17], $0x2000, $0x38;
	[tilespmem:$0x1C000] =	vst v63  }
0x17a: {  	_ =	swait.ge [sflag:s2], $0x2000  }
0x17b: {  	s9 =	sld [smem:$0x7DD]  }
0x17c: {  	[sflag:s2] =	ssyncset.done $0x0  }
0x17d: {  	s5 =	simm.s32 $0xA;
	[sflag:s2] =	ssyncadd.s32 $0xFFFFE000  }
0x17e: {  	[tilespmem:s6], [sflag:$0x4] =	stream.linear.gather [hbm4b:s9+s0], $0x2000, $0x38;
	[tilespmem:$0x1C000] =	vst v63  }
0x17f: {  	s25 =	sand.u32 $0x380, s0;
	s23 =	sand.u32 $0x1C00, s0;
	_ =	swait.ge [sflag:s5], $0x2000  }
0x180: {  	s3 =	sor.u32 s25, s23;
	s0 =	sand.u32 $0x40, s0;
	[sflag:s5] =	ssyncset.done $0x0  }
0x181: {  	s9 =	sor.u32 s0, s3;
	[sflag:s5] =	ssyncadd.s32 $0xFFFFE000  }
0x182: {  	v2 =	vld [tilespmem:s9+$0x12030]  }
0x183: {  	v3 =	vld [tilespmem:s9+$0x12020]  }
0x184: {  	s28 =	simm.s32 $0x8;
	s25 =	simm.s32 $0x200  }
0x185: {  	s30 =	simm.s32 $0x40;
	s4 =	sand.u32 $0x1C00, s25;
	s5 =	sand.u32 $0x380, s28;
	v0 =	vld [tilespmem:s9+$0x12010]  }
0x186: {  	s23 =	sand.u32 $0x40, s30;
	s0 =	sor.u32 s5, s4;
	v1 =	vld [tilespmem:s9+$0x12000]  }
0x187: {  	s23 =	sor.u32 s23, s0  }
0x188: {  	s0 =	simm.s32 $0x4;
	v4 =	vmul.f32 $3.125000000e-02, v2;
	v2 =	vld [tilespmem:s23+$0x12030];
	v3 =	vmul.f32 $3.125000000e-02, v3  }
.LBB2_20:
0x189: {  	s0 =	sadd.s32 $0x4, s0  }
0x18a: {  	v5 =	vld [tilespmem:s23+$0x12020];
	v6 =	vmul.f32 $3.125000000e-02, v0;
	[tilespmem:s9+$0x12030] =	vst v4;
	p0 =	slt.u32 s0, $0x1FC  }
.Ltmp9:
0x18b: {  	s25 =	sadd.s32 $0x200, s25;
	s28 =	sadd.s32 $0x8, s28;
	v0 =	vld [tilespmem:s23+$0x12010];
	v4 =	vmul.f32 $3.125000000e-02, v1;
	[tilespmem:s9+$0x12020] =	vst v3;
	(pc) =	sbr.rel @p0 .LBB2_20-.Ltmp9, $4  }
0x18c: {  	s30 =	sadd.s32 $0x40, s30;
	s3 =	sand.u32 $0x1C00, s25;
	s4 =	sand.u32 $0x380, s28;
	v1 =	vld [tilespmem:s23+$0x12000];
	[tilespmem:s9+$0x12010] =	vst v6  }
0x18d: {  	s5 =	sand.u32 $0x40, s30;
	s3 =	sor.u32 s4, s3;
	[tilespmem:s9+$0x12000] =	vst v4  }
0x18e: {  	s9 =	smov.u32 s23;
	s23 =	sor.u32 s5, s3;
	v4 =	vmul.f32 $3.125000000e-02, v2  }
0x18f: {  	v2 =	vld [tilespmem:s23+$0x12030];
	v3 =	vmul.f32 $3.125000000e-02, v5  }
0x190: {  	v5 =	vld [tilespmem:s23+$0x12020]  }
0x191: {  	v6 =	vld [tilespmem:s23+$0x12010]  }
0x192: {  	v0 =	vmul.f32 $3.125000000e-02, v0;
	[tilespmem:s9+$0x12030] =	vst v4;
	v4 =	vld [tilespmem:s23+$0x12000]  }
0x193: {  	[tilespmem:s9+$0x12020] =	vst v3;
	v1 =	vmul.f32 $3.125000000e-02, v1  }
0x194: {  	[tilespmem:s9+$0x12010] =	vst v0;
	v0 =	vmul.f32 $3.125000000e-02, v2  }
0x195: {  	[tilespmem:s9+$0x12000] =	vst v1;
	v1 =	vmul.f32 $3.125000000e-02, v5  }
0x196: {  	v2 =	vmul.f32 $3.125000000e-02, v6;
	[tilespmem:s23+$0x12030] =	vst v0  }
0x197: {  	v0 =	vmul.f32 $3.125000000e-02, v4;
	[tilespmem:s23+$0x12020] =	vst v1  }
0x198: {  	[tilespmem:s23+$0x12010] =	vst v2  }
0x199: {  	[tilespmem:s23+$0x12000] =	vst v0  }
0x19a: {  	s0 =	simm.s32 $0x0;
	s4 =	simm.s32 $0x12000;
	s3 =	rddreg [dreg:$0x15]  }
0x19b: {  	[hbm4b:s3+s0] =	stream.linear.scatter [tilespmem:s4], [sflag:$0x18], $0x2000, $0x38;
	[tilespmem:$0x1C000] =	vst v63  }
0x19c: {  	s4 =	simm.s32 $0x13  }
0x19d: {  	_ =	swait.ge [sflag:s4], $0x2000  }
0x19e: {  	s5 =	sld [smem:$0x7DF]  }
0x19f: {  	[sflag:s4] =	ssyncset.done $0x0  }
0x1a0: {  	s9 =	simm.s32 $0x8000;
	[sflag:s4] =	ssyncadd.s32 $0xFFFFE000  }
0x1a1: {  	[tilespmem:s9], [sflag:$0x5] =	stream.linear.gather [hbm4b:s5+s0], $0x2000, $0x38;
	[tilespmem:$0x1C000] =	vst v63  }
0x1a2: {  	s5 =	simm.s32 $0xB  }
0x1a3: {  	s25 =	sand.u32 $0x380, s0;
	s23 =	sand.u32 $0x1C00, s0;
	_ =	swait.ge [sflag:s5], $0x2000  }
0x1a4: {  	s3 =	sor.u32 s25, s23;
	s0 =	sand.u32 $0x40, s0;
	[sflag:s5] =	ssyncset.done $0x0  }
0x1a5: {  	s9 =	sor.u32 s0, s3;
	[sflag:s5] =	ssyncadd.s32 $0xFFFFE000  }
0x1a6: {  	v2 =	vld [tilespmem:s9+$0x14030]  }
0x1a7: {  	v3 =	vld [tilespmem:s9+$0x14020]  }
0x1a8: {  	s28 =	simm.s32 $0x8;
	s25 =	simm.s32 $0x200  }
0x1a9: {  	s30 =	simm.s32 $0x40;
	s4 =	sand.u32 $0x1C00, s25;
	s5 =	sand.u32 $0x380, s28;
	v0 =	vld [tilespmem:s9+$0x14010]  }
0x1aa: {  	s23 =	sand.u32 $0x40, s30;
	s0 =	sor.u32 s5, s4;
	v1 =	vld [tilespmem:s9+$0x14000]  }
0x1ab: {  	s23 =	sor.u32 s23, s0  }
0x1ac: {  	s0 =	simm.s32 $0x4;
	v4 =	vmul.f32 $3.125000000e-02, v2;
	v2 =	vld [tilespmem:s23+$0x14030];
	v3 =	vmul.f32 $3.125000000e-02, v3  }
.LBB2_22:
0x1ad: {  	s0 =	sadd.s32 $0x4, s0  }
0x1ae: {  	v5 =	vld [tilespmem:s23+$0x14020];
	v6 =	vmul.f32 $3.125000000e-02, v0;
	[tilespmem:s9+$0x14030] =	vst v4;
	p0 =	slt.u32 s0, $0x1FC  }
.Ltmp10:
0x1af: {  	s25 =	sadd.s32 $0x200, s25;
	s28 =	sadd.s32 $0x8, s28;
	v0 =	vld [tilespmem:s23+$0x14010];
	v4 =	vmul.f32 $3.125000000e-02, v1;
	[tilespmem:s9+$0x14020] =	vst v3;
	(pc) =	sbr.rel @p0 .LBB2_22-.Ltmp10, $4  }
0x1b0: {  	s30 =	sadd.s32 $0x40, s30;
	s3 =	sand.u32 $0x1C00, s25;
	s4 =	sand.u32 $0x380, s28;
	v1 =	vld [tilespmem:s23+$0x14000];
	[tilespmem:s9+$0x14010] =	vst v6  }
0x1b1: {  	s5 =	sand.u32 $0x40, s30;
	s3 =	sor.u32 s4, s3;
	[tilespmem:s9+$0x14000] =	vst v4  }
0x1b2: {  	s9 =	smov.u32 s23;
	s23 =	sor.u32 s5, s3;
	v4 =	vmul.f32 $3.125000000e-02, v2  }
0x1b3: {  	v2 =	vld [tilespmem:s23+$0x14030];
	v3 =	vmul.f32 $3.125000000e-02, v5  }
0x1b4: {  	v5 =	vld [tilespmem:s23+$0x14020]  }
0x1b5: {  	v6 =	vld [tilespmem:s23+$0x14010]  }
0x1b6: {  	v0 =	vmul.f32 $3.125000000e-02, v0;
	[tilespmem:s9+$0x14030] =	vst v4;
	v4 =	vld [tilespmem:s23+$0x14000]  }
0x1b7: {  	[tilespmem:s9+$0x14020] =	vst v3;
	v1 =	vmul.f32 $3.125000000e-02, v1  }
0x1b8: {  	[tilespmem:s9+$0x14010] =	vst v0;
	v0 =	vmul.f32 $3.125000000e-02, v2  }
0x1b9: {  	[tilespmem:s9+$0x14000] =	vst v1;
	v1 =	vmul.f32 $3.125000000e-02, v5  }
0x1ba: {  	v2 =	vmul.f32 $3.125000000e-02, v6;
	[tilespmem:s23+$0x14030] =	vst v0  }
0x1bb: {  	v0 =	vmul.f32 $3.125000000e-02, v4;
	[tilespmem:s23+$0x14020] =	vst v1  }
0x1bc: {  	[tilespmem:s23+$0x14010] =	vst v2  }
0x1bd: {  	[tilespmem:s23+$0x14000] =	vst v0  }
0x1be: {  	s0 =	simm.s32 $0x0;
	s4 =	simm.s32 $0x14000;
	s3 =	rddreg [dreg:$0x16]  }
0x1bf: {  	[hbm4b:s3+s0] =	stream.linear.scatter [tilespmem:s4], [sflag:$0x19], $0x2000, $0x38;
	[tilespmem:$0x1C000] =	vst v63  }
0x1c0: {  	s4 =	simm.s32 $0x14  }
0x1c1: {  	_ =	swait.ge [sflag:s4], $0x2000  }
0x1c2: {  	s5 =	sld [smem:$0x7E1]  }
0x1c3: {  	[sflag:s4] =	ssyncset.done $0x0  }
0x1c4: {  	s9 =	simm.s32 $0xA000;
	[sflag:s4] =	ssyncadd.s32 $0xFFFFE000  }
0x1c5: {  	[tilespmem:s9], [sflag:$0x6] =	stream.linear.gather [hbm4b:s5+s0], $0x2000, $0x38;
	[tilespmem:$0x1C000] =	vst v63  }
0x1c6: {  	s25 =	sand.u32 $0x380, s0;
	s23 =	sand.u32 $0x1C00, s0;
	_ =	swait.ge [sflag:s10], $0x2000  }
0x1c7: {  	s3 =	sor.u32 s25, s23;
	s0 =	sand.u32 $0x40, s0;
	[sflag:s10] =	ssyncset.done $0x0  }
0x1c8: {  	s9 =	sor.u32 s0, s3;
	[sflag:s10] =	ssyncadd.s32 $0xFFFFE000  }
0x1c9: {  	v2 =	vld [tilespmem:s9+$0x16030]  }
0x1ca: {  	v3 =	vld [tilespmem:s9+$0x16020]  }
0x1cb: {  	s28 =	simm.s32 $0x8;
	s25 =	simm.s32 $0x200  }
0x1cc: {  	s30 =	simm.s32 $0x40;
	s4 =	sand.u32 $0x1C00, s25;
	s5 =	sand.u32 $0x380, s28;
	v0 =	vld [tilespmem:s9+$0x16010]  }
0x1cd: {  	s23 =	sand.u32 $0x40, s30;
	s0 =	sor.u32 s5, s4;
	v1 =	vld [tilespmem:s9+$0x16000]  }
0x1ce: {  	s23 =	sor.u32 s23, s0  }
0x1cf: {  	s0 =	simm.s32 $0x4;
	v4 =	vmul.f32 $3.125000000e-02, v2;
	v2 =	vld [tilespmem:s23+$0x16030];
	v3 =	vmul.f32 $3.125000000e-02, v3  }
.LBB2_24:
0x1d0: {  	s0 =	sadd.s32 $0x4, s0  }
0x1d1: {  	v5 =	vld [tilespmem:s23+$0x16020];
	v6 =	vmul.f32 $3.125000000e-02, v0;
	[tilespmem:s9+$0x16030] =	vst v4;
	p0 =	slt.u32 s0, $0x1FC  }
.Ltmp11:
0x1d2: {  	s25 =	sadd.s32 $0x200, s25;
	s28 =	sadd.s32 $0x8, s28;
	v0 =	vld [tilespmem:s23+$0x16010];
	v4 =	vmul.f32 $3.125000000e-02, v1;
	[tilespmem:s9+$0x16020] =	vst v3;
	(pc) =	sbr.rel @p0 .LBB2_24-.Ltmp11, $4  }
0x1d3: {  	s30 =	sadd.s32 $0x40, s30;
	s3 =	sand.u32 $0x1C00, s25;
	s4 =	sand.u32 $0x380, s28;
	v1 =	vld [tilespmem:s23+$0x16000];
	[tilespmem:s9+$0x16010] =	vst v6  }
0x1d4: {  	s5 =	sand.u32 $0x40, s30;
	s3 =	sor.u32 s4, s3;
	[tilespmem:s9+$0x16000] =	vst v4  }
0x1d5: {  	s9 =	smov.u32 s23;
	s23 =	sor.u32 s5, s3;
	v4 =	vmul.f32 $3.125000000e-02, v2  }
0x1d6: {  	v2 =	vld [tilespmem:s23+$0x16030];
	v3 =	vmul.f32 $3.125000000e-02, v5  }
0x1d7: {  	v5 =	vld [tilespmem:s23+$0x16020]  }
0x1d8: {  	v6 =	vld [tilespmem:s23+$0x16010]  }
0x1d9: {  	v0 =	vmul.f32 $3.125000000e-02, v0;
	[tilespmem:s9+$0x16030] =	vst v4;
	v4 =	vld [tilespmem:s23+$0x16000]  }
0x1da: {  	[tilespmem:s9+$0x16020] =	vst v3;
	v1 =	vmul.f32 $3.125000000e-02, v1  }
0x1db: {  	[tilespmem:s9+$0x16010] =	vst v0;
	v0 =	vmul.f32 $3.125000000e-02, v2  }
0x1dc: {  	[tilespmem:s9+$0x16000] =	vst v1;
	v1 =	vmul.f32 $3.125000000e-02, v5  }
0x1dd: {  	v2 =	vmul.f32 $3.125000000e-02, v6;
	[tilespmem:s23+$0x16030] =	vst v0  }
0x1de: {  	v0 =	vmul.f32 $3.125000000e-02, v4;
	[tilespmem:s23+$0x16020] =	vst v1  }
0x1df: {  	[tilespmem:s23+$0x16010] =	vst v2  }
0x1e0: {  	[tilespmem:s23+$0x16000] =	vst v0  }
0x1e1: {  	s0 =	simm.s32 $0x0;
	s4 =	simm.s32 $0x16000;
	s3 =	rddreg [dreg:$0x18]  }
0x1e2: {  	[hbm4b:s3+s0] =	stream.linear.scatter [tilespmem:s4], [sflag:$0x1A], $0x2000, $0x38;
	[tilespmem:$0x1C000] =	vst v63  }
0x1e3: {  	_ =	swait.ge [sflag:s11], $0x2000  }
0x1e4: {  	s5 =	sld [smem:$0x7E3]  }
0x1e5: {  	[sflag:s11] =	ssyncset.done $0x0  }
0x1e6: {  	s9 =	simm.s32 $0xC000;
	[sflag:s11] =	ssyncadd.s32 $0xFFFFE000  }
0x1e7: {  	[tilespmem:s9], [sflag:$0x7] =	stream.linear.gather [hbm4b:s5+s0], $0x2000, $0x38;
	[tilespmem:$0x1C000] =	vst v63  }
0x1e8: {  	s25 =	sand.u32 $0x380, s0;
	s23 =	sand.u32 $0x1C00, s0;
	_ =	swait.ge [sflag:s12], $0x2000  }
0x1e9: {  	s3 =	sor.u32 s25, s23;
	s0 =	sand.u32 $0x40, s0;
	[sflag:s12] =	ssyncset.done $0x0  }
0x1ea: {  	s9 =	sor.u32 s0, s3;
	[sflag:s12] =	ssyncadd.s32 $0xFFFFE000  }
0x1eb: {  	v2 =	vld [tilespmem:s9+$0x18030]  }
0x1ec: {  	v3 =	vld [tilespmem:s9+$0x18020]  }
0x1ed: {  	s28 =	simm.s32 $0x8;
	s25 =	simm.s32 $0x200  }
0x1ee: {  	s30 =	simm.s32 $0x40;
	s4 =	sand.u32 $0x1C00, s25;
	s5 =	sand.u32 $0x380, s28;
	v0 =	vld [tilespmem:s9+$0x18010]  }
0x1ef: {  	s23 =	sand.u32 $0x40, s30;
	s0 =	sor.u32 s5, s4;
	v1 =	vld [tilespmem:s9+$0x18000]  }
0x1f0: {  	s23 =	sor.u32 s23, s0  }
0x1f1: {  	s0 =	simm.s32 $0x4;
	v4 =	vmul.f32 $3.125000000e-02, v2;
	v2 =	vld [tilespmem:s23+$0x18030];
	v3 =	vmul.f32 $3.125000000e-02, v3  }
.LBB2_26:
0x1f2: {  	s0 =	sadd.s32 $0x4, s0  }
0x1f3: {  	v5 =	vld [tilespmem:s23+$0x18020];
	v6 =	vmul.f32 $3.125000000e-02, v0;
	[tilespmem:s9+$0x18030] =	vst v4;
	p0 =	slt.u32 s0, $0x1FC  }
.Ltmp12:
0x1f4: {  	s25 =	sadd.s32 $0x200, s25;
	s28 =	sadd.s32 $0x8, s28;
	v0 =	vld [tilespmem:s23+$0x18010];
	v4 =	vmul.f32 $3.125000000e-02, v1;
	[tilespmem:s9+$0x18020] =	vst v3;
	(pc) =	sbr.rel @p0 .LBB2_26-.Ltmp12, $4  }
0x1f5: {  	s30 =	sadd.s32 $0x40, s30;
	s3 =	sand.u32 $0x1C00, s25;
	s4 =	sand.u32 $0x380, s28;
	v1 =	vld [tilespmem:s23+$0x18000];
	[tilespmem:s9+$0x18010] =	vst v6  }
0x1f6: {  	s5 =	sand.u32 $0x40, s30;
	s3 =	sor.u32 s4, s3;
	[tilespmem:s9+$0x18000] =	vst v4  }
0x1f7: {  	s9 =	smov.u32 s23;
	s23 =	sor.u32 s5, s3;
	v4 =	vmul.f32 $3.125000000e-02, v2  }
0x1f8: {  	v2 =	vld [tilespmem:s23+$0x18030];
	v3 =	vmul.f32 $3.125000000e-02, v5  }
0x1f9: {  	v5 =	vld [tilespmem:s23+$0x18020]  }
0x1fa: {  	v6 =	vld [tilespmem:s23+$0x18010]  }
0x1fb: {  	v0 =	vmul.f32 $3.125000000e-02, v0;
	[tilespmem:s9+$0x18030] =	vst v4;
	v4 =	vld [tilespmem:s23+$0x18000]  }
0x1fc: {  	[tilespmem:s9+$0x18020] =	vst v3;
	v1 =	vmul.f32 $3.125000000e-02, v1  }
0x1fd: {  	[tilespmem:s9+$0x18010] =	vst v0;
	v0 =	vmul.f32 $3.125000000e-02, v2  }
0x1fe: {  	[tilespmem:s9+$0x18000] =	vst v1;
	v1 =	vmul.f32 $3.125000000e-02, v5  }
0x1ff: {  	v2 =	vmul.f32 $3.125000000e-02, v6;
	[tilespmem:s23+$0x18030] =	vst v0  }
0x200: {  	v0 =	vmul.f32 $3.125000000e-02, v4;
	[tilespmem:s23+$0x18020] =	vst v1  }
0x201: {  	[tilespmem:s23+$0x18010] =	vst v2  }
0x202: {  	[tilespmem:s23+$0x18000] =	vst v0  }
0x203: {  	s0 =	simm.s32 $0x0;
	s4 =	simm.s32 $0x18000;
	s3 =	rddreg [dreg:$0x1a]  }
0x204: {  	[hbm4b:s3+s0] =	stream.linear.scatter [tilespmem:s4], [sflag:$0x1B], $0x2000, $0x38;
	[tilespmem:$0x1C000] =	vst v63  }
0x205: {  	_ =	swait.ge [sflag:s13], $0x2000  }
0x206: {  	s5 =	sld [smem:$0x7E5]  }
0x207: {  	[sflag:s13] =	ssyncset.done $0x0  }
0x208: {  	s9 =	simm.s32 $0xE000;
	[sflag:s13] =	ssyncadd.s32 $0xFFFFE000  }
0x209: {  	[tilespmem:s9], [sflag:$0x8] =	stream.linear.gather [hbm4b:s5+s0], $0x2000, $0x38;
	[tilespmem:$0x1C000] =	vst v63  }
0x20a: {  	s25 =	sand.u32 $0x380, s0;
	s23 =	sand.u32 $0x1C00, s0;
	_ =	swait.ge [sflag:s14], $0x2000  }
0x20b: {  	s3 =	sor.u32 s25, s23;
	s0 =	sand.u32 $0x40, s0;
	[sflag:s14] =	ssyncset.done $0x0  }
0x20c: {  	s9 =	sor.u32 s0, s3;
	[sflag:s14] =	ssyncadd.s32 $0xFFFFE000  }
0x20d: {  	v2 =	vld [tilespmem:s9+$0x1A030]  }
0x20e: {  	v3 =	vld [tilespmem:s9+$0x1A020]  }
0x20f: {  	s28 =	simm.s32 $0x8;
	s25 =	simm.s32 $0x200  }
0x210: {  	s30 =	simm.s32 $0x40;
	s4 =	sand.u32 $0x1C00, s25;
	s5 =	sand.u32 $0x380, s28;
	v0 =	vld [tilespmem:s9+$0x1A010]  }
0x211: {  	s23 =	sand.u32 $0x40, s30;
	s0 =	sor.u32 s5, s4;
	v1 =	vld [tilespmem:s9+$0x1A000]  }
0x212: {  	s23 =	sor.u32 s23, s0  }
0x213: {  	s0 =	simm.s32 $0x4;
	v4 =	vmul.f32 $3.125000000e-02, v2;
	v2 =	vld [tilespmem:s23+$0x1A030];
	v3 =	vmul.f32 $3.125000000e-02, v3  }
.LBB2_28:
0x214: {  	s0 =	sadd.s32 $0x4, s0  }
0x215: {  	v5 =	vld [tilespmem:s23+$0x1A020];
	v6 =	vmul.f32 $3.125000000e-02, v0;
	[tilespmem:s9+$0x1A030] =	vst v4;
	p0 =	slt.u32 s0, $0x1FC  }
.Ltmp13:
0x216: {  	s25 =	sadd.s32 $0x200, s25;
	s28 =	sadd.s32 $0x8, s28;
	v0 =	vld [tilespmem:s23+$0x1A010];
	v4 =	vmul.f32 $3.125000000e-02, v1;
	[tilespmem:s9+$0x1A020] =	vst v3;
	(pc) =	sbr.rel @p0 .LBB2_28-.Ltmp13, $4  }
0x217: {  	s30 =	sadd.s32 $0x40, s30;
	s3 =	sand.u32 $0x1C00, s25;
	s4 =	sand.u32 $0x380, s28;
	v1 =	vld [tilespmem:s23+$0x1A000];
	[tilespmem:s9+$0x1A010] =	vst v6  }
0x218: {  	s5 =	sand.u32 $0x40, s30;
	s3 =	sor.u32 s4, s3;
	[tilespmem:s9+$0x1A000] =	vst v4  }
0x219: {  	s9 =	smov.u32 s23;
	s23 =	sor.u32 s5, s3;
	v4 =	vmul.f32 $3.125000000e-02, v2  }
0x21a: {  	v2 =	vld [tilespmem:s23+$0x1A030];
	v3 =	vmul.f32 $3.125000000e-02, v5  }
0x21b: {  	v5 =	vld [tilespmem:s23+$0x1A020]  }
0x21c: {  	v6 =	vld [tilespmem:s23+$0x1A010]  }
0x21d: {  	v0 =	vmul.f32 $3.125000000e-02, v0;
	[tilespmem:s9+$0x1A030] =	vst v4;
	v4 =	vld [tilespmem:s23+$0x1A000]  }
0x21e: {  	[tilespmem:s9+$0x1A020] =	vst v3;
	v1 =	vmul.f32 $3.125000000e-02, v1  }
0x21f: {  	[tilespmem:s9+$0x1A010] =	vst v0;
	v0 =	vmul.f32 $3.125000000e-02, v2  }
0x220: {  	[tilespmem:s9+$0x1A000] =	vst v1;
	v1 =	vmul.f32 $3.125000000e-02, v5  }
0x221: {  	v2 =	vmul.f32 $3.125000000e-02, v6;
	[tilespmem:s23+$0x1A030] =	vst v0  }
0x222: {  	v0 =	vmul.f32 $3.125000000e-02, v4;
	[tilespmem:s23+$0x1A020] =	vst v1  }
0x223: {  	[tilespmem:s23+$0x1A010] =	vst v2  }
0x224: {  	[tilespmem:s23+$0x1A000] =	vst v0  }
0x225: {  	s0 =	simm.s32 $0x0;
	s4 =	simm.s32 $0x1A000;
	s3 =	rddreg [dreg:$0x1c]  }
0x226: {  	[hbm4b:s3+s0] =	stream.linear.scatter [tilespmem:s4], [sflag:$0x1C], $0x2000, $0x38;
	[tilespmem:$0x1C000] =	vst v63  }
0x227: {  	_ =	swait.ge [sflag:s16], $0x2000  }
0x228: {  	s5 =	sld [smem:$0x7E7]  }
0x229: {  	[sflag:s16] =	ssyncset.done $0x0  }
0x22a: {  	s9 =	simm.s32 $0x10000;
	[sflag:s16] =	ssyncadd.s32 $0xFFFFE000  }
0x22b: {  	[tilespmem:s9], [sflag:$0x9] =	stream.linear.gather [hbm4b:s5+s0], $0x2000, $0x38;
	[tilespmem:$0x1C000] =	vst v63  }
0x22c: {  	s25 =	sand.u32 $0x380, s0;
	s23 =	sand.u32 $0x1C00, s0;
	_ =	swait.ge [sflag:s15], $0x2000  }
0x22d: {  	s3 =	sor.u32 s25, s23;
	s0 =	sand.u32 $0x40, s0;
	[sflag:s15] =	ssyncset.done $0x0  }
0x22e: {  	s9 =	sor.u32 s0, s3;
	[sflag:s15] =	ssyncadd.s32 $0xFFFFE000  }
0x22f: {  	v2 =	vld [tilespmem:s9+$0x30]  }
0x230: {  	v3 =	vld [tilespmem:s9+$0x20]  }
0x231: {  	s28 =	simm.s32 $0x8;
	s25 =	simm.s32 $0x200  }
0x232: {  	s30 =	simm.s32 $0x40;
	s4 =	sand.u32 $0x1C00, s25;
	s5 =	sand.u32 $0x380, s28;
	v0 =	vld [tilespmem:s9+$0x10]  }
0x233: {  	s23 =	sand.u32 $0x40, s30;
	s0 =	sor.u32 s5, s4;
	v1 =	vld [tilespmem:s9+$0x0]  }
0x234: {  	s23 =	sor.u32 s23, s0  }
0x235: {  	s0 =	simm.s32 $0x4;
	v4 =	vmul.f32 $3.125000000e-02, v2;
	v2 =	vld [tilespmem:s23+$0x30];
	v3 =	vmul.f32 $3.125000000e-02, v3  }
.LBB2_30:
0x236: {  	s0 =	sadd.s32 $0x4, s0  }
0x237: {  	v5 =	vld [tilespmem:s23+$0x20];
	v6 =	vmul.f32 $3.125000000e-02, v0;
	[tilespmem:s9+$0x30] =	vst v4;
	p0 =	slt.u32 s0, $0x1FC  }
.Ltmp14:
0x238: {  	s25 =	sadd.s32 $0x200, s25;
	s28 =	sadd.s32 $0x8, s28;
	v0 =	vld [tilespmem:s23+$0x10];
	v4 =	vmul.f32 $3.125000000e-02, v1;
	[tilespmem:s9+$0x20] =	vst v3;
	(pc) =	sbr.rel @p0 .LBB2_30-.Ltmp14, $4  }
0x239: {  	s30 =	sadd.s32 $0x40, s30;
	s3 =	sand.u32 $0x1C00, s25;
	s4 =	sand.u32 $0x380, s28;
	v1 =	vld [tilespmem:s23+$0x0];
	[tilespmem:s9+$0x10] =	vst v6  }
0x23a: {  	s5 =	sand.u32 $0x40, s30;
	s3 =	sor.u32 s4, s3;
	[tilespmem:s9+$0x0] =	vst v4  }
0x23b: {  	s9 =	smov.u32 s23;
	s23 =	sor.u32 s5, s3;
	v4 =	vmul.f32 $3.125000000e-02, v2  }
0x23c: {  	v2 =	vld [tilespmem:s23+$0x30];
	v3 =	vmul.f32 $3.125000000e-02, v5  }
0x23d: {  	v5 =	vld [tilespmem:s23+$0x20]  }
0x23e: {  	v6 =	vld [tilespmem:s23+$0x10]  }
0x23f: {  	v0 =	vmul.f32 $3.125000000e-02, v0;
	[tilespmem:s9+$0x30] =	vst v4;
	v4 =	vld [tilespmem:s23+$0x0]  }
0x240: {  	[tilespmem:s9+$0x20] =	vst v3;
	v1 =	vmul.f32 $3.125000000e-02, v1  }
0x241: {  	[tilespmem:s9+$0x10] =	vst v0;
	v0 =	vmul.f32 $3.125000000e-02, v2  }
0x242: {  	[tilespmem:s9+$0x0] =	vst v1;
	v1 =	vmul.f32 $3.125000000e-02, v5  }
0x243: {  	v2 =	vmul.f32 $3.125000000e-02, v6;
	[tilespmem:s23+$0x30] =	vst v0  }
0x244: {  	v0 =	vmul.f32 $3.125000000e-02, v4;
	[tilespmem:s23+$0x20] =	vst v1  }
0x245: {  	[tilespmem:s23+$0x10] =	vst v2  }
0x246: {  	[tilespmem:s23+$0x0] =	vst v0  }
0x247: {  	s0 =	simm.s32 $0x0;
	s3 =	rddreg [dreg:$0x1e]  }
0x248: {  	[hbm4b:s3+s0] =	stream.linear.scatter [tilespmem:s0], [sflag:$0xF], $0x2000, $0x38;
	[tilespmem:$0x1C000] =	vst v63  }
0x249: {  	_ =	swait.ge [sflag:s18], $0x2000  }
0x24a: {  	s9 =	sld [smem:$0x7EB]  }
0x24b: {  	[sflag:s18] =	ssyncset.done $0x0  }
0x24c: {  	s4 =	simm.s32 $0x12000;
	[sflag:s18] =	ssyncadd.s32 $0xFFFFE000  }
0x24d: {  	[tilespmem:s4], [sflag:$0xA] =	stream.linear.gather [hbm4b:s9+s0], $0x2000, $0x38;
	[tilespmem:$0x1C000] =	vst v63  }
0x24e: {  	s25 =	sand.u32 $0x380, s0;
	s23 =	sand.u32 $0x1C00, s0;
	_ =	swait.ge [sflag:s17], $0x2000  }
0x24f: {  	s3 =	sor.u32 s25, s23;
	s0 =	sand.u32 $0x40, s0;
	[sflag:s17] =	ssyncset.done $0x0  }
0x250: {  	s9 =	sor.u32 s0, s3;
	[sflag:s17] =	ssyncadd.s32 $0xFFFFE000  }
0x251: {  	v2 =	vld [tilespmem:s9+$0x2030]  }
0x252: {  	v3 =	vld [tilespmem:s9+$0x2020]  }
0x253: {  	s28 =	simm.s32 $0x8;
	s25 =	simm.s32 $0x200  }
0x254: {  	s30 =	simm.s32 $0x40;
	s5 =	sand.u32 $0x380, s28;
	s4 =	sand.u32 $0x1C00, s25;
	v0 =	vld [tilespmem:s9+$0x2010]  }
0x255: {  	s23 =	sand.u32 $0x40, s30;
	s0 =	sor.u32 s5, s4;
	v1 =	vld [tilespmem:s9+$0x2000]  }
0x256: {  	s23 =	sor.u32 s23, s0  }
0x257: {  	s0 =	simm.s32 $0x4;
	v4 =	vmul.f32 $3.125000000e-02, v2;
	v2 =	vld [tilespmem:s23+$0x2030];
	v3 =	vmul.f32 $3.125000000e-02, v3  }
.LBB2_32:
0x258: {  	s0 =	sadd.s32 $0x4, s0  }
0x259: {  	v5 =	vld [tilespmem:s23+$0x2020];
	v6 =	vmul.f32 $3.125000000e-02, v0;
	[tilespmem:s9+$0x2030] =	vst v4;
	p0 =	slt.u32 s0, $0x1FC  }
.Ltmp15:
0x25a: {  	s25 =	sadd.s32 $0x200, s25;
	s28 =	sadd.s32 $0x8, s28;
	v0 =	vld [tilespmem:s23+$0x2010];
	v4 =	vmul.f32 $3.125000000e-02, v1;
	[tilespmem:s9+$0x2020] =	vst v3;
	(pc) =	sbr.rel @p0 .LBB2_32-.Ltmp15, $4  }
0x25b: {  	s30 =	sadd.s32 $0x40, s30;
	s3 =	sand.u32 $0x1C00, s25;
	s4 =	sand.u32 $0x380, s28;
	v1 =	vld [tilespmem:s23+$0x2000];
	[tilespmem:s9+$0x2010] =	vst v6  }
0x25c: {  	s5 =	sand.u32 $0x40, s30;
	s3 =	sor.u32 s4, s3;
	[tilespmem:s9+$0x2000] =	vst v4  }
0x25d: {  	s9 =	smov.u32 s23;
	s23 =	sor.u32 s5, s3;
	v4 =	vmul.f32 $3.125000000e-02, v2  }
0x25e: {  	v2 =	vld [tilespmem:s23+$0x2030];
	v3 =	vmul.f32 $3.125000000e-02, v5  }
0x25f: {  	v5 =	vld [tilespmem:s23+$0x2020]  }
0x260: {  	v6 =	vld [tilespmem:s23+$0x2010]  }
0x261: {  	v0 =	vmul.f32 $3.125000000e-02, v0;
	[tilespmem:s9+$0x2030] =	vst v4;
	v4 =	vld [tilespmem:s23+$0x2000]  }
0x262: {  	[tilespmem:s9+$0x2020] =	vst v3;
	v1 =	vmul.f32 $3.125000000e-02, v1  }
0x263: {  	[tilespmem:s9+$0x2010] =	vst v0;
	v0 =	vmul.f32 $3.125000000e-02, v2  }
0x264: {  	[tilespmem:s9+$0x2000] =	vst v1;
	v1 =	vmul.f32 $3.125000000e-02, v5  }
0x265: {  	v2 =	vmul.f32 $3.125000000e-02, v6;
	[tilespmem:s23+$0x2030] =	vst v0  }
0x266: {  	v0 =	vmul.f32 $3.125000000e-02, v4;
	[tilespmem:s23+$0x2020] =	vst v1  }
0x267: {  	[tilespmem:s23+$0x2010] =	vst v2  }
0x268: {  	[tilespmem:s23+$0x2000] =	vst v0  }
0x269: {  	s3 =	sld [smem:$0x7DA];
	_ =	sdelay $0x1  }
0x26a: {  	s0 =	simm.s32 $0x0;
	s4 =	simm.s32 $0x2000  }
0x26b: {  	[hbm4b:s3+s0] =	stream.linear.scatter [tilespmem:s4], [sflag:$0x10], $0x2000, $0x38;
	[tilespmem:$0x1C000] =	vst v63  }
0x26c: {  	_ =	swait.ge [sflag:s20], $0x2000  }
0x26d: {  	s5 =	sld [smem:$0x7EC]  }
0x26e: {  	[sflag:s20] =	ssyncset.done $0x0  }
0x26f: {  	s9 =	simm.s32 $0x14000;
	[sflag:s20] =	ssyncadd.s32 $0xFFFFE000  }
0x270: {  	[tilespmem:s9], [sflag:$0xB] =	stream.linear.gather [hbm4b:s5+s0], $0x2000, $0x38;
	[tilespmem:$0x1C000] =	vst v63  }
0x271: {  	s25 =	sand.u32 $0x380, s0;
	s23 =	sand.u32 $0x1C00, s0;
	_ =	swait.ge [sflag:s19], $0x2000  }
0x272: {  	s3 =	sor.u32 s25, s23;
	s0 =	sand.u32 $0x40, s0;
	[sflag:s19] =	ssyncset.done $0x0  }
0x273: {  	s9 =	sor.u32 s0, s3;
	[sflag:s19] =	ssyncadd.s32 $0xFFFFE000  }
0x274: {  	v2 =	vld [tilespmem:s9+$0x4030]  }
0x275: {  	v3 =	vld [tilespmem:s9+$0x4020]  }
0x276: {  	s28 =	simm.s32 $0x8;
	s25 =	simm.s32 $0x200  }
0x277: {  	s30 =	simm.s32 $0x40;
	s4 =	sand.u32 $0x1C00, s25;
	s5 =	sand.u32 $0x380, s28;
	v0 =	vld [tilespmem:s9+$0x4010]  }
0x278: {  	s23 =	sand.u32 $0x40, s30;
	s0 =	sor.u32 s5, s4;
	v1 =	vld [tilespmem:s9+$0x4000]  }
0x279: {  	s23 =	sor.u32 s23, s0  }
0x27a: {  	s0 =	simm.s32 $0x4;
	v4 =	vmul.f32 $3.125000000e-02, v2;
	v2 =	vld [tilespmem:s23+$0x4030];
	v3 =	vmul.f32 $3.125000000e-02, v3  }
.LBB2_34:
0x27b: {  	s0 =	sadd.s32 $0x4, s0  }
0x27c: {  	v5 =	vld [tilespmem:s23+$0x4020];
	v6 =	vmul.f32 $3.125000000e-02, v0;
	[tilespmem:s9+$0x4030] =	vst v4;
	p0 =	slt.u32 s0, $0x1FC  }
.Ltmp16:
0x27d: {  	s25 =	sadd.s32 $0x200, s25;
	s28 =	sadd.s32 $0x8, s28;
	v0 =	vld [tilespmem:s23+$0x4010];
	v4 =	vmul.f32 $3.125000000e-02, v1;
	[tilespmem:s9+$0x4020] =	vst v3;
	(pc) =	sbr.rel @p0 .LBB2_34-.Ltmp16, $4  }
0x27e: {  	s30 =	sadd.s32 $0x40, s30;
	s3 =	sand.u32 $0x1C00, s25;
	s4 =	sand.u32 $0x380, s28;
	v1 =	vld [tilespmem:s23+$0x4000];
	[tilespmem:s9+$0x4010] =	vst v6  }
0x27f: {  	s5 =	sand.u32 $0x40, s30;
	s3 =	sor.u32 s4, s3;
	[tilespmem:s9+$0x4000] =	vst v4  }
0x280: {  	s9 =	smov.u32 s23;
	s23 =	sor.u32 s5, s3;
	v4 =	vmul.f32 $3.125000000e-02, v2  }
0x281: {  	v2 =	vld [tilespmem:s23+$0x4030];
	v3 =	vmul.f32 $3.125000000e-02, v5  }
0x282: {  	v5 =	vld [tilespmem:s23+$0x4020]  }
0x283: {  	v6 =	vld [tilespmem:s23+$0x4010]  }
0x284: {  	v0 =	vmul.f32 $3.125000000e-02, v0;
	[tilespmem:s9+$0x4030] =	vst v4;
	v4 =	vld [tilespmem:s23+$0x4000]  }
0x285: {  	[tilespmem:s9+$0x4020] =	vst v3;
	v1 =	vmul.f32 $3.125000000e-02, v1  }
0x286: {  	[tilespmem:s9+$0x4010] =	vst v0;
	v0 =	vmul.f32 $3.125000000e-02, v2  }
0x287: {  	[tilespmem:s9+$0x4000] =	vst v1;
	v1 =	vmul.f32 $3.125000000e-02, v5  }
0x288: {  	v2 =	vmul.f32 $3.125000000e-02, v6;
	[tilespmem:s23+$0x4030] =	vst v0  }
0x289: {  	v0 =	vmul.f32 $3.125000000e-02, v4;
	[tilespmem:s23+$0x4020] =	vst v1  }
0x28a: {  	[tilespmem:s23+$0x4010] =	vst v2  }
0x28b: {  	[tilespmem:s23+$0x4000] =	vst v0  }
0x28c: {  	s3 =	sld [smem:$0x7DC];
	_ =	sdelay $0x1  }
0x28d: {  	s0 =	simm.s32 $0x0;
	s4 =	simm.s32 $0x4000  }
0x28e: {  	[hbm4b:s3+s0] =	stream.linear.scatter [tilespmem:s4], [sflag:$0x11], $0x2000, $0x38;
	[tilespmem:$0x1C000] =	vst v63  }
0x28f: {  	_ =	swait.ge [sflag:s22], $0x2000  }
0x290: {  	s5 =	sld [smem:$0x7ED]  }
0x291: {  	[sflag:s22] =	ssyncset.done $0x0  }
0x292: {  	s9 =	simm.s32 $0x16000;
	[sflag:s22] =	ssyncadd.s32 $0xFFFFE000  }
0x293: {  	[tilespmem:s9], [sflag:$0xC] =	stream.linear.gather [hbm4b:s5+s0], $0x2000, $0x38;
	[tilespmem:$0x1C000] =	vst v63  }
0x294: {  	s25 =	sand.u32 $0x380, s0;
	s23 =	sand.u32 $0x1C00, s0;
	_ =	swait.ge [sflag:s21], $0x2000  }
0x295: {  	s3 =	sor.u32 s25, s23;
	s0 =	sand.u32 $0x40, s0;
	[sflag:s21] =	ssyncset.done $0x0  }
0x296: {  	s9 =	sor.u32 s0, s3;
	[sflag:s21] =	ssyncadd.s32 $0xFFFFE000  }
0x297: {  	v2 =	vld [tilespmem:s9+$0x6030]  }
0x298: {  	v3 =	vld [tilespmem:s9+$0x6020]  }
0x299: {  	s28 =	simm.s32 $0x8;
	s25 =	simm.s32 $0x200  }
0x29a: {  	s30 =	simm.s32 $0x40;
	s4 =	sand.u32 $0x1C00, s25;
	s5 =	sand.u32 $0x380, s28;
	v0 =	vld [tilespmem:s9+$0x6010]  }
0x29b: {  	s23 =	sand.u32 $0x40, s30;
	s0 =	sor.u32 s5, s4;
	v1 =	vld [tilespmem:s9+$0x6000]  }
0x29c: {  	s23 =	sor.u32 s23, s0  }
0x29d: {  	s0 =	simm.s32 $0x4;
	v4 =	vmul.f32 $3.125000000e-02, v2;
	v2 =	vld [tilespmem:s23+$0x6030];
	v3 =	vmul.f32 $3.125000000e-02, v3  }
.LBB2_36:
0x29e: {  	s0 =	sadd.s32 $0x4, s0  }
0x29f: {  	v5 =	vld [tilespmem:s23+$0x6020];
	v6 =	vmul.f32 $3.125000000e-02, v0;
	[tilespmem:s9+$0x6030] =	vst v4;
	p0 =	slt.u32 s0, $0x1FC  }
.Ltmp17:
0x2a0: {  	s25 =	sadd.s32 $0x200, s25;
	s28 =	sadd.s32 $0x8, s28;
	v0 =	vld [tilespmem:s23+$0x6010];
	v4 =	vmul.f32 $3.125000000e-02, v1;
	[tilespmem:s9+$0x6020] =	vst v3;
	(pc) =	sbr.rel @p0 .LBB2_36-.Ltmp17, $4  }
0x2a1: {  	s30 =	sadd.s32 $0x40, s30;
	s3 =	sand.u32 $0x1C00, s25;
	s4 =	sand.u32 $0x380, s28;
	v1 =	vld [tilespmem:s23+$0x6000];
	[tilespmem:s9+$0x6010] =	vst v6  }
0x2a2: {  	s5 =	sand.u32 $0x40, s30;
	s3 =	sor.u32 s4, s3;
	[tilespmem:s9+$0x6000] =	vst v4  }
0x2a3: {  	s9 =	smov.u32 s23;
	s23 =	sor.u32 s5, s3;
	v4 =	vmul.f32 $3.125000000e-02, v2  }
0x2a4: {  	v2 =	vld [tilespmem:s23+$0x6030];
	v3 =	vmul.f32 $3.125000000e-02, v5  }
0x2a5: {  	v5 =	vld [tilespmem:s23+$0x6020]  }
0x2a6: {  	v6 =	vld [tilespmem:s23+$0x6010]  }
0x2a7: {  	v0 =	vmul.f32 $3.125000000e-02, v0;
	[tilespmem:s9+$0x6030] =	vst v4;
	v4 =	vld [tilespmem:s23+$0x6000]  }
0x2a8: {  	[tilespmem:s9+$0x6020] =	vst v3;
	v1 =	vmul.f32 $3.125000000e-02, v1  }
0x2a9: {  	[tilespmem:s9+$0x6010] =	vst v0;
	v0 =	vmul.f32 $3.125000000e-02, v2  }
0x2aa: {  	[tilespmem:s9+$0x6000] =	vst v1;
	v1 =	vmul.f32 $3.125000000e-02, v5  }
0x2ab: {  	v2 =	vmul.f32 $3.125000000e-02, v6;
	[tilespmem:s23+$0x6030] =	vst v0  }
0x2ac: {  	v0 =	vmul.f32 $3.125000000e-02, v4;
	[tilespmem:s23+$0x6020] =	vst v1  }
0x2ad: {  	[tilespmem:s23+$0x6010] =	vst v2  }
0x2ae: {  	[tilespmem:s23+$0x6000] =	vst v0  }
0x2af: {  	s3 =	sld [smem:$0x7DE];
	_ =	sdelay $0x1  }
0x2b0: {  	s0 =	simm.s32 $0x0  }
0x2b1: {  	[hbm4b:s3+s0] =	stream.linear.scatter [tilespmem:s6], [sflag:$0x12], $0x2000, $0x38;
	[tilespmem:$0x1C000] =	vst v63  }
0x2b2: {  	_ =	swait.ge [sflag:s24], $0x2000  }
0x2b3: {  	s9 =	sld [smem:$0x7EE]  }
0x2b4: {  	[sflag:s24] =	ssyncset.done $0x0  }
0x2b5: {  	s4 =	simm.s32 $0x18000;
	s5 =	simm.s32 $0x5;
	[sflag:s24] =	ssyncadd.s32 $0xFFFFE000  }
0x2b6: {  	[tilespmem:s4], [sflag:$0xD] =	stream.linear.gather [hbm4b:s9+s0], $0x2000, $0x38;
	[tilespmem:$0x1C000] =	vst v63  }
0x2b7: {  	s25 =	sand.u32 $0x380, s0;
	s23 =	sand.u32 $0x1C00, s0;
	_ =	swait.ge [sflag:s5], $0x2000  }
0x2b8: {  	s3 =	sor.u32 s25, s23;
	s0 =	sand.u32 $0x40, s0;
	[sflag:s5] =	ssyncset.done $0x0  }
0x2b9: {  	s9 =	sor.u32 s0, s3;
	[sflag:s5] =	ssyncadd.s32 $0xFFFFE000  }
0x2ba: {  	v2 =	vld [tilespmem:s9+$0x8030]  }
0x2bb: {  	v3 =	vld [tilespmem:s9+$0x8020]  }
0x2bc: {  	s28 =	simm.s32 $0x8;
	s25 =	simm.s32 $0x200  }
0x2bd: {  	s30 =	simm.s32 $0x40;
	s4 =	sand.u32 $0x1C00, s25;
	s5 =	sand.u32 $0x380, s28;
	v0 =	vld [tilespmem:s9+$0x8010]  }
0x2be: {  	s23 =	sand.u32 $0x40, s30;
	s0 =	sor.u32 s5, s4;
	v1 =	vld [tilespmem:s9+$0x8000]  }
0x2bf: {  	s23 =	sor.u32 s23, s0  }
0x2c0: {  	s0 =	simm.s32 $0x4;
	v4 =	vmul.f32 $3.125000000e-02, v2;
	v2 =	vld [tilespmem:s23+$0x8030];
	v3 =	vmul.f32 $3.125000000e-02, v3  }
.LBB2_38:
0x2c1: {  	s0 =	sadd.s32 $0x4, s0  }
0x2c2: {  	v5 =	vld [tilespmem:s23+$0x8020];
	v6 =	vmul.f32 $3.125000000e-02, v0;
	[tilespmem:s9+$0x8030] =	vst v4;
	p0 =	slt.u32 s0, $0x1FC  }
.Ltmp18:
0x2c3: {  	s25 =	sadd.s32 $0x200, s25;
	s28 =	sadd.s32 $0x8, s28;
	v0 =	vld [tilespmem:s23+$0x8010];
	v4 =	vmul.f32 $3.125000000e-02, v1;
	[tilespmem:s9+$0x8020] =	vst v3;
	(pc) =	sbr.rel @p0 .LBB2_38-.Ltmp18, $4  }
0x2c4: {  	s30 =	sadd.s32 $0x40, s30;
	s3 =	sand.u32 $0x1C00, s25;
	s4 =	sand.u32 $0x380, s28;
	v1 =	vld [tilespmem:s23+$0x8000];
	[tilespmem:s9+$0x8010] =	vst v6  }
0x2c5: {  	s5 =	sand.u32 $0x40, s30;
	s3 =	sor.u32 s4, s3;
	[tilespmem:s9+$0x8000] =	vst v4  }
0x2c6: {  	s9 =	smov.u32 s23;
	s23 =	sor.u32 s5, s3;
	v4 =	vmul.f32 $3.125000000e-02, v2  }
0x2c7: {  	v2 =	vld [tilespmem:s23+$0x8030];
	v3 =	vmul.f32 $3.125000000e-02, v5  }
0x2c8: {  	v5 =	vld [tilespmem:s23+$0x8020]  }
0x2c9: {  	v6 =	vld [tilespmem:s23+$0x8010]  }
0x2ca: {  	v0 =	vmul.f32 $3.125000000e-02, v0;
	[tilespmem:s9+$0x8030] =	vst v4;
	v4 =	vld [tilespmem:s23+$0x8000]  }
0x2cb: {  	[tilespmem:s9+$0x8020] =	vst v3;
	v1 =	vmul.f32 $3.125000000e-02, v1  }
0x2cc: {  	[tilespmem:s9+$0x8010] =	vst v0;
	v0 =	vmul.f32 $3.125000000e-02, v2  }
0x2cd: {  	[tilespmem:s9+$0x8000] =	vst v1;
	v1 =	vmul.f32 $3.125000000e-02, v5  }
0x2ce: {  	v2 =	vmul.f32 $3.125000000e-02, v6;
	[tilespmem:s23+$0x8030] =	vst v0  }
0x2cf: {  	v0 =	vmul.f32 $3.125000000e-02, v4;
	[tilespmem:s23+$0x8020] =	vst v1  }
0x2d0: {  	[tilespmem:s23+$0x8010] =	vst v2  }
0x2d1: {  	[tilespmem:s23+$0x8000] =	vst v0  }
0x2d2: {  	s3 =	sld [smem:$0x7E0];
	_ =	sdelay $0x1  }
0x2d3: {  	s0 =	simm.s32 $0x0;
	s4 =	simm.s32 $0x8000  }
0x2d4: {  	[hbm4b:s3+s0] =	stream.linear.scatter [tilespmem:s4], [sflag:$0x13], $0x2000, $0x38;
	[tilespmem:$0x1C000] =	vst v63  }
0x2d5: {  	_ =	swait.ge [sflag:s7], $0x2000  }
0x2d6: {  	s5 =	sld [smem:$0x7EF]  }
0x2d7: {  	[sflag:s7] =	ssyncset.done $0x0  }
0x2d8: {  	s9 =	simm.s32 $0x1A000;
	[sflag:s7] =	ssyncadd.s32 $0xFFFFE000  }
0x2d9: {  	[tilespmem:s9], [sflag:$0xE] =	stream.linear.gather [hbm4b:s5+s0], $0x2000, $0x38;
	[tilespmem:$0x1C000] =	vst v63  }
0x2da: {  	s5 =	simm.s32 $0x6  }
0x2db: {  	s25 =	sand.u32 $0x380, s0;
	s23 =	sand.u32 $0x1C00, s0;
	_ =	swait.ge [sflag:s5], $0x2000  }
0x2dc: {  	s3 =	sor.u32 s25, s23;
	s0 =	sand.u32 $0x40, s0;
	[sflag:s5] =	ssyncset.done $0x0  }
0x2dd: {  	s9 =	sor.u32 s0, s3;
	[sflag:s5] =	ssyncadd.s32 $0xFFFFE000  }
0x2de: {  	v2 =	vld [tilespmem:s9+$0xA030]  }
0x2df: {  	v3 =	vld [tilespmem:s9+$0xA020]  }
0x2e0: {  	s28 =	simm.s32 $0x8;
	s25 =	simm.s32 $0x200  }
0x2e1: {  	s30 =	simm.s32 $0x40;
	s4 =	sand.u32 $0x1C00, s25;
	s5 =	sand.u32 $0x380, s28;
	v0 =	vld [tilespmem:s9+$0xA010]  }
0x2e2: {  	s23 =	sand.u32 $0x40, s30;
	s0 =	sor.u32 s5, s4;
	v1 =	vld [tilespmem:s9+$0xA000]  }
0x2e3: {  	s23 =	sor.u32 s23, s0  }
0x2e4: {  	s0 =	simm.s32 $0x4;
	v4 =	vmul.f32 $3.125000000e-02, v2;
	v2 =	vld [tilespmem:s23+$0xA030];
	v3 =	vmul.f32 $3.125000000e-02, v3  }
.LBB2_40:
0x2e5: {  	s0 =	sadd.s32 $0x4, s0  }
0x2e6: {  	v5 =	vld [tilespmem:s23+$0xA020];
	v6 =	vmul.f32 $3.125000000e-02, v0;
	[tilespmem:s9+$0xA030] =	vst v4;
	p0 =	slt.u32 s0, $0x1FC  }
.Ltmp19:
0x2e7: {  	s25 =	sadd.s32 $0x200, s25;
	s28 =	sadd.s32 $0x8, s28;
	v0 =	vld [tilespmem:s23+$0xA010];
	v4 =	vmul.f32 $3.125000000e-02, v1;
	[tilespmem:s9+$0xA020] =	vst v3;
	(pc) =	sbr.rel @p0 .LBB2_40-.Ltmp19, $4  }
0x2e8: {  	s30 =	sadd.s32 $0x40, s30;
	s3 =	sand.u32 $0x1C00, s25;
	s4 =	sand.u32 $0x380, s28;
	v1 =	vld [tilespmem:s23+$0xA000];
	[tilespmem:s9+$0xA010] =	vst v6  }
0x2e9: {  	s5 =	sand.u32 $0x40, s30;
	s3 =	sor.u32 s4, s3;
	[tilespmem:s9+$0xA000] =	vst v4  }
0x2ea: {  	s9 =	smov.u32 s23;
	s23 =	sor.u32 s5, s3;
	v4 =	vmul.f32 $3.125000000e-02, v2  }
0x2eb: {  	v2 =	vld [tilespmem:s23+$0xA030];
	v3 =	vmul.f32 $3.125000000e-02, v5  }
0x2ec: {  	v5 =	vld [tilespmem:s23+$0xA020]  }
0x2ed: {  	v6 =	vld [tilespmem:s23+$0xA010]  }
0x2ee: {  	v0 =	vmul.f32 $3.125000000e-02, v0;
	[tilespmem:s9+$0xA030] =	vst v4;
	v4 =	vld [tilespmem:s23+$0xA000]  }
0x2ef: {  	[tilespmem:s9+$0xA020] =	vst v3;
	v1 =	vmul.f32 $3.125000000e-02, v1  }
0x2f0: {  	[tilespmem:s9+$0xA010] =	vst v0;
	v0 =	vmul.f32 $3.125000000e-02, v2  }
0x2f1: {  	[tilespmem:s9+$0xA000] =	vst v1;
	v1 =	vmul.f32 $3.125000000e-02, v5  }
0x2f2: {  	v2 =	vmul.f32 $3.125000000e-02, v6;
	[tilespmem:s23+$0xA030] =	vst v0  }
0x2f3: {  	v0 =	vmul.f32 $3.125000000e-02, v4;
	[tilespmem:s23+$0xA020] =	vst v1  }
0x2f4: {  	[tilespmem:s23+$0xA010] =	vst v2  }
0x2f5: {  	[tilespmem:s23+$0xA000] =	vst v0  }
0x2f6: {  	s3 =	sld [smem:$0x7E2];
	_ =	sdelay $0x1  }
0x2f7: {  	s0 =	simm.s32 $0x0;
	s4 =	simm.s32 $0xA000  }
0x2f8: {  	[hbm4b:s3+s0] =	stream.linear.scatter [tilespmem:s4], [sflag:$0x14], $0x2000, $0x38;
	[tilespmem:$0x1C000] =	vst v63  }
0x2f9: {  	_ =	swait.ge [sflag:s26], $0x2000  }
0x2fa: {  	s9 =	sld [smem:$0x7F0]  }
0x2fb: {  	[sflag:s26] =	ssyncset.done $0x0  }
0x2fc: {  	s5 =	simm.s32 $0x7;
	[sflag:s26] =	ssyncadd.s32 $0xFFFFE000  }
0x2fd: {  	[tilespmem:s0], [sflag:$0x1] =	stream.linear.gather [hbm4b:s9+s0], $0x2000, $0x38;
	[tilespmem:$0x1C000] =	vst v63  }
0x2fe: {  	s25 =	sand.u32 $0x380, s0;
	s23 =	sand.u32 $0x1C00, s0;
	_ =	swait.ge [sflag:s5], $0x2000  }
0x2ff: {  	s3 =	sor.u32 s25, s23;
	s0 =	sand.u32 $0x40, s0;
	[sflag:s5] =	ssyncset.done $0x0  }
0x300: {  	s9 =	sor.u32 s0, s3;
	[sflag:s5] =	ssyncadd.s32 $0xFFFFE000  }
0x301: {  	v2 =	vld [tilespmem:s9+$0xC030]  }
0x302: {  	v3 =	vld [tilespmem:s9+$0xC020]  }
0x303: {  	s28 =	simm.s32 $0x8;
	s25 =	simm.s32 $0x200  }
0x304: {  	s30 =	simm.s32 $0x40;
	s4 =	sand.u32 $0x1C00, s25;
	s5 =	sand.u32 $0x380, s28;
	v0 =	vld [tilespmem:s9+$0xC010]  }
0x305: {  	s23 =	sand.u32 $0x40, s30;
	s0 =	sor.u32 s5, s4;
	v1 =	vld [tilespmem:s9+$0xC000]  }
0x306: {  	s23 =	sor.u32 s23, s0  }
0x307: {  	s0 =	simm.s32 $0x4;
	v4 =	vmul.f32 $3.125000000e-02, v2;
	v2 =	vld [tilespmem:s23+$0xC030];
	v3 =	vmul.f32 $3.125000000e-02, v3  }
.LBB2_42:
0x308: {  	s0 =	sadd.s32 $0x4, s0  }
0x309: {  	v5 =	vld [tilespmem:s23+$0xC020];
	v6 =	vmul.f32 $3.125000000e-02, v0;
	[tilespmem:s9+$0xC030] =	vst v4;
	p0 =	slt.u32 s0, $0x1FC  }
.Ltmp20:
0x30a: {  	s25 =	sadd.s32 $0x200, s25;
	s28 =	sadd.s32 $0x8, s28;
	v0 =	vld [tilespmem:s23+$0xC010];
	v4 =	vmul.f32 $3.125000000e-02, v1;
	[tilespmem:s9+$0xC020] =	vst v3;
	(pc) =	sbr.rel @p0 .LBB2_42-.Ltmp20, $4  }
0x30b: {  	s30 =	sadd.s32 $0x40, s30;
	s3 =	sand.u32 $0x1C00, s25;
	s4 =	sand.u32 $0x380, s28;
	v1 =	vld [tilespmem:s23+$0xC000];
	[tilespmem:s9+$0xC010] =	vst v6  }
0x30c: {  	s5 =	sand.u32 $0x40, s30;
	s3 =	sor.u32 s4, s3;
	[tilespmem:s9+$0xC000] =	vst v4  }
0x30d: {  	s9 =	smov.u32 s23;
	s23 =	sor.u32 s5, s3;
	v4 =	vmul.f32 $3.125000000e-02, v2  }
0x30e: {  	v2 =	vld [tilespmem:s23+$0xC030];
	v3 =	vmul.f32 $3.125000000e-02, v5  }
0x30f: {  	v5 =	vld [tilespmem:s23+$0xC020]  }
0x310: {  	v6 =	vld [tilespmem:s23+$0xC010]  }
0x311: {  	v0 =	vmul.f32 $3.125000000e-02, v0;
	[tilespmem:s9+$0xC030] =	vst v4;
	v4 =	vld [tilespmem:s23+$0xC000]  }
0x312: {  	[tilespmem:s9+$0xC020] =	vst v3;
	v1 =	vmul.f32 $3.125000000e-02, v1  }
0x313: {  	[tilespmem:s9+$0xC010] =	vst v0;
	v0 =	vmul.f32 $3.125000000e-02, v2  }
0x314: {  	[tilespmem:s9+$0xC000] =	vst v1;
	v1 =	vmul.f32 $3.125000000e-02, v5  }
0x315: {  	v2 =	vmul.f32 $3.125000000e-02, v6;
	[tilespmem:s23+$0xC030] =	vst v0  }
0x316: {  	v0 =	vmul.f32 $3.125000000e-02, v4;
	[tilespmem:s23+$0xC020] =	vst v1  }
0x317: {  	[tilespmem:s23+$0xC010] =	vst v2  }
0x318: {  	[tilespmem:s23+$0xC000] =	vst v0  }
0x319: {  	s3 =	sld [smem:$0x7E4];
	_ =	sdelay $0x1  }
0x31a: {  	s0 =	simm.s32 $0x0;
	s4 =	simm.s32 $0xC000  }
0x31b: {  	[hbm4b:s3+s0] =	stream.linear.scatter [tilespmem:s4], [sflag:$0x15], $0x2000, $0x38;
	[tilespmem:$0x1C000] =	vst v63  }
0x31c: {  	_ =	swait.ge [sflag:s29], $0x2000  }
0x31d: {  	s5 =	sld [smem:$0x7F1]  }
0x31e: {  	[sflag:s29] =	ssyncset.done $0x0  }
0x31f: {  	s9 =	simm.s32 $0x2000;
	[sflag:s29] =	ssyncadd.s32 $0xFFFFE000  }
0x320: {  	[tilespmem:s9], [sflag:$0x2] =	stream.linear.gather [hbm4b:s5+s0], $0x2000, $0x38;
	[tilespmem:$0x1C000] =	vst v63  }
0x321: {  	s5 =	simm.s32 $0x8  }
0x322: {  	s25 =	sand.u32 $0x380, s0;
	s23 =	sand.u32 $0x1C00, s0;
	_ =	swait.ge [sflag:s5], $0x2000  }
0x323: {  	s3 =	sor.u32 s25, s23;
	s0 =	sand.u32 $0x40, s0;
	[sflag:s5] =	ssyncset.done $0x0  }
0x324: {  	s9 =	sor.u32 s0, s3;
	[sflag:s5] =	ssyncadd.s32 $0xFFFFE000  }
0x325: {  	v2 =	vld [tilespmem:s9+$0xE030]  }
0x326: {  	v3 =	vld [tilespmem:s9+$0xE020]  }
0x327: {  	s28 =	simm.s32 $0x8;
	s25 =	simm.s32 $0x200  }
0x328: {  	s30 =	simm.s32 $0x40;
	s4 =	sand.u32 $0x1C00, s25;
	s5 =	sand.u32 $0x380, s28;
	v0 =	vld [tilespmem:s9+$0xE010]  }
0x329: {  	s23 =	sand.u32 $0x40, s30;
	s0 =	sor.u32 s5, s4;
	v1 =	vld [tilespmem:s9+$0xE000]  }
0x32a: {  	s23 =	sor.u32 s23, s0  }
0x32b: {  	s0 =	simm.s32 $0x4;
	v4 =	vmul.f32 $3.125000000e-02, v2;
	v2 =	vld [tilespmem:s23+$0xE030];
	v3 =	vmul.f32 $3.125000000e-02, v3  }
.LBB2_44:
0x32c: {  	s0 =	sadd.s32 $0x4, s0  }
0x32d: {  	v5 =	vld [tilespmem:s23+$0xE020];
	v6 =	vmul.f32 $3.125000000e-02, v0;
	[tilespmem:s9+$0xE030] =	vst v4;
	p0 =	slt.u32 s0, $0x1FC  }
.Ltmp21:
0x32e: {  	s25 =	sadd.s32 $0x200, s25;
	s28 =	sadd.s32 $0x8, s28;
	v0 =	vld [tilespmem:s23+$0xE010];
	v4 =	vmul.f32 $3.125000000e-02, v1;
	[tilespmem:s9+$0xE020] =	vst v3;
	(pc) =	sbr.rel @p0 .LBB2_44-.Ltmp21, $4  }
0x32f: {  	s30 =	sadd.s32 $0x40, s30;
	s3 =	sand.u32 $0x1C00, s25;
	s4 =	sand.u32 $0x380, s28;
	v1 =	vld [tilespmem:s23+$0xE000];
	[tilespmem:s9+$0xE010] =	vst v6  }
0x330: {  	s5 =	sand.u32 $0x40, s30;
	s3 =	sor.u32 s4, s3;
	[tilespmem:s9+$0xE000] =	vst v4  }
0x331: {  	s9 =	smov.u32 s23;
	s23 =	sor.u32 s5, s3;
	v4 =	vmul.f32 $3.125000000e-02, v2  }
0x332: {  	v2 =	vld [tilespmem:s23+$0xE030];
	v3 =	vmul.f32 $3.125000000e-02, v5  }
0x333: {  	v5 =	vld [tilespmem:s23+$0xE020]  }
0x334: {  	v6 =	vld [tilespmem:s23+$0xE010]  }
0x335: {  	v0 =	vmul.f32 $3.125000000e-02, v0;
	[tilespmem:s9+$0xE030] =	vst v4;
	v4 =	vld [tilespmem:s23+$0xE000]  }
0x336: {  	[tilespmem:s9+$0xE020] =	vst v3;
	v1 =	vmul.f32 $3.125000000e-02, v1  }
0x337: {  	[tilespmem:s9+$0xE010] =	vst v0;
	v0 =	vmul.f32 $3.125000000e-02, v2  }
0x338: {  	[tilespmem:s9+$0xE000] =	vst v1;
	v1 =	vmul.f32 $3.125000000e-02, v5  }
0x339: {  	v2 =	vmul.f32 $3.125000000e-02, v6;
	[tilespmem:s23+$0xE030] =	vst v0  }
0x33a: {  	v0 =	vmul.f32 $3.125000000e-02, v4;
	[tilespmem:s23+$0xE020] =	vst v1  }
0x33b: {  	[tilespmem:s23+$0xE010] =	vst v2  }
0x33c: {  	[tilespmem:s23+$0xE000] =	vst v0  }
0x33d: {  	s3 =	sld [smem:$0x7E6];
	_ =	sdelay $0x1  }
0x33e: {  	s0 =	simm.s32 $0x0;
	s4 =	simm.s32 $0xE000  }
0x33f: {  	[hbm4b:s3+s0] =	stream.linear.scatter [tilespmem:s4], [sflag:$0x16], $0x2000, $0x38;
	[tilespmem:$0x1C000] =	vst v63  }
0x340: {  	_ =	swait.ge [sflag:s31], $0x2000  }
0x341: {  	s5 =	sld [smem:$0x7F2]  }
0x342: {  	[sflag:s31] =	ssyncset.done $0x0  }
0x343: {  	s9 =	simm.s32 $0x4000;
	[sflag:s31] =	ssyncadd.s32 $0xFFFFE000  }
0x344: {  	[tilespmem:s9], [sflag:$0x3] =	stream.linear.gather [hbm4b:s5+s0], $0x2000, $0x38;
	[tilespmem:$0x1C000] =	vst v63  }
0x345: {  	s5 =	simm.s32 $0x9  }
0x346: {  	s25 =	sand.u32 $0x380, s0;
	s23 =	sand.u32 $0x1C00, s0;
	_ =	swait.ge [sflag:s5], $0x2000  }
0x347: {  	s3 =	sor.u32 s25, s23;
	s0 =	sand.u32 $0x40, s0;
	[sflag:s5] =	ssyncset.done $0x0  }
0x348: {  	s9 =	sor.u32 s0, s3;
	[sflag:s5] =	ssyncadd.s32 $0xFFFFE000  }
0x349: {  	v2 =	vld [tilespmem:s9+$0x10030]  }
0x34a: {  	v3 =	vld [tilespmem:s9+$0x10020]  }
0x34b: {  	s28 =	simm.s32 $0x8;
	s25 =	simm.s32 $0x200  }
0x34c: {  	s30 =	simm.s32 $0x40;
	s4 =	sand.u32 $0x1C00, s25;
	s5 =	sand.u32 $0x380, s28;
	v0 =	vld [tilespmem:s9+$0x10010]  }
0x34d: {  	s23 =	sand.u32 $0x40, s30;
	s0 =	sor.u32 s5, s4;
	v1 =	vld [tilespmem:s9+$0x10000]  }
0x34e: {  	s23 =	sor.u32 s23, s0  }
0x34f: {  	s0 =	simm.s32 $0x4;
	v4 =	vmul.f32 $3.125000000e-02, v2;
	v2 =	vld [tilespmem:s23+$0x10030];
	v3 =	vmul.f32 $3.125000000e-02, v3  }
.LBB2_46:
0x350: {  	s0 =	sadd.s32 $0x4, s0  }
0x351: {  	v5 =	vld [tilespmem:s23+$0x10020];
	v6 =	vmul.f32 $3.125000000e-02, v0;
	[tilespmem:s9+$0x10030] =	vst v4;
	p0 =	slt.u32 s0, $0x1FC  }
.Ltmp22:
0x352: {  	s25 =	sadd.s32 $0x200, s25;
	s28 =	sadd.s32 $0x8, s28;
	v0 =	vld [tilespmem:s23+$0x10010];
	v4 =	vmul.f32 $3.125000000e-02, v1;
	[tilespmem:s9+$0x10020] =	vst v3;
	(pc) =	sbr.rel @p0 .LBB2_46-.Ltmp22, $4  }
0x353: {  	s30 =	sadd.s32 $0x40, s30;
	s3 =	sand.u32 $0x1C00, s25;
	s4 =	sand.u32 $0x380, s28;
	v1 =	vld [tilespmem:s23+$0x10000];
	[tilespmem:s9+$0x10010] =	vst v6  }
0x354: {  	s5 =	sand.u32 $0x40, s30;
	s3 =	sor.u32 s4, s3;
	[tilespmem:s9+$0x10000] =	vst v4  }
0x355: {  	s9 =	smov.u32 s23;
	s23 =	sor.u32 s5, s3;
	v4 =	vmul.f32 $3.125000000e-02, v2  }
0x356: {  	v2 =	vld [tilespmem:s23+$0x10030];
	v3 =	vmul.f32 $3.125000000e-02, v5  }
0x357: {  	v5 =	vld [tilespmem:s23+$0x10020]  }
0x358: {  	v6 =	vld [tilespmem:s23+$0x10010]  }
0x359: {  	v0 =	vmul.f32 $3.125000000e-02, v0;
	[tilespmem:s9+$0x10030] =	vst v4;
	v4 =	vld [tilespmem:s23+$0x10000]  }
0x35a: {  	[tilespmem:s9+$0x10020] =	vst v3;
	v1 =	vmul.f32 $3.125000000e-02, v1  }
0x35b: {  	[tilespmem:s9+$0x10010] =	vst v0;
	v0 =	vmul.f32 $3.125000000e-02, v2  }
0x35c: {  	[tilespmem:s9+$0x10000] =	vst v1;
	v1 =	vmul.f32 $3.125000000e-02, v5  }
0x35d: {  	v2 =	vmul.f32 $3.125000000e-02, v6;
	[tilespmem:s23+$0x10030] =	vst v0  }
0x35e: {  	v0 =	vmul.f32 $3.125000000e-02, v4;
	[tilespmem:s23+$0x10020] =	vst v1  }
0x35f: {  	[tilespmem:s23+$0x10010] =	vst v2  }
0x360: {  	[tilespmem:s23+$0x10000] =	vst v0  }
0x361: {  	s3 =	sld [smem:$0x7E8];
	_ =	sdelay $0x1  }
0x362: {  	s0 =	simm.s32 $0x0;
	s4 =	simm.s32 $0x10000  }
0x363: {  	[hbm4b:s3+s0] =	stream.linear.scatter [tilespmem:s4], [sflag:$0x17], $0x2000, $0x38;
	[tilespmem:$0x1C000] =	vst v63  }
0x364: {  	_ =	swait.ge [sflag:s2], $0x2000  }
0x365: {  	s9 =	sld [smem:$0x7F3]  }
0x366: {  	[sflag:s2] =	ssyncset.done $0x0  }
0x367: {  	s5 =	simm.s32 $0xA;
	[sflag:s2] =	ssyncadd.s32 $0xFFFFE000  }
0x368: {  	[tilespmem:s6], [sflag:$0x4] =	stream.linear.gather [hbm4b:s9+s0], $0x2000, $0x38;
	[tilespmem:$0x1C000] =	vst v63  }
0x369: {  	s25 =	sand.u32 $0x380, s0;
	s23 =	sand.u32 $0x1C00, s0;
	_ =	swait.ge [sflag:s5], $0x2000  }
0x36a: {  	s3 =	sor.u32 s25, s23;
	s0 =	sand.u32 $0x40, s0;
	[sflag:s5] =	ssyncset.done $0x0  }
0x36b: {  	s9 =	sor.u32 s0, s3;
	[sflag:s5] =	ssyncadd.s32 $0xFFFFE000  }
0x36c: {  	v2 =	vld [tilespmem:s9+$0x12030]  }
0x36d: {  	v3 =	vld [tilespmem:s9+$0x12020]  }
0x36e: {  	s28 =	simm.s32 $0x8;
	s25 =	simm.s32 $0x200  }
0x36f: {  	s30 =	simm.s32 $0x40;
	s4 =	sand.u32 $0x1C00, s25;
	s5 =	sand.u32 $0x380, s28;
	v0 =	vld [tilespmem:s9+$0x12010]  }
0x370: {  	s23 =	sand.u32 $0x40, s30;
	s0 =	sor.u32 s5, s4;
	v1 =	vld [tilespmem:s9+$0x12000]  }
0x371: {  	s23 =	sor.u32 s23, s0  }
0x372: {  	s0 =	simm.s32 $0x4;
	v4 =	vmul.f32 $3.125000000e-02, v2;
	v2 =	vld [tilespmem:s23+$0x12030];
	v3 =	vmul.f32 $3.125000000e-02, v3  }
.LBB2_48:
0x373: {  	s0 =	sadd.s32 $0x4, s0  }
0x374: {  	v5 =	vld [tilespmem:s23+$0x12020];
	v6 =	vmul.f32 $3.125000000e-02, v0;
	[tilespmem:s9+$0x12030] =	vst v4;
	p0 =	slt.u32 s0, $0x1FC  }
.Ltmp23:
0x375: {  	s25 =	sadd.s32 $0x200, s25;
	s28 =	sadd.s32 $0x8, s28;
	v0 =	vld [tilespmem:s23+$0x12010];
	v4 =	vmul.f32 $3.125000000e-02, v1;
	[tilespmem:s9+$0x12020] =	vst v3;
	(pc) =	sbr.rel @p0 .LBB2_48-.Ltmp23, $4  }
0x376: {  	s30 =	sadd.s32 $0x40, s30;
	s3 =	sand.u32 $0x1C00, s25;
	s4 =	sand.u32 $0x380, s28;
	v1 =	vld [tilespmem:s23+$0x12000];
	[tilespmem:s9+$0x12010] =	vst v6  }
0x377: {  	s5 =	sand.u32 $0x40, s30;
	s3 =	sor.u32 s4, s3;
	[tilespmem:s9+$0x12000] =	vst v4  }
0x378: {  	s9 =	smov.u32 s23;
	s23 =	sor.u32 s5, s3;
	v4 =	vmul.f32 $3.125000000e-02, v2  }
0x379: {  	v2 =	vld [tilespmem:s23+$0x12030];
	v3 =	vmul.f32 $3.125000000e-02, v5  }
0x37a: {  	v5 =	vld [tilespmem:s23+$0x12020]  }
0x37b: {  	v6 =	vld [tilespmem:s23+$0x12010]  }
0x37c: {  	v0 =	vmul.f32 $3.125000000e-02, v0;
	[tilespmem:s9+$0x12030] =	vst v4;
	v4 =	vld [tilespmem:s23+$0x12000]  }
0x37d: {  	[tilespmem:s9+$0x12020] =	vst v3;
	v1 =	vmul.f32 $3.125000000e-02, v1  }
0x37e: {  	[tilespmem:s9+$0x12010] =	vst v0;
	v0 =	vmul.f32 $3.125000000e-02, v2  }
0x37f: {  	[tilespmem:s9+$0x12000] =	vst v1;
	v1 =	vmul.f32 $3.125000000e-02, v5  }
0x380: {  	v2 =	vmul.f32 $3.125000000e-02, v6;
	[tilespmem:s23+$0x12030] =	vst v0  }
0x381: {  	v0 =	vmul.f32 $3.125000000e-02, v4;
	[tilespmem:s23+$0x12020] =	vst v1  }
0x382: {  	[tilespmem:s23+$0x12010] =	vst v2  }
0x383: {  	[tilespmem:s23+$0x12000] =	vst v0  }
0x384: {  	s3 =	sld [smem:$0x7F4];
	_ =	sdelay $0x1  }
0x385: {  	s0 =	simm.s32 $0x0;
	s4 =	simm.s32 $0x12000;
	s5 =	simm.s32 $0xB  }
0x386: {  	[hbm4b:s3+s0] =	stream.linear.scatter [tilespmem:s4], [sflag:$0x18], $0x2000, $0x38;
	[tilespmem:$0x1C000] =	vst v63  }
0x387: {  	s25 =	sand.u32 $0x380, s0;
	s23 =	sand.u32 $0x1C00, s0;
	_ =	swait.ge [sflag:s5], $0x2000  }
0x388: {  	s0 =	sand.u32 $0x40, s0;
	s3 =	sor.u32 s25, s23;
	[sflag:s5] =	ssyncset.done $0x0  }
0x389: {  	s9 =	sor.u32 s0, s3;
	[sflag:s5] =	ssyncadd.s32 $0xFFFFE000  }
0x38a: {  	v2 =	vld [tilespmem:s9+$0x14030]  }
0x38b: {  	v3 =	vld [tilespmem:s9+$0x14020]  }
0x38c: {  	s28 =	simm.s32 $0x8;
	s25 =	simm.s32 $0x200  }
0x38d: {  	s30 =	simm.s32 $0x40;
	s4 =	sand.u32 $0x1C00, s25;
	s5 =	sand.u32 $0x380, s28;
	v0 =	vld [tilespmem:s9+$0x14010]  }
0x38e: {  	s23 =	sand.u32 $0x40, s30;
	s0 =	sor.u32 s5, s4;
	v1 =	vld [tilespmem:s9+$0x14000]  }
0x38f: {  	s23 =	sor.u32 s23, s0  }
0x390: {  	s0 =	simm.s32 $0x4;
	v4 =	vmul.f32 $3.125000000e-02, v2;
	v2 =	vld [tilespmem:s23+$0x14030];
	v3 =	vmul.f32 $3.125000000e-02, v3  }
.LBB2_50:
0x391: {  	s0 =	sadd.s32 $0x4, s0  }
0x392: {  	v5 =	vld [tilespmem:s23+$0x14020];
	v6 =	vmul.f32 $3.125000000e-02, v0;
	[tilespmem:s9+$0x14030] =	vst v4;
	p0 =	slt.u32 s0, $0x1FC  }
.Ltmp24:
0x393: {  	s25 =	sadd.s32 $0x200, s25;
	s28 =	sadd.s32 $0x8, s28;
	v0 =	vld [tilespmem:s23+$0x14010];
	v4 =	vmul.f32 $3.125000000e-02, v1;
	[tilespmem:s9+$0x14020] =	vst v3;
	(pc) =	sbr.rel @p0 .LBB2_50-.Ltmp24, $4  }
0x394: {  	s30 =	sadd.s32 $0x40, s30;
	s3 =	sand.u32 $0x1C00, s25;
	s4 =	sand.u32 $0x380, s28;
	v1 =	vld [tilespmem:s23+$0x14000];
	[tilespmem:s9+$0x14010] =	vst v6  }
0x395: {  	s5 =	sand.u32 $0x40, s30;
	s3 =	sor.u32 s4, s3;
	[tilespmem:s9+$0x14000] =	vst v4  }
0x396: {  	s9 =	smov.u32 s23;
	s23 =	sor.u32 s5, s3;
	v4 =	vmul.f32 $3.125000000e-02, v2  }
0x397: {  	v2 =	vld [tilespmem:s23+$0x14030];
	v3 =	vmul.f32 $3.125000000e-02, v5  }
0x398: {  	v5 =	vld [tilespmem:s23+$0x14020]  }
0x399: {  	v6 =	vld [tilespmem:s23+$0x14010]  }
0x39a: {  	v0 =	vmul.f32 $3.125000000e-02, v0;
	[tilespmem:s9+$0x14030] =	vst v4;
	v4 =	vld [tilespmem:s23+$0x14000]  }
0x39b: {  	[tilespmem:s9+$0x14020] =	vst v3;
	v1 =	vmul.f32 $3.125000000e-02, v1  }
0x39c: {  	[tilespmem:s9+$0x14010] =	vst v0;
	v0 =	vmul.f32 $3.125000000e-02, v2  }
0x39d: {  	[tilespmem:s9+$0x14000] =	vst v1;
	v1 =	vmul.f32 $3.125000000e-02, v5  }
0x39e: {  	v2 =	vmul.f32 $3.125000000e-02, v6;
	[tilespmem:s23+$0x14030] =	vst v0  }
0x39f: {  	v0 =	vmul.f32 $3.125000000e-02, v4;
	[tilespmem:s23+$0x14020] =	vst v1  }
0x3a0: {  	[tilespmem:s23+$0x14010] =	vst v2  }
0x3a1: {  	[tilespmem:s23+$0x14000] =	vst v0  }
0x3a2: {  	s3 =	sld [smem:$0x7F5];
	_ =	sdelay $0x1  }
0x3a3: {  	s0 =	simm.s32 $0x0;
	s4 =	simm.s32 $0x14000  }
0x3a4: {  	[hbm4b:s3+s0] =	stream.linear.scatter [tilespmem:s4], [sflag:$0x19], $0x2000, $0x38;
	[tilespmem:$0x1C000] =	vst v63  }
0x3a5: {  	s25 =	sand.u32 $0x380, s0;
	s23 =	sand.u32 $0x1C00, s0;
	_ =	swait.ge [sflag:s10], $0x2000  }
0x3a6: {  	s0 =	sand.u32 $0x40, s0;
	s3 =	sor.u32 s25, s23;
	[sflag:s10] =	ssyncset.done $0x0  }
0x3a7: {  	s9 =	sor.u32 s0, s3;
	[sflag:s10] =	ssyncadd.s32 $0xFFFFE000  }
0x3a8: {  	v2 =	vld [tilespmem:s9+$0x16030]  }
0x3a9: {  	v3 =	vld [tilespmem:s9+$0x16020]  }
0x3aa: {  	s28 =	simm.s32 $0x8;
	s25 =	simm.s32 $0x200  }
0x3ab: {  	s30 =	simm.s32 $0x40;
	s5 =	sand.u32 $0x380, s28;
	s4 =	sand.u32 $0x1C00, s25;
	v0 =	vld [tilespmem:s9+$0x16010]  }
0x3ac: {  	s23 =	sand.u32 $0x40, s30;
	s0 =	sor.u32 s5, s4;
	v1 =	vld [tilespmem:s9+$0x16000]  }
0x3ad: {  	s23 =	sor.u32 s23, s0  }
0x3ae: {  	s0 =	simm.s32 $0x4;
	v4 =	vmul.f32 $3.125000000e-02, v2;
	v2 =	vld [tilespmem:s23+$0x16030];
	v3 =	vmul.f32 $3.125000000e-02, v3  }
.LBB2_52:
0x3af: {  	s0 =	sadd.s32 $0x4, s0  }
0x3b0: {  	v5 =	vld [tilespmem:s23+$0x16020];
	v6 =	vmul.f32 $3.125000000e-02, v0;
	[tilespmem:s9+$0x16030] =	vst v4;
	p0 =	slt.u32 s0, $0x1FC  }
.Ltmp25:
0x3b1: {  	s25 =	sadd.s32 $0x200, s25;
	s28 =	sadd.s32 $0x8, s28;
	v0 =	vld [tilespmem:s23+$0x16010];
	v4 =	vmul.f32 $3.125000000e-02, v1;
	[tilespmem:s9+$0x16020] =	vst v3;
	(pc) =	sbr.rel @p0 .LBB2_52-.Ltmp25, $4  }
0x3b2: {  	s30 =	sadd.s32 $0x40, s30;
	s3 =	sand.u32 $0x1C00, s25;
	s4 =	sand.u32 $0x380, s28;
	v1 =	vld [tilespmem:s23+$0x16000];
	[tilespmem:s9+$0x16010] =	vst v6  }
0x3b3: {  	s5 =	sand.u32 $0x40, s30;
	s3 =	sor.u32 s4, s3;
	[tilespmem:s9+$0x16000] =	vst v4  }
0x3b4: {  	s9 =	smov.u32 s23;
	s23 =	sor.u32 s5, s3;
	v4 =	vmul.f32 $3.125000000e-02, v2  }
0x3b5: {  	v2 =	vld [tilespmem:s23+$0x16030];
	v3 =	vmul.f32 $3.125000000e-02, v5  }
0x3b6: {  	v5 =	vld [tilespmem:s23+$0x16020]  }
0x3b7: {  	v6 =	vld [tilespmem:s23+$0x16010]  }
0x3b8: {  	v0 =	vmul.f32 $3.125000000e-02, v0;
	[tilespmem:s9+$0x16030] =	vst v4;
	v4 =	vld [tilespmem:s23+$0x16000]  }
0x3b9: {  	[tilespmem:s9+$0x16020] =	vst v3;
	v1 =	vmul.f32 $3.125000000e-02, v1  }
0x3ba: {  	[tilespmem:s9+$0x16010] =	vst v0;
	v0 =	vmul.f32 $3.125000000e-02, v2  }
0x3bb: {  	[tilespmem:s9+$0x16000] =	vst v1;
	v1 =	vmul.f32 $3.125000000e-02, v5  }
0x3bc: {  	v2 =	vmul.f32 $3.125000000e-02, v6;
	[tilespmem:s23+$0x16030] =	vst v0  }
0x3bd: {  	v0 =	vmul.f32 $3.125000000e-02, v4;
	[tilespmem:s23+$0x16020] =	vst v1  }
0x3be: {  	[tilespmem:s23+$0x16010] =	vst v2  }
0x3bf: {  	[tilespmem:s23+$0x16000] =	vst v0  }
0x3c0: {  	s3 =	sld [smem:$0x7F6];
	_ =	sdelay $0x1  }
0x3c1: {  	s0 =	simm.s32 $0x0;
	s4 =	simm.s32 $0x16000  }
0x3c2: {  	[hbm4b:s3+s0] =	stream.linear.scatter [tilespmem:s4], [sflag:$0x1A], $0x2000, $0x38;
	[tilespmem:$0x1C000] =	vst v63  }
0x3c3: {  	s25 =	sand.u32 $0x380, s0;
	s23 =	sand.u32 $0x1C00, s0;
	_ =	swait.ge [sflag:s12], $0x2000  }
0x3c4: {  	s0 =	sand.u32 $0x40, s0;
	s3 =	sor.u32 s25, s23;
	[sflag:s12] =	ssyncset.done $0x0  }
0x3c5: {  	s9 =	sor.u32 s0, s3;
	[sflag:s12] =	ssyncadd.s32 $0xFFFFE000  }
0x3c6: {  	v2 =	vld [tilespmem:s9+$0x18030]  }
0x3c7: {  	v3 =	vld [tilespmem:s9+$0x18020]  }
0x3c8: {  	s28 =	simm.s32 $0x8;
	s25 =	simm.s32 $0x200  }
0x3c9: {  	s30 =	simm.s32 $0x40;
	s5 =	sand.u32 $0x380, s28;
	s4 =	sand.u32 $0x1C00, s25;
	v0 =	vld [tilespmem:s9+$0x18010]  }
0x3ca: {  	s23 =	sand.u32 $0x40, s30;
	s0 =	sor.u32 s5, s4;
	v1 =	vld [tilespmem:s9+$0x18000]  }
0x3cb: {  	s23 =	sor.u32 s23, s0  }
0x3cc: {  	s0 =	simm.s32 $0x4;
	v4 =	vmul.f32 $3.125000000e-02, v2;
	v2 =	vld [tilespmem:s23+$0x18030];
	v3 =	vmul.f32 $3.125000000e-02, v3  }
.LBB2_54:
0x3cd: {  	s0 =	sadd.s32 $0x4, s0  }
0x3ce: {  	v5 =	vld [tilespmem:s23+$0x18020];
	v6 =	vmul.f32 $3.125000000e-02, v0;
	[tilespmem:s9+$0x18030] =	vst v4;
	p0 =	slt.u32 s0, $0x1FC  }
.Ltmp26:
0x3cf: {  	s25 =	sadd.s32 $0x200, s25;
	s28 =	sadd.s32 $0x8, s28;
	v0 =	vld [tilespmem:s23+$0x18010];
	v4 =	vmul.f32 $3.125000000e-02, v1;
	[tilespmem:s9+$0x18020] =	vst v3;
	(pc) =	sbr.rel @p0 .LBB2_54-.Ltmp26, $4  }
0x3d0: {  	s30 =	sadd.s32 $0x40, s30;
	s3 =	sand.u32 $0x1C00, s25;
	s4 =	sand.u32 $0x380, s28;
	v1 =	vld [tilespmem:s23+$0x18000];
	[tilespmem:s9+$0x18010] =	vst v6  }
0x3d1: {  	s5 =	sand.u32 $0x40, s30;
	s3 =	sor.u32 s4, s3;
	[tilespmem:s9+$0x18000] =	vst v4  }
0x3d2: {  	s9 =	smov.u32 s23;
	s23 =	sor.u32 s5, s3;
	v4 =	vmul.f32 $3.125000000e-02, v2  }
0x3d3: {  	v2 =	vld [tilespmem:s23+$0x18030];
	v3 =	vmul.f32 $3.125000000e-02, v5  }
0x3d4: {  	v5 =	vld [tilespmem:s23+$0x18020]  }
0x3d5: {  	v6 =	vld [tilespmem:s23+$0x18010]  }
0x3d6: {  	v0 =	vmul.f32 $3.125000000e-02, v0;
	[tilespmem:s9+$0x18030] =	vst v4;
	v4 =	vld [tilespmem:s23+$0x18000]  }
0x3d7: {  	[tilespmem:s9+$0x18020] =	vst v3;
	v1 =	vmul.f32 $3.125000000e-02, v1  }
0x3d8: {  	[tilespmem:s9+$0x18010] =	vst v0;
	v0 =	vmul.f32 $3.125000000e-02, v2  }
0x3d9: {  	[tilespmem:s9+$0x18000] =	vst v1;
	v1 =	vmul.f32 $3.125000000e-02, v5  }
0x3da: {  	v2 =	vmul.f32 $3.125000000e-02, v6;
	[tilespmem:s23+$0x18030] =	vst v0  }
0x3db: {  	v0 =	vmul.f32 $3.125000000e-02, v4;
	[tilespmem:s23+$0x18020] =	vst v1  }
0x3dc: {  	[tilespmem:s23+$0x18010] =	vst v2  }
0x3dd: {  	[tilespmem:s23+$0x18000] =	vst v0  }
0x3de: {  	s3 =	sld [smem:$0x7F7];
	_ =	sdelay $0x1  }
0x3df: {  	s0 =	simm.s32 $0x0;
	s4 =	simm.s32 $0x18000  }
0x3e0: {  	[hbm4b:s3+s0] =	stream.linear.scatter [tilespmem:s4], [sflag:$0x1B], $0x2000, $0x38;
	[tilespmem:$0x1C000] =	vst v63  }
0x3e1: {  	s25 =	sand.u32 $0x380, s0;
	s23 =	sand.u32 $0x1C00, s0;
	_ =	swait.ge [sflag:s14], $0x2000  }
0x3e2: {  	s0 =	sand.u32 $0x40, s0;
	s3 =	sor.u32 s25, s23;
	[sflag:s14] =	ssyncset.done $0x0  }
0x3e3: {  	s9 =	sor.u32 s0, s3;
	[sflag:s14] =	ssyncadd.s32 $0xFFFFE000  }
0x3e4: {  	v2 =	vld [tilespmem:s9+$0x1A030]  }
0x3e5: {  	v3 =	vld [tilespmem:s9+$0x1A020]  }
0x3e6: {  	s28 =	simm.s32 $0x8;
	s25 =	simm.s32 $0x200  }
0x3e7: {  	s30 =	simm.s32 $0x40;
	s5 =	sand.u32 $0x380, s28;
	s4 =	sand.u32 $0x1C00, s25;
	v0 =	vld [tilespmem:s9+$0x1A010]  }
0x3e8: {  	s23 =	sand.u32 $0x40, s30;
	s0 =	sor.u32 s5, s4;
	v1 =	vld [tilespmem:s9+$0x1A000]  }
0x3e9: {  	s23 =	sor.u32 s23, s0  }
0x3ea: {  	s0 =	simm.s32 $0x4;
	v4 =	vmul.f32 $3.125000000e-02, v2;
	v2 =	vld [tilespmem:s23+$0x1A030];
	v3 =	vmul.f32 $3.125000000e-02, v3  }
.LBB2_56:
0x3eb: {  	s0 =	sadd.s32 $0x4, s0  }
0x3ec: {  	v5 =	vld [tilespmem:s23+$0x1A020];
	v6 =	vmul.f32 $3.125000000e-02, v0;
	[tilespmem:s9+$0x1A030] =	vst v4;
	p0 =	slt.u32 s0, $0x1FC  }
.Ltmp27:
0x3ed: {  	s25 =	sadd.s32 $0x200, s25;
	s28 =	sadd.s32 $0x8, s28;
	v0 =	vld [tilespmem:s23+$0x1A010];
	v4 =	vmul.f32 $3.125000000e-02, v1;
	[tilespmem:s9+$0x1A020] =	vst v3;
	(pc) =	sbr.rel @p0 .LBB2_56-.Ltmp27, $4  }
0x3ee: {  	s30 =	sadd.s32 $0x40, s30;
	s3 =	sand.u32 $0x1C00, s25;
	s4 =	sand.u32 $0x380, s28;
	v1 =	vld [tilespmem:s23+$0x1A000];
	[tilespmem:s9+$0x1A010] =	vst v6  }
0x3ef: {  	s5 =	sand.u32 $0x40, s30;
	s3 =	sor.u32 s4, s3;
	[tilespmem:s9+$0x1A000] =	vst v4  }
0x3f0: {  	s9 =	smov.u32 s23;
	s23 =	sor.u32 s5, s3;
	v4 =	vmul.f32 $3.125000000e-02, v2  }
0x3f1: {  	v2 =	vld [tilespmem:s23+$0x1A030];
	v3 =	vmul.f32 $3.125000000e-02, v5  }
0x3f2: {  	v5 =	vld [tilespmem:s23+$0x1A020]  }
0x3f3: {  	v6 =	vld [tilespmem:s23+$0x1A010]  }
0x3f4: {  	v0 =	vmul.f32 $3.125000000e-02, v0;
	[tilespmem:s9+$0x1A030] =	vst v4;
	v4 =	vld [tilespmem:s23+$0x1A000]  }
0x3f5: {  	[tilespmem:s9+$0x1A020] =	vst v3;
	v1 =	vmul.f32 $3.125000000e-02, v1  }
0x3f6: {  	[tilespmem:s9+$0x1A010] =	vst v0;
	v0 =	vmul.f32 $3.125000000e-02, v2  }
0x3f7: {  	[tilespmem:s9+$0x1A000] =	vst v1;
	v1 =	vmul.f32 $3.125000000e-02, v5  }
0x3f8: {  	v2 =	vmul.f32 $3.125000000e-02, v6;
	[tilespmem:s23+$0x1A030] =	vst v0  }
0x3f9: {  	v0 =	vmul.f32 $3.125000000e-02, v4;
	[tilespmem:s23+$0x1A020] =	vst v1  }
0x3fa: {  	[tilespmem:s23+$0x1A010] =	vst v2  }
0x3fb: {  	[tilespmem:s23+$0x1A000] =	vst v0  }
0x3fc: {  	s3 =	sld [smem:$0x7F8];
	_ =	sdelay $0x1  }
0x3fd: {  	s0 =	simm.s32 $0x0;
	s4 =	simm.s32 $0x1A000  }
0x3fe: {  	[hbm4b:s3+s0] =	stream.linear.scatter [tilespmem:s4], [sflag:$0x1C], $0x2000, $0x38;
	[tilespmem:$0x1C000] =	vst v63  }
0x3ff: {  	s25 =	sand.u32 $0x380, s0;
	s23 =	sand.u32 $0x1C00, s0;
	_ =	swait.ge [sflag:s15], $0x2000  }
0x400: {  	s0 =	sand.u32 $0x40, s0;
	s3 =	sor.u32 s25, s23;
	[sflag:s15] =	ssyncset.done $0x0  }
0x401: {  	s9 =	sor.u32 s0, s3;
	[sflag:s15] =	ssyncadd.s32 $0xFFFFE000  }
0x402: {  	v2 =	vld [tilespmem:s9+$0x30]  }
0x403: {  	v3 =	vld [tilespmem:s9+$0x20]  }
0x404: {  	s28 =	simm.s32 $0x8;
	s25 =	simm.s32 $0x200  }
0x405: {  	s30 =	simm.s32 $0x40;
	s5 =	sand.u32 $0x380, s28;
	s4 =	sand.u32 $0x1C00, s25;
	v0 =	vld [tilespmem:s9+$0x10]  }
0x406: {  	s23 =	sand.u32 $0x40, s30;
	s0 =	sor.u32 s5, s4;
	v1 =	vld [tilespmem:s9+$0x0]  }
0x407: {  	s23 =	sor.u32 s23, s0  }
0x408: {  	s0 =	simm.s32 $0x4;
	v4 =	vmul.f32 $3.125000000e-02, v2;
	v2 =	vld [tilespmem:s23+$0x30];
	v3 =	vmul.f32 $3.125000000e-02, v3  }
.LBB2_58:
0x409: {  	s0 =	sadd.s32 $0x4, s0  }
0x40a: {  	v5 =	vld [tilespmem:s23+$0x20];
	v6 =	vmul.f32 $3.125000000e-02, v0;
	[tilespmem:s9+$0x30] =	vst v4;
	p0 =	slt.u32 s0, $0x1FC  }
.Ltmp28:
0x40b: {  	s25 =	sadd.s32 $0x200, s25;
	s28 =	sadd.s32 $0x8, s28;
	v0 =	vld [tilespmem:s23+$0x10];
	v4 =	vmul.f32 $3.125000000e-02, v1;
	[tilespmem:s9+$0x20] =	vst v3;
	(pc) =	sbr.rel @p0 .LBB2_58-.Ltmp28, $4  }
0x40c: {  	s30 =	sadd.s32 $0x40, s30;
	s3 =	sand.u32 $0x1C00, s25;
	s4 =	sand.u32 $0x380, s28;
	v1 =	vld [tilespmem:s23+$0x0];
	[tilespmem:s9+$0x10] =	vst v6  }
0x40d: {  	s5 =	sand.u32 $0x40, s30;
	s3 =	sor.u32 s4, s3;
	[tilespmem:s9+$0x0] =	vst v4  }
0x40e: {  	s9 =	smov.u32 s23;
	s23 =	sor.u32 s5, s3;
	v4 =	vmul.f32 $3.125000000e-02, v2  }
0x40f: {  	v2 =	vld [tilespmem:s23+$0x30];
	v3 =	vmul.f32 $3.125000000e-02, v5  }
0x410: {  	v5 =	vld [tilespmem:s23+$0x20]  }
0x411: {  	v6 =	vld [tilespmem:s23+$0x10]  }
0x412: {  	v0 =	vmul.f32 $3.125000000e-02, v0;
	[tilespmem:s9+$0x30] =	vst v4;
	v4 =	vld [tilespmem:s23+$0x0]  }
0x413: {  	[tilespmem:s9+$0x20] =	vst v3;
	v1 =	vmul.f32 $3.125000000e-02, v1  }
0x414: {  	[tilespmem:s9+$0x10] =	vst v0;
	v0 =	vmul.f32 $3.125000000e-02, v2  }
0x415: {  	[tilespmem:s9+$0x0] =	vst v1;
	v1 =	vmul.f32 $3.125000000e-02, v5  }
0x416: {  	v2 =	vmul.f32 $3.125000000e-02, v6;
	[tilespmem:s23+$0x30] =	vst v0  }
0x417: {  	v0 =	vmul.f32 $3.125000000e-02, v4;
	[tilespmem:s23+$0x20] =	vst v1  }
0x418: {  	[tilespmem:s23+$0x10] =	vst v2  }
0x419: {  	[tilespmem:s23+$0x0] =	vst v0  }
0x41a: {  	s3 =	sld [smem:$0x7F9];
	_ =	sdelay $0x1  }
0x41b: {  	s0 =	simm.s32 $0x0  }
0x41c: {  	[hbm4b:s3+s0] =	stream.linear.scatter [tilespmem:s0], [sflag:$0xF], $0x2000, $0x38;
	[tilespmem:$0x1C000] =	vst v63  }
0x41d: {  	s25 =	sand.u32 $0x1C00, s0;
	s4 =	sand.u32 $0x380, s0;
	_ =	swait.ge [sflag:s17], $0x2000  }
0x41e: {  	s0 =	sand.u32 $0x40, s0;
	s3 =	sor.u32 s4, s25;
	[sflag:s17] =	ssyncset.done $0x0  }
0x41f: {  	s9 =	sor.u32 s0, s3;
	[sflag:s17] =	ssyncadd.s32 $0xFFFFE000  }
0x420: {  	v2 =	vld [tilespmem:s9+$0x2030]  }
0x421: {  	v3 =	vld [tilespmem:s9+$0x2020]  }
0x422: {  	s28 =	simm.s32 $0x8;
	s25 =	simm.s32 $0x200  }
0x423: {  	s30 =	simm.s32 $0x40;
	s5 =	sand.u32 $0x380, s28;
	s4 =	sand.u32 $0x1C00, s25;
	v0 =	vld [tilespmem:s9+$0x2010]  }
0x424: {  	s23 =	sand.u32 $0x40, s30;
	s0 =	sor.u32 s5, s4;
	v1 =	vld [tilespmem:s9+$0x2000]  }
0x425: {  	s23 =	sor.u32 s23, s0  }
0x426: {  	s0 =	simm.s32 $0x4;
	v4 =	vmul.f32 $3.125000000e-02, v2;
	v2 =	vld [tilespmem:s23+$0x2030];
	v3 =	vmul.f32 $3.125000000e-02, v3  }
.LBB2_60:
0x427: {  	s0 =	sadd.s32 $0x4, s0  }
0x428: {  	v5 =	vld [tilespmem:s23+$0x2020];
	v6 =	vmul.f32 $3.125000000e-02, v0;
	[tilespmem:s9+$0x2030] =	vst v4;
	p0 =	slt.u32 s0, $0x1FC  }
.Ltmp29:
0x429: {  	s25 =	sadd.s32 $0x200, s25;
	s28 =	sadd.s32 $0x8, s28;
	v0 =	vld [tilespmem:s23+$0x2010];
	v4 =	vmul.f32 $3.125000000e-02, v1;
	[tilespmem:s9+$0x2020] =	vst v3;
	(pc) =	sbr.rel @p0 .LBB2_60-.Ltmp29, $4  }
0x42a: {  	s30 =	sadd.s32 $0x40, s30;
	s3 =	sand.u32 $0x1C00, s25;
	s4 =	sand.u32 $0x380, s28;
	v1 =	vld [tilespmem:s23+$0x2000];
	[tilespmem:s9+$0x2010] =	vst v6  }
0x42b: {  	s5 =	sand.u32 $0x40, s30;
	s3 =	sor.u32 s4, s3;
	[tilespmem:s9+$0x2000] =	vst v4  }
0x42c: {  	s9 =	smov.u32 s23;
	s23 =	sor.u32 s5, s3;
	v4 =	vmul.f32 $3.125000000e-02, v2  }
0x42d: {  	v2 =	vld [tilespmem:s23+$0x2030];
	v3 =	vmul.f32 $3.125000000e-02, v5  }
0x42e: {  	v5 =	vld [tilespmem:s23+$0x2020]  }
0x42f: {  	v6 =	vld [tilespmem:s23+$0x2010]  }
0x430: {  	v0 =	vmul.f32 $3.125000000e-02, v0;
	[tilespmem:s9+$0x2030] =	vst v4;
	v4 =	vld [tilespmem:s23+$0x2000]  }
0x431: {  	[tilespmem:s9+$0x2020] =	vst v3;
	v1 =	vmul.f32 $3.125000000e-02, v1  }
0x432: {  	[tilespmem:s9+$0x2010] =	vst v0;
	v0 =	vmul.f32 $3.125000000e-02, v2  }
0x433: {  	[tilespmem:s9+$0x2000] =	vst v1;
	v1 =	vmul.f32 $3.125000000e-02, v5  }
0x434: {  	v2 =	vmul.f32 $3.125000000e-02, v6;
	[tilespmem:s23+$0x2030] =	vst v0  }
0x435: {  	v0 =	vmul.f32 $3.125000000e-02, v4;
	[tilespmem:s23+$0x2020] =	vst v1  }
0x436: {  	[tilespmem:s23+$0x2010] =	vst v2  }
0x437: {  	[tilespmem:s23+$0x2000] =	vst v0  }
0x438: {  	s3 =	sld [smem:$0x7FA];
	_ =	sdelay $0x1  }
0x439: {  	s0 =	simm.s32 $0x0;
	s4 =	simm.s32 $0x2000  }
0x43a: {  	[hbm4b:s3+s0] =	stream.linear.scatter [tilespmem:s4], [sflag:$0x10], $0x2000, $0x38;
	[tilespmem:$0x1C000] =	vst v63  }
0x43b: {  	s25 =	sand.u32 $0x380, s0;
	s23 =	sand.u32 $0x1C00, s0;
	_ =	swait.ge [sflag:s19], $0x2000  }
0x43c: {  	s0 =	sand.u32 $0x40, s0;
	s3 =	sor.u32 s25, s23;
	[sflag:s19] =	ssyncset.done $0x0  }
0x43d: {  	s9 =	sor.u32 s0, s3;
	[sflag:s19] =	ssyncadd.s32 $0xFFFFE000  }
0x43e: {  	v2 =	vld [tilespmem:s9+$0x4030]  }
0x43f: {  	v3 =	vld [tilespmem:s9+$0x4020]  }
0x440: {  	s28 =	simm.s32 $0x8;
	s25 =	simm.s32 $0x200  }
0x441: {  	s30 =	simm.s32 $0x40;
	s5 =	sand.u32 $0x380, s28;
	s4 =	sand.u32 $0x1C00, s25;
	v0 =	vld [tilespmem:s9+$0x4010]  }
0x442: {  	s23 =	sand.u32 $0x40, s30;
	s0 =	sor.u32 s5, s4;
	v1 =	vld [tilespmem:s9+$0x4000]  }
0x443: {  	s23 =	sor.u32 s23, s0  }
0x444: {  	s0 =	simm.s32 $0x4;
	v4 =	vmul.f32 $3.125000000e-02, v2;
	v2 =	vld [tilespmem:s23+$0x4030];
	v3 =	vmul.f32 $3.125000000e-02, v3  }
.LBB2_62:
0x445: {  	s0 =	sadd.s32 $0x4, s0  }
0x446: {  	v5 =	vld [tilespmem:s23+$0x4020];
	v6 =	vmul.f32 $3.125000000e-02, v0;
	[tilespmem:s9+$0x4030] =	vst v4;
	p0 =	slt.u32 s0, $0x1FC  }
.Ltmp30:
0x447: {  	s25 =	sadd.s32 $0x200, s25;
	s28 =	sadd.s32 $0x8, s28;
	v0 =	vld [tilespmem:s23+$0x4010];
	v4 =	vmul.f32 $3.125000000e-02, v1;
	[tilespmem:s9+$0x4020] =	vst v3;
	(pc) =	sbr.rel @p0 .LBB2_62-.Ltmp30, $4  }
0x448: {  	s30 =	sadd.s32 $0x40, s30;
	s3 =	sand.u32 $0x1C00, s25;
	s4 =	sand.u32 $0x380, s28;
	v1 =	vld [tilespmem:s23+$0x4000];
	[tilespmem:s9+$0x4010] =	vst v6  }
0x449: {  	s5 =	sand.u32 $0x40, s30;
	s3 =	sor.u32 s4, s3;
	[tilespmem:s9+$0x4000] =	vst v4  }
0x44a: {  	s9 =	smov.u32 s23;
	s23 =	sor.u32 s5, s3;
	v4 =	vmul.f32 $3.125000000e-02, v2  }
0x44b: {  	v2 =	vld [tilespmem:s23+$0x4030];
	v3 =	vmul.f32 $3.125000000e-02, v5  }
0x44c: {  	v5 =	vld [tilespmem:s23+$0x4020]  }
0x44d: {  	v6 =	vld [tilespmem:s23+$0x4010]  }
0x44e: {  	v0 =	vmul.f32 $3.125000000e-02, v0;
	[tilespmem:s9+$0x4030] =	vst v4;
	v4 =	vld [tilespmem:s23+$0x4000]  }
0x44f: {  	[tilespmem:s9+$0x4020] =	vst v3;
	v1 =	vmul.f32 $3.125000000e-02, v1  }
0x450: {  	[tilespmem:s9+$0x4010] =	vst v0;
	v0 =	vmul.f32 $3.125000000e-02, v2  }
0x451: {  	[tilespmem:s9+$0x4000] =	vst v1;
	v1 =	vmul.f32 $3.125000000e-02, v5  }
0x452: {  	v2 =	vmul.f32 $3.125000000e-02, v6;
	[tilespmem:s23+$0x4030] =	vst v0  }
0x453: {  	v0 =	vmul.f32 $3.125000000e-02, v4;
	[tilespmem:s23+$0x4020] =	vst v1  }
0x454: {  	[tilespmem:s23+$0x4010] =	vst v2  }
0x455: {  	[tilespmem:s23+$0x4000] =	vst v0  }
0x456: {  	s3 =	sld [smem:$0x7FB];
	_ =	sdelay $0x1  }
0x457: {  	s0 =	simm.s32 $0x0;
	s4 =	simm.s32 $0x4000  }
0x458: {  	[hbm4b:s3+s0] =	stream.linear.scatter [tilespmem:s4], [sflag:$0x11], $0x2000, $0x38;
	[tilespmem:$0x1C000] =	vst v63  }
0x459: {  	s25 =	sand.u32 $0x380, s0;
	s23 =	sand.u32 $0x1C00, s0;
	_ =	swait.ge [sflag:s21], $0x2000  }
0x45a: {  	s0 =	sand.u32 $0x40, s0;
	s3 =	sor.u32 s25, s23;
	[sflag:s21] =	ssyncset.done $0x0  }
0x45b: {  	s9 =	sor.u32 s0, s3;
	[sflag:s21] =	ssyncadd.s32 $0xFFFFE000  }
0x45c: {  	v2 =	vld [tilespmem:s9+$0x6030]  }
0x45d: {  	v3 =	vld [tilespmem:s9+$0x6020]  }
0x45e: {  	s28 =	simm.s32 $0x8;
	s25 =	simm.s32 $0x200  }
0x45f: {  	s30 =	simm.s32 $0x40;
	s5 =	sand.u32 $0x380, s28;
	s4 =	sand.u32 $0x1C00, s25;
	v0 =	vld [tilespmem:s9+$0x6010]  }
0x460: {  	s23 =	sand.u32 $0x40, s30;
	s0 =	sor.u32 s5, s4;
	v1 =	vld [tilespmem:s9+$0x6000]  }
0x461: {  	s23 =	sor.u32 s23, s0  }
0x462: {  	s0 =	simm.s32 $0x4;
	v4 =	vmul.f32 $3.125000000e-02, v2;
	v2 =	vld [tilespmem:s23+$0x6030];
	v3 =	vmul.f32 $3.125000000e-02, v3  }
.LBB2_64:
0x463: {  	s0 =	sadd.s32 $0x4, s0  }
0x464: {  	v5 =	vld [tilespmem:s23+$0x6020];
	v6 =	vmul.f32 $3.125000000e-02, v0;
	[tilespmem:s9+$0x6030] =	vst v4;
	p0 =	slt.u32 s0, $0x1FC  }
.Ltmp31:
0x465: {  	s25 =	sadd.s32 $0x200, s25;
	s28 =	sadd.s32 $0x8, s28;
	v0 =	vld [tilespmem:s23+$0x6010];
	v4 =	vmul.f32 $3.125000000e-02, v1;
	[tilespmem:s9+$0x6020] =	vst v3;
	(pc) =	sbr.rel @p0 .LBB2_64-.Ltmp31, $4  }
0x466: {  	s30 =	sadd.s32 $0x40, s30;
	s3 =	sand.u32 $0x1C00, s25;
	s4 =	sand.u32 $0x380, s28;
	v1 =	vld [tilespmem:s23+$0x6000];
	[tilespmem:s9+$0x6010] =	vst v6  }
0x467: {  	s5 =	sand.u32 $0x40, s30;
	s3 =	sor.u32 s4, s3;
	[tilespmem:s9+$0x6000] =	vst v4  }
0x468: {  	s9 =	smov.u32 s23;
	s23 =	sor.u32 s5, s3;
	v4 =	vmul.f32 $3.125000000e-02, v2  }
0x469: {  	v2 =	vld [tilespmem:s23+$0x6030];
	v3 =	vmul.f32 $3.125000000e-02, v5  }
0x46a: {  	v5 =	vld [tilespmem:s23+$0x6020]  }
0x46b: {  	v6 =	vld [tilespmem:s23+$0x6010]  }
0x46c: {  	v0 =	vmul.f32 $3.125000000e-02, v0;
	[tilespmem:s9+$0x6030] =	vst v4;
	v59 =	vld [tilespmem:s23+$0x6000]  }
0x46d: {  	[tilespmem:s9+$0x6020] =	vst v3;
	v1 =	vmul.f32 $3.125000000e-02, v1  }
0x46e: {  	[tilespmem:s9+$0x6010] =	vst v0;
	v60 =	vmul.f32 $3.125000000e-02, v2  }
0x46f: {  	[tilespmem:s9+$0x6000] =	vst v1;
	v61 =	vmul.f32 $3.125000000e-02, v5  }
0x470: {  	v62 =	vmul.f32 $3.125000000e-02, v6;
	[tilespmem:s23+$0x6030] =	vst v60  }
0x471: {  	v63 =	vmul.f32 $3.125000000e-02, v59;
	[tilespmem:s23+$0x6020] =	vst v61  }
0x472: {  	[tilespmem:s23+$0x6010] =	vst v62  }
0x473: {  	[tilespmem:s23+$0x6000] =	vst v63  }
0x474: {  	s0 =	sld [smem:$0x7FC];
	_ =	sdelay $0x1  }
0x475: {  	s4 =	simm.s32 $0x6000  }
0x476: {  	[hbm4b:s0+s1] =	stream.linear.scatter [tilespmem:s4], [sflag:$0x12], $0x2000, $0x38;
	[tilespmem:$0x1C000] =	vst v63  }
0x477: {  	_ =	swait.ge [sflag:s26], $0x2000  }
0x478: {  	[sflag:s26] =	ssyncset.done $0x0  }
0x479: {  	[sflag:s26] =	ssyncadd.s32 $0xFFFFE000  }
0x47a: {  	_ =	swait.ge [sflag:s29], $0x2000  }
0x47b: {  	[sflag:s29] =	ssyncset.done $0x0  }
0x47c: {  	[sflag:s29] =	ssyncadd.s32 $0xFFFFE000  }
0x47d: {  	_ =	swait.ge [sflag:s31], $0x2000  }
0x47e: {  	[sflag:s31] =	ssyncset.done $0x0  }
0x47f: {  	[sflag:s31] =	ssyncadd.s32 $0xFFFFE000  }
0x480: {  	_ =	swait.ge [sflag:s2], $0x2000  }
0x481: {  	[sflag:s2] =	ssyncset.done $0x0  }
0x482: {  	s25 =	simm.s32 $0x13;
	[sflag:s2] =	ssyncadd.s32 $0xFFFFE000  }
0x483: {  	_ =	swait.ge [sflag:s25], $0x2000  }
0x484: {  	[sflag:s25] =	ssyncset.done $0x0  }
0x485: {  	s28 =	simm.s32 $0x14;
	[sflag:s25] =	ssyncadd.s32 $0xFFFFE000  }
0x486: {  	_ =	swait.ge [sflag:s28], $0x2000  }
0x487: {  	[sflag:s28] =	ssyncset.done $0x0  }
0x488: {  	[sflag:s28] =	ssyncadd.s32 $0xFFFFE000  }
0x489: {  	_ =	swait.ge [sflag:s11], $0x2000  }
0x48a: {  	[sflag:s11] =	ssyncset.done $0x0  }
0x48b: {  	[sflag:s11] =	ssyncadd.s32 $0xFFFFE000  }
0x48c: {  	_ =	swait.ge [sflag:s13], $0x2000  }
0x48d: {  	[sflag:s13] =	ssyncset.done $0x0  }
0x48e: {  	[sflag:s13] =	ssyncadd.s32 $0xFFFFE000  }
0x48f: {  	_ =	swait.ge [sflag:s16], $0x2000  }
0x490: {  	[sflag:s16] =	ssyncset.done $0x0  }
0x491: {  	[sflag:s16] =	ssyncadd.s32 $0xFFFFE000  }
0x492: {  	_ =	swait.ge [sflag:s18], $0x2000  }
0x493: {  	[sflag:s18] =	ssyncset.done $0x0  }
0x494: {  	[sflag:s18] =	ssyncadd.s32 $0xFFFFE000  }
0x495: {  	_ =	swait.ge [sflag:s20], $0x2000  }
0x496: {  	[sflag:s20] =	ssyncset.done $0x0  }
0x497: {  	[sflag:s20] =	ssyncadd.s32 $0xFFFFE000  }
0x498: {  	_ =	swait.ge [sflag:s22], $0x2000  }
0x499: {  	[sflag:s22] =	ssyncset.done $0x0  }
0x49a: {  	[sflag:s22] =	ssyncadd.s32 $0xFFFFE000  }
0x49b: {  	_ =	swait.ge [sflag:s24], $0x2000  }
0x49c: {  	[sflag:s24] =	ssyncset.done $0x0  }
0x49d: {  	[sflag:s24] =	ssyncadd.s32 $0xFFFFE000  }
0x49e: {  	_ =	swait.ge [sflag:s7], $0x2000  }
0x49f: {  	s30 =	sld [smem:$0x7FD];
	_ =	sdelay $0x1  }
0x4a0: {  	s8 =	sadd.s32 $0x1, s8  }
0x4a1: {  	p0 =	sne.s32 s8, s30  }
.Ltmp32:
0x4a2: {  	_ = 	snop;
	(pc) =	sbr.rel @p0 .LBB2_1-.Ltmp32, $3  }
0x4a3: {  	_ =	sdelay $0x1  }
0x4a4: {  	[sflag:s7] =	ssyncset.done $0x0  }
0x4a5: {  	[sflag:s7] =	ssyncadd.s32 $0xFFFFE000  }
0x4a6: {  	_ =	sfence.sel $0x180000  }
0x4a7: {  	[bflag:$0x0] =	sbarrier.arrive $0xFFFF  }
0x4a8: {  	_ =	strace $0x90000047  }
0x4a9: {  	s0 =	stileid.u32;
	[bflag:$0x2] =	sbarrier.arrive $0xFFFF  }
0x4aa: {  	p0 =	sne.s32 s0, $0x0;
	s0 =	rddreg [dreg:$0x2]  }
0x4ab: {  	s0 =	sadd.s32 @!p0 $0x100000, s0  }
0x4ac: {  	[sflag:s0] =	ssyncadd.tile.s32 @!p0 $0x1;
	_ =	shalt  }
.Lfunc_end2:
_tile_overlayer_lowered:
.L_overlay_start_2:
0x4ad: {  	(tag) =	ssettag $0x2  }
0x4ae: {  	s0 =	rddreg [dreg:$0x0];
	s2 =	stileid.u32  }
0x4af: {  	s1 =	rddreg [dreg:$0x1];
	p0 =	sne.s32 s2, $0x0  }
0x4b0: {  	s3 =	rddreg [dreg:$0x2];
	[bflag:$0x3] =	sbarrier.arrive $0xFFFF;
	s2 =	simm.s32 @!p0 $0x1C1D  }
0x4b1: {  	[timem:s3], [sflag:s2] =	dma.local @!p0 [hbm:s0], s1  }
0x4b2: {  	s0 =	simm.s32 @!p0 $0x1D  }
0x4b3: {  	_ =	swait.ge @!p0 [sflag:s0], s1  }
0x4b4: {  	s1 =	ssub.s32 @!p0 $0x0, s1;
	[sflag:s0] =	ssyncset.done @!p0 $0x0  }
0x4b5: {  	[sflag:s0] =	ssyncadd.s32 @!p0 s1  }
0x4b6: {  	[bflag:$0x3] =	sbarrier.arrive $0xFFFF  }
0x4b7: {  	_ =	shalt  }

</sc_bundles>
